<compile_context>
chip_gen: v7x
topology: tpu7x:2x2x1
jax: 0.10.2.dev20260603
libtpu: 0.0.44.dev20260713+nightly
codegen_flags: <defaults>
</compile_context>

<pallas_src>
import functools

import jax
import jax.numpy as jnp
from jax import lax
from jax.experimental import pallas as pl
from jax.experimental.pallas import tpu as pltpu
from jax.experimental.pallas import tpu_sc as plsc

N_ROWS = 100000
N_COLS = 200

CR = 160
NCH = 125
SC_ROWS = CR * NCH
NW = 32
FULL_T = NCH // NW
REM = NCH - FULL_T * NW

TC_ROWS = N_ROWS - SC_ROWS
TC_CHUNK = 2000
TC_NCH = TC_ROWS // TC_CHUNK
TC_SLOTS = 4


def _sc_body(logits_hbm, value_hbm, s_hbm, g_hbm,
             lbuf0, lbuf1, vbuf0, vbuf1, sbuf0, sbuf1, gbuf0, gbuf1,
             lsem0, lsem1, vsem0, vsem1, osem0, osem1):
    wid = lax.axis_index("s") * 2 + lax.axis_index("c")
    lbufs, vbufs = (lbuf0, lbuf1), (vbuf0, vbuf1)
    sbufs, gbufs = (sbuf0, sbuf1), (gbuf0, gbuf1)
    lsems, vsems, osems = (lsem0, lsem1), (vsem0, vsem1), (osem0, osem1)

    def chunk_id(t):
        return wid + t * NW

    def start_in(t, slot):
        j = chunk_id(t)
        pltpu.make_async_copy(
            logits_hbm.at[pl.ds(j * CR, CR), :], lbufs[slot], lsems[slot]
        ).start()
        pltpu.make_async_copy(
            value_hbm.at[pl.ds(j * CR, CR)], vbufs[slot], vsems[slot]
        ).start()

    def wait_in(slot):
        pltpu.make_async_copy(
            logits_hbm.at[pl.ds(0, CR), :], lbufs[slot], lsems[slot]
        ).wait()
        pltpu.make_async_copy(
            value_hbm.at[pl.ds(0, CR)], vbufs[slot], vsems[slot]
        ).wait()

    def start_out(t, slot):
        j = chunk_id(t)
        pltpu.make_async_copy(
            sbufs[slot], s_hbm.at[pl.ds(j * CR, CR)], osems[slot]
        ).start()
        pltpu.make_async_copy(
            gbufs[slot], g_hbm.at[pl.ds(j * CR, CR)], osems[slot]
        ).start()

    def wait_out(slot):
        pltpu.make_async_copy(
            sbufs[slot], s_hbm.at[pl.ds(0, CR)], osems[slot]
        ).wait()
        pltpu.make_async_copy(
            gbufs[slot], g_hbm.at[pl.ds(0, CR)], osems[slot]
        ).wait()

    iota16 = lax.broadcasted_iota(jnp.int32, (16,), 0)
    ones16 = jnp.ones((16,), jnp.int32)
    zero16 = jnp.zeros((16,), jnp.float32)

    def process(slot):
        lbuf, vbuf = lbufs[slot], vbufs[slot]
        sbuf, gbuf = sbufs[slot], gbufs[slot]

        def group_body(go, _):
            rows16 = iota16 + go * 16

            def col_body(cb, accs):
                a0, a1, a2, a3 = accs
                c0 = ones16 * (cb * 4)
                a0 = a0 + jnp.exp(plsc.load_gather(lbuf, [rows16, c0]))
                a1 = a1 + jnp.exp(plsc.load_gather(lbuf, [rows16, c0 + 1]))
                a2 = a2 + jnp.exp(plsc.load_gather(lbuf, [rows16, c0 + 2]))
                a3 = a3 + jnp.exp(plsc.load_gather(lbuf, [rows16, c0 + 3]))
                return (a0, a1, a2, a3)

            a0, a1, a2, a3 = lax.fori_loop(
                0, N_COLS // 4, col_body, (zero16, zero16, zero16, zero16)
            )
            v16 = vbuf[pl.ds(go * 16, 16)]
            gx = plsc.load_gather(lbuf, [rows16, v16])
            sbuf[pl.ds(go * 16, 16)] = (a0 + a1) + (a2 + a3)
            gbuf[pl.ds(go * 16, 16)] = gx
            return 0

        lax.fori_loop(0, CR // 16, group_body, 0)

    has_extra = wid < REM

    start_in(0, 0)
    start_in(1, 1)

    def pair_body(tp, _):
        for k in range(2):
            t = tp * 2 + k
            slot = k

            @pl.when(t < FULL_T)
            def _():
                wait_in(slot)

                @pl.when(tp >= 1)
                def _():
                    wait_out(slot)

                process(slot)
                start_out(t, slot)
                nxt = t + 2

                @pl.when(jnp.logical_or(nxt < FULL_T,
                                        jnp.logical_and(nxt == FULL_T,
                                                        has_extra)))
                def _():
                    start_in(nxt, slot)
        return 0

    lax.fori_loop(0, (FULL_T + 1) // 2, pair_body, 0)

    ex_slot = FULL_T % 2

    @pl.when(has_extra)
    def _():
        wait_in(ex_slot)
        wait_out(ex_slot)
        process(ex_slot)
        start_out(FULL_T, ex_slot)

    wait_out(0)
    wait_out(1)


def _sc_call(logits, value_i32):
    mesh = plsc.VectorSubcoreMesh(core_axis_name="c", subcore_axis_name="s")
    kern = functools.partial(
        pl.kernel,
        out_type=[
            jax.ShapeDtypeStruct((SC_ROWS,), jnp.float32),
            jax.ShapeDtypeStruct((SC_ROWS,), jnp.float32),
        ],
        mesh=mesh,
        compiler_params=pltpu.CompilerParams(needs_layout_passes=False,
                                             use_tc_tiling_on_sc=True),
        scratch_types=[
            pltpu.VMEM((CR, N_COLS), jnp.float32),
            pltpu.VMEM((CR, N_COLS), jnp.float32),
            pltpu.VMEM((CR,), jnp.int32),
            pltpu.VMEM((CR,), jnp.int32),
            pltpu.VMEM((CR,), jnp.float32),
            pltpu.VMEM((CR,), jnp.float32),
            pltpu.VMEM((CR,), jnp.float32),
            pltpu.VMEM((CR,), jnp.float32),
            pltpu.SemaphoreType.DMA,
            pltpu.SemaphoreType.DMA,
            pltpu.SemaphoreType.DMA,
            pltpu.SemaphoreType.DMA,
            pltpu.SemaphoreType.DMA,
            pltpu.SemaphoreType.DMA,
        ],
    )(_sc_body)
    return kern(logits, value_i32)


def _tc_body(value_ref, logits_hbm, out_ref, *scratch):
    bufs = scratch[:TC_SLOTS]
    sems = scratch[TC_SLOTS:]

    def start(c, slot):
        pltpu.make_async_copy(
            logits_hbm.at[pl.ds(SC_ROWS + c * TC_CHUNK, TC_CHUNK), :],
            bufs[slot], sems[slot]).start()

    def wait(slot):
        pltpu.make_async_copy(
            logits_hbm.at[pl.ds(0, TC_CHUNK), :],
            bufs[slot], sems[slot]).wait()

    for k in range(TC_SLOTS):
        start(k, k)

    for c in range(TC_NCH):
        slot = c % TC_SLOTS
        wait(slot)
        x = bufs[slot][...]
        s = jnp.sum(jnp.exp(x), axis=1, keepdims=True)
        log_z = jnp.log(s)
        v_lane = value_ref[0:1, pl.ds(SC_ROWS + c * TC_CHUNK, TC_CHUNK)]
        v = jnp.transpose(v_lane)
        col = jax.lax.broadcasted_iota(jnp.int32, (TC_CHUNK, N_COLS), 1)
        gathered = jnp.sum(jnp.where(col == v, x, 0.0), axis=1, keepdims=True)
        res = gathered - log_z
        out_ref[0:1, pl.ds(c * TC_CHUNK, TC_CHUNK)] = jnp.transpose(res)
        nxt = c + TC_SLOTS
        if nxt < TC_NCH:
            start(nxt, slot)


def _finish_kernel(s_ref, g_ref, o_ref):
    o_ref[...] = g_ref[...] - jnp.log(s_ref[...])


def kernel(value, logits):
    value_i32 = value.astype(jnp.int32)
    value_row = value_i32.reshape(1, N_ROWS)

    out_tc = pl.pallas_call(
        _tc_body,
        in_specs=[
            pl.BlockSpec(memory_space=pltpu.MemorySpace.VMEM),
            pl.BlockSpec(memory_space=pl.ANY),
        ],
        out_specs=pl.BlockSpec(memory_space=pltpu.MemorySpace.VMEM),
        out_shape=jax.ShapeDtypeStruct((1, TC_ROWS), jnp.float32),
        scratch_shapes=(
            [pltpu.VMEM((TC_CHUNK, N_COLS), jnp.float32)
             for _ in range(TC_SLOTS)]
            + [pltpu.SemaphoreType.DMA for _ in range(TC_SLOTS)]
        ),
    )(value_row, logits)

    s, g = _sc_call(logits, value_i32[:SC_ROWS])

    out_sc = pl.pallas_call(
        _finish_kernel,
        in_specs=[
            pl.BlockSpec(memory_space=pltpu.MemorySpace.VMEM),
            pl.BlockSpec(memory_space=pltpu.MemorySpace.VMEM),
        ],
        out_specs=pl.BlockSpec(memory_space=pltpu.MemorySpace.VMEM),
        out_shape=jax.ShapeDtypeStruct((SC_ROWS,), jnp.float32),
    )(s, g)

    return jnp.concatenate([out_sc, out_tc.reshape(TC_ROWS)])

# --- scband reference (transcript-rebuilt; emitter-appended) ---
"""Pipeline reference for scband-duration-distribution-3075196584549 (READ-ONLY COPY).

The authoritative reference and input builder live on the scoring server;
editing this copy changes nothing except your own understanding.
"""

import jax, jax.numpy as jnp
import numpy as np

N_STATES = 100000
MAX_DURATION = 200

def setup_inputs(seed: int = 0) -> dict:
    key = jax.random.key(seed)
    k1, k2 = jax.random.split(key)
    # Learned parameter: duration logits table (n_states, max_duration)
    logits = jax.random.normal(k1, (N_STATES, MAX_DURATION), dtype=jnp.float32)
    # Forward arg: one duration value per state row (Categorical batch shape = (n_states,))
    value = jax.random.randint(k2, (N_STATES,), 0, MAX_DURATION)
    return {"value": value, "logits": logits}

def reference(value, logits):
    # Faithful port of Categorical(logits=self._logits).log_prob(value):
    # log_prob(v) = logits[i, v_i] - logsumexp(logits[i, :])
    log_z = jax.scipy.special.logsumexp(logits, axis=-1)
    gathered = jnp.take_along_axis(logits, value[:, None], axis=-1)[:, 0]
    return gathered - log_z

if __name__ == "__main__":
    import jax
    _d = setup_inputs()
    print(jax.jit(kernel)(*tuple(_d.values())))

</pallas_src>

<mosaic_0001>
#map = affine_map<(d0, d1) -> (0, 0)>
#map1 = affine_map<(d0, d1) -> (0)>
module attributes {stable_mosaic.version = 14 : i64} {
  func.func @_sc_body(%arg0: i32, %arg1: i32, %arg2: memref<100000x200xf32, #tpu.memory_space<hbm>>, %arg3: memref<20000xi32, #tpu.memory_space<hbm>>, %arg4: memref<20000xf32, #tpu.memory_space<hbm>>, %arg5: memref<20000xf32, #tpu.memory_space<hbm>>, %arg6: memref<160x200xf32, #tpu.memory_space<vmem>>, %arg7: memref<160x200xf32, #tpu.memory_space<vmem>>, %arg8: memref<160xi32, #tpu.memory_space<vmem>>, %arg9: memref<160xi32, #tpu.memory_space<vmem>>, %arg10: memref<160xf32, #tpu.memory_space<vmem>>, %arg11: memref<160xf32, #tpu.memory_space<vmem>>, %arg12: memref<160xf32, #tpu.memory_space<vmem>>, %arg13: memref<160xf32, #tpu.memory_space<vmem>>, %arg14: memref<!tpu.dma_semaphore, #tpu.memory_space<semaphore_mem>>, %arg15: memref<!tpu.dma_semaphore, #tpu.memory_space<semaphore_mem>>, %arg16: memref<!tpu.dma_semaphore, #tpu.memory_space<semaphore_mem>>, %arg17: memref<!tpu.dma_semaphore, #tpu.memory_space<semaphore_mem>>, %arg18: memref<!tpu.dma_semaphore, #tpu.memory_space<semaphore_mem>>, %arg19: memref<!tpu.dma_semaphore, #tpu.memory_space<semaphore_mem>>) attributes {dimension_semantics = [#tpu.dimension_semantics<core_parallel>, #tpu.dimension_semantics<subcore_parallel>], iteration_bounds = array<i64: 2, 16>, scalar_prefetch = 0 : i64, scratch_operands = 14 : i64, tpu.core_type = #tpu.core_type<sc_vector_subcore>, window_params = [{transform_indices = #map}, {transform_indices = #map1}, {transform_indices = #map1}, {transform_indices = #map1}]} {
    %mul3A = arith.constant 2 : i32
    %mul3A_0 = arith.muli %arg1, %mul3A : i32
    %add3A = arith.addi %mul3A_0, %arg0 : i32
    %iota3A = tpu.iota {dimensions = array<i32: 0>} : vector<16xi32>
    %broadcast_in_dim3A = arith.constant 1 : i32
    %broadcast_in_dim3A_1 = vector.broadcast %broadcast_in_dim3A : i32 to vector<16xi32>
    %broadcast_in_dim3A_2 = arith.constant 0.000000e+00 : f32
    %broadcast_in_dim3A_3 = vector.broadcast %broadcast_in_dim3A_2 : f32 to vector<16xf32>
    %lt3A = arith.constant 29 : i32
    %lt3A_4 = arith.cmpi slt, %add3A, %lt3A : i32
    %add3A_5 = arith.constant 0 : i32
    %add3A_6 = arith.addi %add3A, %add3A_5 : i32
    %mul3A_7 = arith.constant 160 : i32
    %mul3A_8 = arith.muli %add3A_6, %mul3A_7 : i32
    %dma_start3A = arith.constant 0 : i32
    %dma_start3A_9 = tpu.memref_slice %arg2[%mul3A_8, %dma_start3A] : memref<100000x200xf32, #tpu.memory_space<hbm>> -> memref<160x200xf32, #tpu.memory_space<hbm>>
    %dma_start3A_10 = arith.constant 0 : i32
    %dma_start3A_11 = tpu.memref_slice %arg2[%mul3A_8, %dma_start3A_10] : memref<100000x200xf32, #tpu.memory_space<hbm>> -> memref<160x200xf32, #tpu.memory_space<hbm>>
    tpu.enqueue_dma source(%dma_start3A_11 : memref<160x200xf32, #tpu.memory_space<hbm>>) target(%arg6 : memref<160x200xf32, #tpu.memory_space<vmem>>) target_semaphore(%arg14 : memref<!tpu.dma_semaphore, #tpu.memory_space<semaphore_mem>>)
    %mul3A_12 = arith.constant 160 : i32
    %mul3A_13 = arith.muli %add3A_6, %mul3A_12 : i32
    %dma_start3A_14 = tpu.memref_slice %arg3[%mul3A_13] : memref<20000xi32, #tpu.memory_space<hbm>> -> memref<160xi32, #tpu.memory_space<hbm>>
    %dma_start3A_15 = tpu.memref_slice %arg3[%mul3A_13] : memref<20000xi32, #tpu.memory_space<hbm>> -> memref<160xi32, #tpu.memory_space<hbm>>
    tpu.enqueue_dma source(%dma_start3A_15 : memref<160xi32, #tpu.memory_space<hbm>>) target(%arg8 : memref<160xi32, #tpu.memory_space<vmem>>) target_semaphore(%arg16 : memref<!tpu.dma_semaphore, #tpu.memory_space<semaphore_mem>>)
    %add3A_16 = arith.constant 32 : i32
    %add3A_17 = arith.addi %add3A, %add3A_16 : i32
    %mul3A_18 = arith.constant 160 : i32
    %mul3A_19 = arith.muli %add3A_17, %mul3A_18 : i32
    %dma_start3A_20 = arith.constant 0 : i32
    %dma_start3A_21 = tpu.memref_slice %arg2[%mul3A_19, %dma_start3A_20] : memref<100000x200xf32, #tpu.memory_space<hbm>> -> memref<160x200xf32, #tpu.memory_space<hbm>>
    %dma_start3A_22 = arith.constant 0 : i32
    %dma_start3A_23 = tpu.memref_slice %arg2[%mul3A_19, %dma_start3A_22] : memref<100000x200xf32, #tpu.memory_space<hbm>> -> memref<160x200xf32, #tpu.memory_space<hbm>>
    tpu.enqueue_dma source(%dma_start3A_23 : memref<160x200xf32, #tpu.memory_space<hbm>>) target(%arg7 : memref<160x200xf32, #tpu.memory_space<vmem>>) target_semaphore(%arg15 : memref<!tpu.dma_semaphore, #tpu.memory_space<semaphore_mem>>)
    %mul3A_24 = arith.constant 160 : i32
    %mul3A_25 = arith.muli %add3A_17, %mul3A_24 : i32
    %dma_start3A_26 = tpu.memref_slice %arg3[%mul3A_25] : memref<20000xi32, #tpu.memory_space<hbm>> -> memref<160xi32, #tpu.memory_space<hbm>>
    %dma_start3A_27 = tpu.memref_slice %arg3[%mul3A_25] : memref<20000xi32, #tpu.memory_space<hbm>> -> memref<160xi32, #tpu.memory_space<hbm>>
    tpu.enqueue_dma source(%dma_start3A_27 : memref<160xi32, #tpu.memory_space<hbm>>) target(%arg9 : memref<160xi32, #tpu.memory_space<vmem>>) target_semaphore(%arg17 : memref<!tpu.dma_semaphore, #tpu.memory_space<semaphore_mem>>)
    %scan3A = arith.constant 0 : i32
    %scan3A_28 = arith.constant 0 : i32
    %scan3A_29 = arith.constant 2 : i32
    %scan3A_30 = arith.addi %scan3A_28, %scan3A_29 : i32
    %scan3A_31 = arith.constant 1 : i32
    %scan3A_32 = scf.for %scan3A_50 = %scan3A_28 to %scan3A_30 step %scan3A_31 iter_args(%scan3A_51 = %scan3A) -> (i32)  : i32 {
      %mul3A_52 = arith.constant 2 : i32
      %mul3A_53 = arith.muli %scan3A_50, %mul3A_52 : i32
      %add3A_54 = arith.constant 0 : i32
      %add3A_55 = arith.addi %mul3A_53, %add3A_54 : i32
      %lt3A_56 = arith.constant 3 : i32
      %lt3A_57 = arith.cmpi slt, %add3A_55, %lt3A_56 : i32
      %convert_element_type3A_58 = arith.extui %lt3A_57 : i1 to i32
      %cond3A_59 = arith.constant 0 : i32
      %cond3A_60 = arith.cmpi ne, %convert_element_type3A_58, %cond3A_59 : i32
      scf.if %cond3A_60 {
        %dma_wait3A_71 = arith.constant 0 : i32
        %dma_wait3A_72 = arith.constant 0 : i32
        %dma_wait3A_73 = tpu.memref_slice %arg2[%dma_wait3A_71, %dma_wait3A_72] : memref<100000x200xf32, #tpu.memory_space<hbm>> -> memref<160x200xf32, #tpu.memory_space<hbm>>
        %dma_wait3A_74 = arith.constant 0 : i32
        %dma_wait3A_75 = arith.constant 0 : i32
        %dma_wait3A_76 = tpu.memref_slice %arg2[%dma_wait3A_74, %dma_wait3A_75] : memref<100000x200xf32, #tpu.memory_space<hbm>> -> memref<160x200xf32, #tpu.memory_space<hbm>>
        tpu.wait_dma2 semaphore(%arg14 : memref<!tpu.dma_semaphore, #tpu.memory_space<semaphore_mem>>) src(%dma_wait3A_76 : memref<160x200xf32, #tpu.memory_space<hbm>>) dst(%arg6 : memref<160x200xf32, #tpu.memory_space<vmem>>)
        %dma_wait3A_77 = arith.constant 0 : i32
        %dma_wait3A_78 = tpu.memref_slice %arg3[%dma_wait3A_77] : memref<20000xi32, #tpu.memory_space<hbm>> -> memref<160xi32, #tpu.memory_space<hbm>>
        %dma_wait3A_79 = arith.constant 0 : i32
        %dma_wait3A_80 = tpu.memref_slice %arg3[%dma_wait3A_79] : memref<20000xi32, #tpu.memory_space<hbm>> -> memref<160xi32, #tpu.memory_space<hbm>>
        tpu.wait_dma2 semaphore(%arg16 : memref<!tpu.dma_semaphore, #tpu.memory_space<semaphore_mem>>) src(%dma_wait3A_80 : memref<160xi32, #tpu.memory_space<hbm>>) dst(%arg8 : memref<160xi32, #tpu.memory_space<vmem>>)
        %ge3A = arith.constant 1 : i32
        %ge3A_81 = arith.cmpi sge, %scan3A_50, %ge3A : i32
        %convert_element_type3A_82 = arith.extui %ge3A_81 : i1 to i32
        %cond3A_83 = arith.constant 0 : i32
        %cond3A_84 = arith.cmpi ne, %convert_element_type3A_82, %cond3A_83 : i32
        scf.if %cond3A_84 {
          %dma_wait3A_111 = arith.constant 0 : i32
          %dma_wait3A_112 = tpu.memref_slice %arg4[%dma_wait3A_111] : memref<20000xf32, #tpu.memory_space<hbm>> -> memref<160xf32, #tpu.memory_space<hbm>>
          %dma_wait3A_113 = arith.constant 0 : i32
          %dma_wait3A_114 = tpu.memref_slice %arg4[%dma_wait3A_113] : memref<20000xf32, #tpu.memory_space<hbm>> -> memref<160xf32, #tpu.memory_space<hbm>>
          tpu.wait_dma2 semaphore(%arg18 : memref<!tpu.dma_semaphore, #tpu.memory_space<semaphore_mem>>) src(%arg10 : memref<160xf32, #tpu.memory_space<vmem>>) dst(%dma_wait3A_114 : memref<160xf32, #tpu.memory_space<hbm>>)
          %dma_wait3A_115 = arith.constant 0 : i32
          %dma_wait3A_116 = tpu.memref_slice %arg5[%dma_wait3A_115] : memref<20000xf32, #tpu.memory_space<hbm>> -> memref<160xf32, #tpu.memory_space<hbm>>
          %dma_wait3A_117 = arith.constant 0 : i32
          %dma_wait3A_118 = tpu.memref_slice %arg5[%dma_wait3A_117] : memref<20000xf32, #tpu.memory_space<hbm>> -> memref<160xf32, #tpu.memory_space<hbm>>
          tpu.wait_dma2 semaphore(%arg18 : memref<!tpu.dma_semaphore, #tpu.memory_space<semaphore_mem>>) src(%arg12 : memref<160xf32, #tpu.memory_space<vmem>>) dst(%dma_wait3A_118 : memref<160xf32, #tpu.memory_space<hbm>>)
        } else {
        }
        %scan3A_85 = arith.constant 0 : i32
        %scan3A_86 = arith.constant 0 : i32
        %scan3A_87 = arith.constant 10 : i32
        %scan3A_88 = arith.addi %scan3A_86, %scan3A_87 : i32
        %scan3A_89 = arith.constant 1 : i32
        %scan3A_90 = scf.for %scan3A_111 = %scan3A_86 to %scan3A_88 step %scan3A_89 iter_args(%scan3A_112 = %scan3A_85) -> (i32)  : i32 {
          %mul3A_113 = arith.constant 16 : i32
          %mul3A_114 = arith.muli %scan3A_111, %mul3A_113 : i32
          %add3A_115 = vector.broadcast %mul3A_114 : i32 to vector<16xi32>
          %add3A_116 = arith.addi %iota3A, %add3A_115 : vector<16xi32>
          %scan3A_117 = arith.constant 0 : i32
          %scan3A_118 = arith.constant 50 : i32
          %scan3A_119 = arith.addi %scan3A_117, %scan3A_118 : i32
          %scan3A_120 = arith.constant 1 : i32
          %scan3A_121:4 = scf.for %scan3A_137 = %scan3A_117 to %scan3A_119 step %scan3A_120 iter_args(%scan3A_138 = %broadcast_in_dim3A_3, %scan3A_139 = %broadcast_in_dim3A_3, %scan3A_140 = %broadcast_in_dim3A_3, %scan3A_141 = %broadcast_in_dim3A_3) -> (vector<16xf32>, vector<16xf32>, vector<16xf32>, vector<16xf32>)  : i32 {
            %mul3A_142 = arith.constant 4 : i32
            %mul3A_143 = arith.muli %scan3A_137, %mul3A_142 : i32
            %mul3A_144 = vector.broadcast %mul3A_143 : i32 to vector<16xi32>
            %mul3A_145 = arith.muli %broadcast_in_dim3A_1, %mul3A_144 : vector<16xi32>
            %gather3A_146 = tpu.vector_load_idx %arg6[%add3A_116, %mul3A_145] : memref<160x200xf32, #tpu.memory_space<vmem>>[vector<16xi32>, vector<16xi32>], vector<16xf32>,
            %exp3A = math.exp %gather3A_146 : vector<16xf32>
            %add3A_147 = arith.addf %scan3A_138, %exp3A : vector<16xf32>
            %add3A_148 = arith.constant 1 : i32
            %add3A_149 = vector.broadcast %add3A_148 : i32 to vector<16xi32>
            %add3A_150 = arith.addi %mul3A_145, %add3A_149 : vector<16xi32>
            %gather3A_151 = tpu.vector_load_idx %arg6[%add3A_116, %add3A_150] : memref<160x200xf32, #tpu.memory_space<vmem>>[vector<16xi32>, vector<16xi32>], vector<16xf32>,
            %exp3A_152 = math.exp %gather3A_151 : vector<16xf32>
            %add3A_153 = arith.addf %scan3A_139, %exp3A_152 : vector<16xf32>
            %add3A_154 = arith.constant 2 : i32
            %add3A_155 = vector.broadcast %add3A_154 : i32 to vector<16xi32>
            %add3A_156 = arith.addi %mul3A_145, %add3A_155 : vector<16xi32>
            %gather3A_157 = tpu.vector_load_idx %arg6[%add3A_116, %add3A_156] : memref<160x200xf32, #tpu.memory_space<vmem>>[vector<16xi32>, vector<16xi32>], vector<16xf32>,
            %exp3A_158 = math.exp %gather3A_157 : vector<16xf32>
            %add3A_159 = arith.addf %scan3A_140, %exp3A_158 : vector<16xf32>
            %add3A_160 = arith.constant 3 : i32
            %add3A_161 = vector.broadcast %add3A_160 : i32 to vector<16xi32>
            %add3A_162 = arith.addi %mul3A_145, %add3A_161 : vector<16xi32>
            %gather3A_163 = tpu.vector_load_idx %arg6[%add3A_116, %add3A_162] : memref<160x200xf32, #tpu.memory_space<vmem>>[vector<16xi32>, vector<16xi32>], vector<16xf32>,
            %exp3A_164 = math.exp %gather3A_163 : vector<16xf32>
            %add3A_165 = arith.addf %scan3A_141, %exp3A_164 : vector<16xf32>
            scf.yield %add3A_147, %add3A_153, %add3A_159, %add3A_165 : vector<16xf32>, vector<16xf32>, vector<16xf32>, vector<16xf32>
          }
          %scan3A_122 = arith.constant 50 : i32
          %mul3A_123 = arith.constant 16 : i32
          %mul3A_124 = arith.muli %scan3A_111, %mul3A_123 : i32
          %get3A = arith.index_cast %mul3A_124 : i32 to index
          %get3A_125 = tpu.vector_load %arg8[%get3A] {strides = array<i32>} : memref<160xi32, #tpu.memory_space<vmem>>, vector<16xi32>,
          %gather3A = tpu.vector_load_idx %arg6[%add3A_116, %get3A_125] : memref<160x200xf32, #tpu.memory_space<vmem>>[vector<16xi32>, vector<16xi32>], vector<16xf32>,
          %add3A_126 = arith.addf %scan3A_121#0, %scan3A_121#1 : vector<16xf32>
          %add3A_127 = arith.addf %scan3A_121#2, %scan3A_121#3 : vector<16xf32>
          %add3A_128 = arith.addf %add3A_126, %add3A_127 : vector<16xf32>
          %mul3A_129 = arith.constant 16 : i32
          %mul3A_130 = arith.muli %scan3A_111, %mul3A_129 : i32
          %swap3A = arith.index_cast %mul3A_130 : i32 to index
          %swap3A_131 = tpu.vector_load %arg10[%swap3A] {strides = array<i32>} : memref<160xf32, #tpu.memory_space<vmem>>, vector<16xf32>,
          tpu.vector_store %arg10[%swap3A], %add3A_128 {strides = array<i32>} : memref<160xf32, #tpu.memory_space<vmem>>, vector<16xf32>,
          %mul3A_132 = arith.constant 16 : i32
          %mul3A_133 = arith.muli %scan3A_111, %mul3A_132 : i32
          %swap3A_134 = arith.index_cast %mul3A_133 : i32 to index
          %swap3A_135 = tpu.vector_load %arg12[%swap3A_134] {strides = array<i32>} : memref<160xf32, #tpu.memory_space<vmem>>, vector<16xf32>,
          tpu.vector_store %arg12[%swap3A_134], %gather3A {strides = array<i32>} : memref<160xf32, #tpu.memory_space<vmem>>, vector<16xf32>,
          %scan3A_136 = arith.constant 0 : i32
          scf.yield %scan3A_136 : i32
        }
        %scan3A_91 = arith.constant 10 : i32
        %mul3A_92 = arith.constant 32 : i32
        %mul3A_93 = arith.muli %add3A_55, %mul3A_92 : i32
        %add3A_94 = arith.addi %add3A, %mul3A_93 : i32
        %mul3A_95 = arith.constant 160 : i32
        %mul3A_96 = arith.muli %add3A_94, %mul3A_95 : i32
        %dma_start3A_97 = tpu.memref_slice %arg4[%mul3A_96] : memref<20000xf32, #tpu.memory_space<hbm>> -> memref<160xf32, #tpu.memory_space<hbm>>
        %dma_start3A_98 = tpu.memref_slice %arg4[%mul3A_96] : memref<20000xf32, #tpu.memory_space<hbm>> -> memref<160xf32, #tpu.memory_space<hbm>>
        tpu.enqueue_dma source(%arg10 : memref<160xf32, #tpu.memory_space<vmem>>) target(%dma_start3A_98 : memref<160xf32, #tpu.memory_space<hbm>>) target_semaphore(%arg18 : memref<!tpu.dma_semaphore, #tpu.memory_space<semaphore_mem>>)
        %mul3A_99 = arith.constant 160 : i32
        %mul3A_100 = arith.muli %add3A_94, %mul3A_99 : i32
        %dma_start3A_101 = tpu.memref_slice %arg5[%mul3A_100] : memref<20000xf32, #tpu.memory_space<hbm>> -> memref<160xf32, #tpu.memory_space<hbm>>
        %dma_start3A_102 = tpu.memref_slice %arg5[%mul3A_100] : memref<20000xf32, #tpu.memory_space<hbm>> -> memref<160xf32, #tpu.memory_space<hbm>>
        tpu.enqueue_dma source(%arg12 : memref<160xf32, #tpu.memory_space<vmem>>) target(%dma_start3A_102 : memref<160xf32, #tpu.memory_space<hbm>>) target_semaphore(%arg18 : memref<!tpu.dma_semaphore, #tpu.memory_space<semaphore_mem>>)
        %add3A_103 = arith.constant 2 : i32
        %add3A_104 = arith.addi %add3A_55, %add3A_103 : i32
        %lt3A_105 = arith.constant 3 : i32
        %lt3A_106 = arith.cmpi slt, %add3A_104, %lt3A_105 : i32
        %eq3A = arith.constant 3 : i32
        %eq3A_107 = arith.cmpi eq, %add3A_104, %eq3A : i32
        %and3A = arith.andi %eq3A_107, %lt3A_4 : i1
        %or3A = arith.ori %lt3A_106, %and3A : i1
        %convert_element_type3A_108 = arith.extui %or3A : i1 to i32
        %cond3A_109 = arith.constant 0 : i32
        %cond3A_110 = arith.cmpi ne, %convert_element_type3A_108, %cond3A_109 : i32
        scf.if %cond3A_110 {
          %mul3A_111 = arith.constant 32 : i32
          %mul3A_112 = arith.muli %add3A_104, %mul3A_111 : i32
          %add3A_113 = arith.addi %add3A, %mul3A_112 : i32
          %mul3A_114 = arith.constant 160 : i32
          %mul3A_115 = arith.muli %add3A_113, %mul3A_114 : i32
          %dma_start3A_116 = arith.constant 0 : i32
          %dma_start3A_117 = tpu.memref_slice %arg2[%mul3A_115, %dma_start3A_116] : memref<100000x200xf32, #tpu.memory_space<hbm>> -> memref<160x200xf32, #tpu.memory_space<hbm>>
          %dma_start3A_118 = arith.constant 0 : i32
          %dma_start3A_119 = tpu.memref_slice %arg2[%mul3A_115, %dma_start3A_118] : memref<100000x200xf32, #tpu.memory_space<hbm>> -> memref<160x200xf32, #tpu.memory_space<hbm>>
          tpu.enqueue_dma source(%dma_start3A_119 : memref<160x200xf32, #tpu.memory_space<hbm>>) target(%arg6 : memref<160x200xf32, #tpu.memory_space<vmem>>) target_semaphore(%arg14 : memref<!tpu.dma_semaphore, #tpu.memory_space<semaphore_mem>>)
          %mul3A_120 = arith.constant 160 : i32
          %mul3A_121 = arith.muli %add3A_113, %mul3A_120 : i32
          %dma_start3A_122 = tpu.memref_slice %arg3[%mul3A_121] : memref<20000xi32, #tpu.memory_space<hbm>> -> memref<160xi32, #tpu.memory_space<hbm>>
          %dma_start3A_123 = tpu.memref_slice %arg3[%mul3A_121] : memref<20000xi32, #tpu.memory_space<hbm>> -> memref<160xi32, #tpu.memory_space<hbm>>
          tpu.enqueue_dma source(%dma_start3A_123 : memref<160xi32, #tpu.memory_space<hbm>>) target(%arg8 : memref<160xi32, #tpu.memory_space<vmem>>) target_semaphore(%arg16 : memref<!tpu.dma_semaphore, #tpu.memory_space<semaphore_mem>>)
        } else {
        }
      } else {
      }
      %mul3A_61 = arith.constant 2 : i32
      %mul3A_62 = arith.muli %scan3A_50, %mul3A_61 : i32
      %add3A_63 = arith.constant 1 : i32
      %add3A_64 = arith.addi %mul3A_62, %add3A_63 : i32
      %lt3A_65 = arith.constant 3 : i32
      %lt3A_66 = arith.cmpi slt, %add3A_64, %lt3A_65 : i32
      %convert_element_type3A_67 = arith.extui %lt3A_66 : i1 to i32
      %cond3A_68 = arith.constant 0 : i32
      %cond3A_69 = arith.cmpi ne, %convert_element_type3A_67, %cond3A_68 : i32
      scf.if %cond3A_69 {
        %dma_wait3A_71 = arith.constant 0 : i32
        %dma_wait3A_72 = arith.constant 0 : i32
        %dma_wait3A_73 = tpu.memref_slice %arg2[%dma_wait3A_71, %dma_wait3A_72] : memref<100000x200xf32, #tpu.memory_space<hbm>> -> memref<160x200xf32, #tpu.memory_space<hbm>>
        %dma_wait3A_74 = arith.constant 0 : i32
        %dma_wait3A_75 = arith.constant 0 : i32
        %dma_wait3A_76 = tpu.memref_slice %arg2[%dma_wait3A_74, %dma_wait3A_75] : memref<100000x200xf32, #tpu.memory_space<hbm>> -> memref<160x200xf32, #tpu.memory_space<hbm>>
        tpu.wait_dma2 semaphore(%arg15 : memref<!tpu.dma_semaphore, #tpu.memory_space<semaphore_mem>>) src(%dma_wait3A_76 : memref<160x200xf32, #tpu.memory_space<hbm>>) dst(%arg7 : memref<160x200xf32, #tpu.memory_space<vmem>>)
        %dma_wait3A_77 = arith.constant 0 : i32
        %dma_wait3A_78 = tpu.memref_slice %arg3[%dma_wait3A_77] : memref<20000xi32, #tpu.memory_space<hbm>> -> memref<160xi32, #tpu.memory_space<hbm>>
        %dma_wait3A_79 = arith.constant 0 : i32
        %dma_wait3A_80 = tpu.memref_slice %arg3[%dma_wait3A_79] : memref<20000xi32, #tpu.memory_space<hbm>> -> memref<160xi32, #tpu.memory_space<hbm>>
        tpu.wait_dma2 semaphore(%arg17 : memref<!tpu.dma_semaphore, #tpu.memory_space<semaphore_mem>>) src(%dma_wait3A_80 : memref<160xi32, #tpu.memory_space<hbm>>) dst(%arg9 : memref<160xi32, #tpu.memory_space<vmem>>)
        %ge3A = arith.constant 1 : i32
        %ge3A_81 = arith.cmpi sge, %scan3A_50, %ge3A : i32
        %convert_element_type3A_82 = arith.extui %ge3A_81 : i1 to i32
        %cond3A_83 = arith.constant 0 : i32
        %cond3A_84 = arith.cmpi ne, %convert_element_type3A_82, %cond3A_83 : i32
        scf.if %cond3A_84 {
          %dma_wait3A_111 = arith.constant 0 : i32
          %dma_wait3A_112 = tpu.memref_slice %arg4[%dma_wait3A_111] : memref<20000xf32, #tpu.memory_space<hbm>> -> memref<160xf32, #tpu.memory_space<hbm>>
          %dma_wait3A_113 = arith.constant 0 : i32
          %dma_wait3A_114 = tpu.memref_slice %arg4[%dma_wait3A_113] : memref<20000xf32, #tpu.memory_space<hbm>> -> memref<160xf32, #tpu.memory_space<hbm>>
          tpu.wait_dma2 semaphore(%arg19 : memref<!tpu.dma_semaphore, #tpu.memory_space<semaphore_mem>>) src(%arg11 : memref<160xf32, #tpu.memory_space<vmem>>) dst(%dma_wait3A_114 : memref<160xf32, #tpu.memory_space<hbm>>)
          %dma_wait3A_115 = arith.constant 0 : i32
          %dma_wait3A_116 = tpu.memref_slice %arg5[%dma_wait3A_115] : memref<20000xf32, #tpu.memory_space<hbm>> -> memref<160xf32, #tpu.memory_space<hbm>>
          %dma_wait3A_117 = arith.constant 0 : i32
          %dma_wait3A_118 = tpu.memref_slice %arg5[%dma_wait3A_117] : memref<20000xf32, #tpu.memory_space<hbm>> -> memref<160xf32, #tpu.memory_space<hbm>>
          tpu.wait_dma2 semaphore(%arg19 : memref<!tpu.dma_semaphore, #tpu.memory_space<semaphore_mem>>) src(%arg13 : memref<160xf32, #tpu.memory_space<vmem>>) dst(%dma_wait3A_118 : memref<160xf32, #tpu.memory_space<hbm>>)
        } else {
        }
        %scan3A_85 = arith.constant 0 : i32
        %scan3A_86 = arith.constant 0 : i32
        %scan3A_87 = arith.constant 10 : i32
        %scan3A_88 = arith.addi %scan3A_86, %scan3A_87 : i32
        %scan3A_89 = arith.constant 1 : i32
        %scan3A_90 = scf.for %scan3A_111 = %scan3A_86 to %scan3A_88 step %scan3A_89 iter_args(%scan3A_112 = %scan3A_85) -> (i32)  : i32 {
          %mul3A_113 = arith.constant 16 : i32
          %mul3A_114 = arith.muli %scan3A_111, %mul3A_113 : i32
          %add3A_115 = vector.broadcast %mul3A_114 : i32 to vector<16xi32>
          %add3A_116 = arith.addi %iota3A, %add3A_115 : vector<16xi32>
          %scan3A_117 = arith.constant 0 : i32
          %scan3A_118 = arith.constant 50 : i32
          %scan3A_119 = arith.addi %scan3A_117, %scan3A_118 : i32
          %scan3A_120 = arith.constant 1 : i32
          %scan3A_121:4 = scf.for %scan3A_137 = %scan3A_117 to %scan3A_119 step %scan3A_120 iter_args(%scan3A_138 = %broadcast_in_dim3A_3, %scan3A_139 = %broadcast_in_dim3A_3, %scan3A_140 = %broadcast_in_dim3A_3, %scan3A_141 = %broadcast_in_dim3A_3) -> (vector<16xf32>, vector<16xf32>, vector<16xf32>, vector<16xf32>)  : i32 {
            %mul3A_142 = arith.constant 4 : i32
            %mul3A_143 = arith.muli %scan3A_137, %mul3A_142 : i32
            %mul3A_144 = vector.broadcast %mul3A_143 : i32 to vector<16xi32>
            %mul3A_145 = arith.muli %broadcast_in_dim3A_1, %mul3A_144 : vector<16xi32>
            %gather3A_146 = tpu.vector_load_idx %arg7[%add3A_116, %mul3A_145] : memref<160x200xf32, #tpu.memory_space<vmem>>[vector<16xi32>, vector<16xi32>], vector<16xf32>,
            %exp3A = math.exp %gather3A_146 : vector<16xf32>
            %add3A_147 = arith.addf %scan3A_138, %exp3A : vector<16xf32>
            %add3A_148 = arith.constant 1 : i32
            %add3A_149 = vector.broadcast %add3A_148 : i32 to vector<16xi32>
            %add3A_150 = arith.addi %mul3A_145, %add3A_149 : vector<16xi32>
            %gather3A_151 = tpu.vector_load_idx %arg7[%add3A_116, %add3A_150] : memref<160x200xf32, #tpu.memory_space<vmem>>[vector<16xi32>, vector<16xi32>], vector<16xf32>,
            %exp3A_152 = math.exp %gather3A_151 : vector<16xf32>
            %add3A_153 = arith.addf %scan3A_139, %exp3A_152 : vector<16xf32>
            %add3A_154 = arith.constant 2 : i32
            %add3A_155 = vector.broadcast %add3A_154 : i32 to vector<16xi32>
            %add3A_156 = arith.addi %mul3A_145, %add3A_155 : vector<16xi32>
            %gather3A_157 = tpu.vector_load_idx %arg7[%add3A_116, %add3A_156] : memref<160x200xf32, #tpu.memory_space<vmem>>[vector<16xi32>, vector<16xi32>], vector<16xf32>,
            %exp3A_158 = math.exp %gather3A_157 : vector<16xf32>
            %add3A_159 = arith.addf %scan3A_140, %exp3A_158 : vector<16xf32>
            %add3A_160 = arith.constant 3 : i32
            %add3A_161 = vector.broadcast %add3A_160 : i32 to vector<16xi32>
            %add3A_162 = arith.addi %mul3A_145, %add3A_161 : vector<16xi32>
            %gather3A_163 = tpu.vector_load_idx %arg7[%add3A_116, %add3A_162] : memref<160x200xf32, #tpu.memory_space<vmem>>[vector<16xi32>, vector<16xi32>], vector<16xf32>,
            %exp3A_164 = math.exp %gather3A_163 : vector<16xf32>
            %add3A_165 = arith.addf %scan3A_141, %exp3A_164 : vector<16xf32>
            scf.yield %add3A_147, %add3A_153, %add3A_159, %add3A_165 : vector<16xf32>, vector<16xf32>, vector<16xf32>, vector<16xf32>
          }
          %scan3A_122 = arith.constant 50 : i32
          %mul3A_123 = arith.constant 16 : i32
          %mul3A_124 = arith.muli %scan3A_111, %mul3A_123 : i32
          %get3A = arith.index_cast %mul3A_124 : i32 to index
          %get3A_125 = tpu.vector_load %arg9[%get3A] {strides = array<i32>} : memref<160xi32, #tpu.memory_space<vmem>>, vector<16xi32>,
          %gather3A = tpu.vector_load_idx %arg7[%add3A_116, %get3A_125] : memref<160x200xf32, #tpu.memory_space<vmem>>[vector<16xi32>, vector<16xi32>], vector<16xf32>,
          %add3A_126 = arith.addf %scan3A_121#0, %scan3A_121#1 : vector<16xf32>
          %add3A_127 = arith.addf %scan3A_121#2, %scan3A_121#3 : vector<16xf32>
          %add3A_128 = arith.addf %add3A_126, %add3A_127 : vector<16xf32>
          %mul3A_129 = arith.constant 16 : i32
          %mul3A_130 = arith.muli %scan3A_111, %mul3A_129 : i32
          %swap3A = arith.index_cast %mul3A_130 : i32 to index
          %swap3A_131 = tpu.vector_load %arg11[%swap3A] {strides = array<i32>} : memref<160xf32, #tpu.memory_space<vmem>>, vector<16xf32>,
          tpu.vector_store %arg11[%swap3A], %add3A_128 {strides = array<i32>} : memref<160xf32, #tpu.memory_space<vmem>>, vector<16xf32>,
          %mul3A_132 = arith.constant 16 : i32
          %mul3A_133 = arith.muli %scan3A_111, %mul3A_132 : i32
          %swap3A_134 = arith.index_cast %mul3A_133 : i32 to index
          %swap3A_135 = tpu.vector_load %arg13[%swap3A_134] {strides = array<i32>} : memref<160xf32, #tpu.memory_space<vmem>>, vector<16xf32>,
          tpu.vector_store %arg13[%swap3A_134], %gather3A {strides = array<i32>} : memref<160xf32, #tpu.memory_space<vmem>>, vector<16xf32>,
          %scan3A_136 = arith.constant 0 : i32
          scf.yield %scan3A_136 : i32
        }
        %scan3A_91 = arith.constant 10 : i32
        %mul3A_92 = arith.constant 32 : i32
        %mul3A_93 = arith.muli %add3A_64, %mul3A_92 : i32
        %add3A_94 = arith.addi %add3A, %mul3A_93 : i32
        %mul3A_95 = arith.constant 160 : i32
        %mul3A_96 = arith.muli %add3A_94, %mul3A_95 : i32
        %dma_start3A_97 = tpu.memref_slice %arg4[%mul3A_96] : memref<20000xf32, #tpu.memory_space<hbm>> -> memref<160xf32, #tpu.memory_space<hbm>>
        %dma_start3A_98 = tpu.memref_slice %arg4[%mul3A_96] : memref<20000xf32, #tpu.memory_space<hbm>> -> memref<160xf32, #tpu.memory_space<hbm>>
        tpu.enqueue_dma source(%arg11 : memref<160xf32, #tpu.memory_space<vmem>>) target(%dma_start3A_98 : memref<160xf32, #tpu.memory_space<hbm>>) target_semaphore(%arg19 : memref<!tpu.dma_semaphore, #tpu.memory_space<semaphore_mem>>)
        %mul3A_99 = arith.constant 160 : i32
        %mul3A_100 = arith.muli %add3A_94, %mul3A_99 : i32
        %dma_start3A_101 = tpu.memref_slice %arg5[%mul3A_100] : memref<20000xf32, #tpu.memory_space<hbm>> -> memref<160xf32, #tpu.memory_space<hbm>>
        %dma_start3A_102 = tpu.memref_slice %arg5[%mul3A_100] : memref<20000xf32, #tpu.memory_space<hbm>> -> memref<160xf32, #tpu.memory_space<hbm>>
        tpu.enqueue_dma source(%arg13 : memref<160xf32, #tpu.memory_space<vmem>>) target(%dma_start3A_102 : memref<160xf32, #tpu.memory_space<hbm>>) target_semaphore(%arg19 : memref<!tpu.dma_semaphore, #tpu.memory_space<semaphore_mem>>)
        %add3A_103 = arith.constant 2 : i32
        %add3A_104 = arith.addi %add3A_64, %add3A_103 : i32
        %lt3A_105 = arith.constant 3 : i32
        %lt3A_106 = arith.cmpi slt, %add3A_104, %lt3A_105 : i32
        %eq3A = arith.constant 3 : i32
        %eq3A_107 = arith.cmpi eq, %add3A_104, %eq3A : i32
        %and3A = arith.andi %eq3A_107, %lt3A_4 : i1
        %or3A = arith.ori %lt3A_106, %and3A : i1
        %convert_element_type3A_108 = arith.extui %or3A : i1 to i32
        %cond3A_109 = arith.constant 0 : i32
        %cond3A_110 = arith.cmpi ne, %convert_element_type3A_108, %cond3A_109 : i32
        scf.if %cond3A_110 {
          %mul3A_111 = arith.constant 32 : i32
          %mul3A_112 = arith.muli %add3A_104, %mul3A_111 : i32
          %add3A_113 = arith.addi %add3A, %mul3A_112 : i32
          %mul3A_114 = arith.constant 160 : i32
          %mul3A_115 = arith.muli %add3A_113, %mul3A_114 : i32
          %dma_start3A_116 = arith.constant 0 : i32
          %dma_start3A_117 = tpu.memref_slice %arg2[%mul3A_115, %dma_start3A_116] : memref<100000x200xf32, #tpu.memory_space<hbm>> -> memref<160x200xf32, #tpu.memory_space<hbm>>
          %dma_start3A_118 = arith.constant 0 : i32
          %dma_start3A_119 = tpu.memref_slice %arg2[%mul3A_115, %dma_start3A_118] : memref<100000x200xf32, #tpu.memory_space<hbm>> -> memref<160x200xf32, #tpu.memory_space<hbm>>
          tpu.enqueue_dma source(%dma_start3A_119 : memref<160x200xf32, #tpu.memory_space<hbm>>) target(%arg7 : memref<160x200xf32, #tpu.memory_space<vmem>>) target_semaphore(%arg15 : memref<!tpu.dma_semaphore, #tpu.memory_space<semaphore_mem>>)
          %mul3A_120 = arith.constant 160 : i32
          %mul3A_121 = arith.muli %add3A_113, %mul3A_120 : i32
          %dma_start3A_122 = tpu.memref_slice %arg3[%mul3A_121] : memref<20000xi32, #tpu.memory_space<hbm>> -> memref<160xi32, #tpu.memory_space<hbm>>
          %dma_start3A_123 = tpu.memref_slice %arg3[%mul3A_121] : memref<20000xi32, #tpu.memory_space<hbm>> -> memref<160xi32, #tpu.memory_space<hbm>>
          tpu.enqueue_dma source(%dma_start3A_123 : memref<160xi32, #tpu.memory_space<hbm>>) target(%arg9 : memref<160xi32, #tpu.memory_space<vmem>>) target_semaphore(%arg17 : memref<!tpu.dma_semaphore, #tpu.memory_space<semaphore_mem>>)
        } else {
        }
      } else {
      }
      %scan3A_70 = arith.constant 0 : i32
      scf.yield %scan3A_70 : i32
    }
    %scan3A_33 = arith.constant 2 : i32
    %convert_element_type3A = arith.extui %lt3A_4 : i1 to i32
    %cond3A = arith.constant 0 : i32
    %cond3A_34 = arith.cmpi ne, %convert_element_type3A, %cond3A : i32
    scf.if %cond3A_34 {
      %dma_wait3A_50 = arith.constant 0 : i32
      %dma_wait3A_51 = arith.constant 0 : i32
      %dma_wait3A_52 = tpu.memref_slice %arg2[%dma_wait3A_50, %dma_wait3A_51] : memref<100000x200xf32, #tpu.memory_space<hbm>> -> memref<160x200xf32, #tpu.memory_space<hbm>>
      %dma_wait3A_53 = arith.constant 0 : i32
      %dma_wait3A_54 = arith.constant 0 : i32
      %dma_wait3A_55 = tpu.memref_slice %arg2[%dma_wait3A_53, %dma_wait3A_54] : memref<100000x200xf32, #tpu.memory_space<hbm>> -> memref<160x200xf32, #tpu.memory_space<hbm>>
      tpu.wait_dma2 semaphore(%arg15 : memref<!tpu.dma_semaphore, #tpu.memory_space<semaphore_mem>>) src(%dma_wait3A_55 : memref<160x200xf32, #tpu.memory_space<hbm>>) dst(%arg7 : memref<160x200xf32, #tpu.memory_space<vmem>>)
      %dma_wait3A_56 = arith.constant 0 : i32
      %dma_wait3A_57 = tpu.memref_slice %arg3[%dma_wait3A_56] : memref<20000xi32, #tpu.memory_space<hbm>> -> memref<160xi32, #tpu.memory_space<hbm>>
      %dma_wait3A_58 = arith.constant 0 : i32
      %dma_wait3A_59 = tpu.memref_slice %arg3[%dma_wait3A_58] : memref<20000xi32, #tpu.memory_space<hbm>> -> memref<160xi32, #tpu.memory_space<hbm>>
      tpu.wait_dma2 semaphore(%arg17 : memref<!tpu.dma_semaphore, #tpu.memory_space<semaphore_mem>>) src(%dma_wait3A_59 : memref<160xi32, #tpu.memory_space<hbm>>) dst(%arg9 : memref<160xi32, #tpu.memory_space<vmem>>)
      %dma_wait3A_60 = arith.constant 0 : i32
      %dma_wait3A_61 = tpu.memref_slice %arg4[%dma_wait3A_60] : memref<20000xf32, #tpu.memory_space<hbm>> -> memref<160xf32, #tpu.memory_space<hbm>>
      %dma_wait3A_62 = arith.constant 0 : i32
      %dma_wait3A_63 = tpu.memref_slice %arg4[%dma_wait3A_62] : memref<20000xf32, #tpu.memory_space<hbm>> -> memref<160xf32, #tpu.memory_space<hbm>>
      tpu.wait_dma2 semaphore(%arg19 : memref<!tpu.dma_semaphore, #tpu.memory_space<semaphore_mem>>) src(%arg11 : memref<160xf32, #tpu.memory_space<vmem>>) dst(%dma_wait3A_63 : memref<160xf32, #tpu.memory_space<hbm>>)
      %dma_wait3A_64 = arith.constant 0 : i32
      %dma_wait3A_65 = tpu.memref_slice %arg5[%dma_wait3A_64] : memref<20000xf32, #tpu.memory_space<hbm>> -> memref<160xf32, #tpu.memory_space<hbm>>
      %dma_wait3A_66 = arith.constant 0 : i32
      %dma_wait3A_67 = tpu.memref_slice %arg5[%dma_wait3A_66] : memref<20000xf32, #tpu.memory_space<hbm>> -> memref<160xf32, #tpu.memory_space<hbm>>
      tpu.wait_dma2 semaphore(%arg19 : memref<!tpu.dma_semaphore, #tpu.memory_space<semaphore_mem>>) src(%arg13 : memref<160xf32, #tpu.memory_space<vmem>>) dst(%dma_wait3A_67 : memref<160xf32, #tpu.memory_space<hbm>>)
      %scan3A_68 = arith.constant 0 : i32
      %scan3A_69 = arith.constant 0 : i32
      %scan3A_70 = arith.constant 10 : i32
      %scan3A_71 = arith.addi %scan3A_69, %scan3A_70 : i32
      %scan3A_72 = arith.constant 1 : i32
      %scan3A_73 = scf.for %scan3A_85 = %scan3A_69 to %scan3A_71 step %scan3A_72 iter_args(%scan3A_86 = %scan3A_68) -> (i32)  : i32 {
        %mul3A_87 = arith.constant 16 : i32
        %mul3A_88 = arith.muli %scan3A_85, %mul3A_87 : i32
        %add3A_89 = vector.broadcast %mul3A_88 : i32 to vector<16xi32>
        %add3A_90 = arith.addi %iota3A, %add3A_89 : vector<16xi32>
        %scan3A_91 = arith.constant 0 : i32
        %scan3A_92 = arith.constant 50 : i32
        %scan3A_93 = arith.addi %scan3A_91, %scan3A_92 : i32
        %scan3A_94 = arith.constant 1 : i32
        %scan3A_95:4 = scf.for %scan3A_111 = %scan3A_91 to %scan3A_93 step %scan3A_94 iter_args(%scan3A_112 = %broadcast_in_dim3A_3, %scan3A_113 = %broadcast_in_dim3A_3, %scan3A_114 = %broadcast_in_dim3A_3, %scan3A_115 = %broadcast_in_dim3A_3) -> (vector<16xf32>, vector<16xf32>, vector<16xf32>, vector<16xf32>)  : i32 {
          %mul3A_116 = arith.constant 4 : i32
          %mul3A_117 = arith.muli %scan3A_111, %mul3A_116 : i32
          %mul3A_118 = vector.broadcast %mul3A_117 : i32 to vector<16xi32>
          %mul3A_119 = arith.muli %broadcast_in_dim3A_1, %mul3A_118 : vector<16xi32>
          %gather3A_120 = tpu.vector_load_idx %arg7[%add3A_90, %mul3A_119] : memref<160x200xf32, #tpu.memory_space<vmem>>[vector<16xi32>, vector<16xi32>], vector<16xf32>,
          %exp3A = math.exp %gather3A_120 : vector<16xf32>
          %add3A_121 = arith.addf %scan3A_112, %exp3A : vector<16xf32>
          %add3A_122 = arith.constant 1 : i32
          %add3A_123 = vector.broadcast %add3A_122 : i32 to vector<16xi32>
          %add3A_124 = arith.addi %mul3A_119, %add3A_123 : vector<16xi32>
          %gather3A_125 = tpu.vector_load_idx %arg7[%add3A_90, %add3A_124] : memref<160x200xf32, #tpu.memory_space<vmem>>[vector<16xi32>, vector<16xi32>], vector<16xf32>,
          %exp3A_126 = math.exp %gather3A_125 : vector<16xf32>
          %add3A_127 = arith.addf %scan3A_113, %exp3A_126 : vector<16xf32>
          %add3A_128 = arith.constant 2 : i32
          %add3A_129 = vector.broadcast %add3A_128 : i32 to vector<16xi32>
          %add3A_130 = arith.addi %mul3A_119, %add3A_129 : vector<16xi32>
          %gather3A_131 = tpu.vector_load_idx %arg7[%add3A_90, %add3A_130] : memref<160x200xf32, #tpu.memory_space<vmem>>[vector<16xi32>, vector<16xi32>], vector<16xf32>,
          %exp3A_132 = math.exp %gather3A_131 : vector<16xf32>
          %add3A_133 = arith.addf %scan3A_114, %exp3A_132 : vector<16xf32>
          %add3A_134 = arith.constant 3 : i32
          %add3A_135 = vector.broadcast %add3A_134 : i32 to vector<16xi32>
          %add3A_136 = arith.addi %mul3A_119, %add3A_135 : vector<16xi32>
          %gather3A_137 = tpu.vector_load_idx %arg7[%add3A_90, %add3A_136] : memref<160x200xf32, #tpu.memory_space<vmem>>[vector<16xi32>, vector<16xi32>], vector<16xf32>,
          %exp3A_138 = math.exp %gather3A_137 : vector<16xf32>
          %add3A_139 = arith.addf %scan3A_115, %exp3A_138 : vector<16xf32>
          scf.yield %add3A_121, %add3A_127, %add3A_133, %add3A_139 : vector<16xf32>, vector<16xf32>, vector<16xf32>, vector<16xf32>
        }
        %scan3A_96 = arith.constant 50 : i32
        %mul3A_97 = arith.constant 16 : i32
        %mul3A_98 = arith.muli %scan3A_85, %mul3A_97 : i32
        %get3A = arith.index_cast %mul3A_98 : i32 to index
        %get3A_99 = tpu.vector_load %arg9[%get3A] {strides = array<i32>} : memref<160xi32, #tpu.memory_space<vmem>>, vector<16xi32>,
        %gather3A = tpu.vector_load_idx %arg7[%add3A_90, %get3A_99] : memref<160x200xf32, #tpu.memory_space<vmem>>[vector<16xi32>, vector<16xi32>], vector<16xf32>,
        %add3A_100 = arith.addf %scan3A_95#0, %scan3A_95#1 : vector<16xf32>
        %add3A_101 = arith.addf %scan3A_95#2, %scan3A_95#3 : vector<16xf32>
        %add3A_102 = arith.addf %add3A_100, %add3A_101 : vector<16xf32>
        %mul3A_103 = arith.constant 16 : i32
        %mul3A_104 = arith.muli %scan3A_85, %mul3A_103 : i32
        %swap3A = arith.index_cast %mul3A_104 : i32 to index
        %swap3A_105 = tpu.vector_load %arg11[%swap3A] {strides = array<i32>} : memref<160xf32, #tpu.memory_space<vmem>>, vector<16xf32>,
        tpu.vector_store %arg11[%swap3A], %add3A_102 {strides = array<i32>} : memref<160xf32, #tpu.memory_space<vmem>>, vector<16xf32>,
        %mul3A_106 = arith.constant 16 : i32
        %mul3A_107 = arith.muli %scan3A_85, %mul3A_106 : i32
        %swap3A_108 = arith.index_cast %mul3A_107 : i32 to index
        %swap3A_109 = tpu.vector_load %arg13[%swap3A_108] {strides = array<i32>} : memref<160xf32, #tpu.memory_space<vmem>>, vector<16xf32>,
        tpu.vector_store %arg13[%swap3A_108], %gather3A {strides = array<i32>} : memref<160xf32, #tpu.memory_space<vmem>>, vector<16xf32>,
        %scan3A_110 = arith.constant 0 : i32
        scf.yield %scan3A_110 : i32
      }
      %scan3A_74 = arith.constant 10 : i32
      %add3A_75 = arith.constant 96 : i32
      %add3A_76 = arith.addi %add3A, %add3A_75 : i32
      %mul3A_77 = arith.constant 160 : i32
      %mul3A_78 = arith.muli %add3A_76, %mul3A_77 : i32
      %dma_start3A_79 = tpu.memref_slice %arg4[%mul3A_78] : memref<20000xf32, #tpu.memory_space<hbm>> -> memref<160xf32, #tpu.memory_space<hbm>>
      %dma_start3A_80 = tpu.memref_slice %arg4[%mul3A_78] : memref<20000xf32, #tpu.memory_space<hbm>> -> memref<160xf32, #tpu.memory_space<hbm>>
      tpu.enqueue_dma source(%arg11 : memref<160xf32, #tpu.memory_space<vmem>>) target(%dma_start3A_80 : memref<160xf32, #tpu.memory_space<hbm>>) target_semaphore(%arg19 : memref<!tpu.dma_semaphore, #tpu.memory_space<semaphore_mem>>)
      %mul3A_81 = arith.constant 160 : i32
      %mul3A_82 = arith.muli %add3A_76, %mul3A_81 : i32
      %dma_start3A_83 = tpu.memref_slice %arg5[%mul3A_82] : memref<20000xf32, #tpu.memory_space<hbm>> -> memref<160xf32, #tpu.memory_space<hbm>>
      %dma_start3A_84 = tpu.memref_slice %arg5[%mul3A_82] : memref<20000xf32, #tpu.memory_space<hbm>> -> memref<160xf32, #tpu.memory_space<hbm>>
      tpu.enqueue_dma source(%arg13 : memref<160xf32, #tpu.memory_space<vmem>>) target(%dma_start3A_84 : memref<160xf32, #tpu.memory_space<hbm>>) target_semaphore(%arg19 : memref<!tpu.dma_semaphore, #tpu.memory_space<semaphore_mem>>)
    } else {
    }
    %dma_wait3A = arith.constant 0 : i32
    %dma_wait3A_35 = tpu.memref_slice %arg4[%dma_wait3A] : memref<20000xf32, #tpu.memory_space<hbm>> -> memref<160xf32, #tpu.memory_space<hbm>>
    %dma_wait3A_36 = arith.constant 0 : i32
    %dma_wait3A_37 = tpu.memref_slice %arg4[%dma_wait3A_36] : memref<20000xf32, #tpu.memory_space<hbm>> -> memref<160xf32, #tpu.memory_space<hbm>>
    tpu.wait_dma2 semaphore(%arg18 : memref<!tpu.dma_semaphore, #tpu.memory_space<semaphore_mem>>) src(%arg10 : memref<160xf32, #tpu.memory_space<vmem>>) dst(%dma_wait3A_37 : memref<160xf32, #tpu.memory_space<hbm>>)
    %dma_wait3A_38 = arith.constant 0 : i32
    %dma_wait3A_39 = tpu.memref_slice %arg5[%dma_wait3A_38] : memref<20000xf32, #tpu.memory_space<hbm>> -> memref<160xf32, #tpu.memory_space<hbm>>
    %dma_wait3A_40 = arith.constant 0 : i32
    %dma_wait3A_41 = tpu.memref_slice %arg5[%dma_wait3A_40] : memref<20000xf32, #tpu.memory_space<hbm>> -> memref<160xf32, #tpu.memory_space<hbm>>
    tpu.wait_dma2 semaphore(%arg18 : memref<!tpu.dma_semaphore, #tpu.memory_space<semaphore_mem>>) src(%arg12 : memref<160xf32, #tpu.memory_space<vmem>>) dst(%dma_wait3A_41 : memref<160xf32, #tpu.memory_space<hbm>>)
    %dma_wait3A_42 = arith.constant 0 : i32
    %dma_wait3A_43 = tpu.memref_slice %arg4[%dma_wait3A_42] : memref<20000xf32, #tpu.memory_space<hbm>> -> memref<160xf32, #tpu.memory_space<hbm>>
    %dma_wait3A_44 = arith.constant 0 : i32
    %dma_wait3A_45 = tpu.memref_slice %arg4[%dma_wait3A_44] : memref<20000xf32, #tpu.memory_space<hbm>> -> memref<160xf32, #tpu.memory_space<hbm>>
    tpu.wait_dma2 semaphore(%arg19 : memref<!tpu.dma_semaphore, #tpu.memory_space<semaphore_mem>>) src(%arg11 : memref<160xf32, #tpu.memory_space<vmem>>) dst(%dma_wait3A_45 : memref<160xf32, #tpu.memory_space<hbm>>)
    %dma_wait3A_46 = arith.constant 0 : i32
    %dma_wait3A_47 = tpu.memref_slice %arg5[%dma_wait3A_46] : memref<20000xf32, #tpu.memory_space<hbm>> -> memref<160xf32, #tpu.memory_space<hbm>>
    %dma_wait3A_48 = arith.constant 0 : i32
    %dma_wait3A_49 = tpu.memref_slice %arg5[%dma_wait3A_48] : memref<20000xf32, #tpu.memory_space<hbm>> -> memref<160xf32, #tpu.memory_space<hbm>>
    tpu.wait_dma2 semaphore(%arg19 : memref<!tpu.dma_semaphore, #tpu.memory_space<semaphore_mem>>) src(%arg13 : memref<160xf32, #tpu.memory_space<vmem>>) dst(%dma_wait3A_49 : memref<160xf32, #tpu.memory_space<hbm>>)
    return
  }
}

module attributes {stable_mosaic.version = 14 : i64} {
  func.func @_tc_body(%arg0: memref<1x100000xi32, #tpu.memory_space<vmem>>, %arg1: memref<100000x200xf32, #tpu.memory_space<any>>, %arg2: memref<1x80000xf32, #tpu.memory_space<vmem>>, %arg3: memref<2000x200xf32, #tpu.memory_space<vmem>>, %arg4: memref<2000x200xf32, #tpu.memory_space<vmem>>, %arg5: memref<2000x200xf32, #tpu.memory_space<vmem>>, %arg6: memref<2000x200xf32, #tpu.memory_space<vmem>>, %arg7: memref<!tpu.dma_semaphore, #tpu.memory_space<semaphore_mem>>, %arg8: memref<!tpu.dma_semaphore, #tpu.memory_space<semaphore_mem>>, %arg9: memref<!tpu.dma_semaphore, #tpu.memory_space<semaphore_mem>>, %arg10: memref<!tpu.dma_semaphore, #tpu.memory_space<semaphore_mem>>) attributes {dimension_semantics = [], scalar_prefetch = 0 : i64, scratch_operands = 8 : i64, tpu.core_type = #tpu.core_type<tc>} {
    %dma_start3A = arith.constant 20000 : i32
    %dma_start3A_0 = arith.constant 0 : i32
    %dma_start3A_1 = tpu.memref_slice %arg1[%dma_start3A, %dma_start3A_0] : memref<100000x200xf32, #tpu.memory_space<any>> -> memref<2000x200xf32, #tpu.memory_space<any>>
    tpu.enqueue_dma source(%dma_start3A_1 : memref<2000x200xf32, #tpu.memory_space<any>>) target(%arg3 : memref<2000x200xf32, #tpu.memory_space<vmem>>) target_semaphore(%arg7 : memref<!tpu.dma_semaphore, #tpu.memory_space<semaphore_mem>>)
    %dma_start3A_2 = arith.constant 22000 : i32
    %dma_start3A_3 = arith.constant 0 : i32
    %dma_start3A_4 = tpu.memref_slice %arg1[%dma_start3A_2, %dma_start3A_3] : memref<100000x200xf32, #tpu.memory_space<any>> -> memref<2000x200xf32, #tpu.memory_space<any>>
    tpu.enqueue_dma source(%dma_start3A_4 : memref<2000x200xf32, #tpu.memory_space<any>>) target(%arg4 : memref<2000x200xf32, #tpu.memory_space<vmem>>) target_semaphore(%arg8 : memref<!tpu.dma_semaphore, #tpu.memory_space<semaphore_mem>>)
    %dma_start3A_5 = arith.constant 24000 : i32
    %dma_start3A_6 = arith.constant 0 : i32
    %dma_start3A_7 = tpu.memref_slice %arg1[%dma_start3A_5, %dma_start3A_6] : memref<100000x200xf32, #tpu.memory_space<any>> -> memref<2000x200xf32, #tpu.memory_space<any>>
    tpu.enqueue_dma source(%dma_start3A_7 : memref<2000x200xf32, #tpu.memory_space<any>>) target(%arg5 : memref<2000x200xf32, #tpu.memory_space<vmem>>) target_semaphore(%arg9 : memref<!tpu.dma_semaphore, #tpu.memory_space<semaphore_mem>>)
    %dma_start3A_8 = arith.constant 26000 : i32
    %dma_start3A_9 = arith.constant 0 : i32
    %dma_start3A_10 = tpu.memref_slice %arg1[%dma_start3A_8, %dma_start3A_9] : memref<100000x200xf32, #tpu.memory_space<any>> -> memref<2000x200xf32, #tpu.memory_space<any>>
    tpu.enqueue_dma source(%dma_start3A_10 : memref<2000x200xf32, #tpu.memory_space<any>>) target(%arg6 : memref<2000x200xf32, #tpu.memory_space<vmem>>) target_semaphore(%arg10 : memref<!tpu.dma_semaphore, #tpu.memory_space<semaphore_mem>>)
    %dma_wait3A = arith.constant 0 : i32
    %dma_wait3A_11 = arith.constant 0 : i32
    %dma_wait3A_12 = tpu.memref_slice %arg1[%dma_wait3A, %dma_wait3A_11] : memref<100000x200xf32, #tpu.memory_space<any>> -> memref<2000x200xf32, #tpu.memory_space<any>>
    tpu.wait_dma2 semaphore(%arg7 : memref<!tpu.dma_semaphore, #tpu.memory_space<semaphore_mem>>) src(%dma_wait3A_12 : memref<2000x200xf32, #tpu.memory_space<any>>) dst(%arg3 : memref<2000x200xf32, #tpu.memory_space<vmem>>)
    %get3A = arith.constant 0 : index
    %get3A_13 = arith.constant 0 : index
    %get3A_14 = vector.load %arg3[%get3A, %get3A_13] : memref<2000x200xf32, #tpu.memory_space<vmem>>, vector<2000x200xf32>
    %exp3A = math.exp %get3A_14 : vector<2000x200xf32>
    %reduce_sum3A = arith.constant dense<0.000000e+00> : vector<2000xf32>
    %reduce_sum3A_15 = vector.multi_reduction <add>, %exp3A, %reduce_sum3A [1] : vector<2000x200xf32> to vector<2000xf32>
    %broadcast_in_dim3A = vector.shape_cast %reduce_sum3A_15 : vector<2000xf32> to vector<2000x1xf32>
    %log3A = math.log %broadcast_in_dim3A : vector<2000x1xf32>
    %get3A_16 = arith.constant 0 : index
    %get3A_17 = arith.constant 20000 : index
    %get3A_18 = vector.load %arg0[%get3A_16, %get3A_17] : memref<1x100000xi32, #tpu.memory_space<vmem>>, vector<1x2000xi32>
    %transpose3A = tpu.transpose %get3A_18, [1, 0] : vector<1x2000xi32> -> vector<2000x1xi32>
    %iota3A = tpu.iota {dimensions = array<i32: 1>} : vector<2000x200xi32>
    %eq3A = vector.broadcast %transpose3A : vector<2000x1xi32> to vector<2000x200xi32>
    %eq3A_19 = arith.cmpi eq, %iota3A, %eq3A : vector<2000x200xi32>
    %jit3A = arith.constant 0.000000e+00 : f32
    %broadcast_in_dim3A_20 = vector.broadcast %jit3A : f32 to vector<2000x200xf32>
    %select_n3A = arith.select %eq3A_19, %get3A_14, %broadcast_in_dim3A_20 : vector<2000x200xi1>, vector<2000x200xf32>
    %reduce_sum3A_21 = arith.constant dense<0.000000e+00> : vector<2000xf32>
    %reduce_sum3A_22 = vector.multi_reduction <add>, %select_n3A, %reduce_sum3A_21 [1] : vector<2000x200xf32> to vector<2000xf32>
    %broadcast_in_dim3A_23 = vector.shape_cast %reduce_sum3A_22 : vector<2000xf32> to vector<2000x1xf32>
    %sub3A = arith.subf %broadcast_in_dim3A_23, %log3A : vector<2000x1xf32>
    %transpose3A_24 = tpu.transpose %sub3A, [1, 0] : vector<2000x1xf32> -> vector<1x2000xf32>
    %swap3A = arith.constant 0 : index
    %swap3A_25 = arith.constant 0 : index
    %swap3A_26 = vector.load %arg2[%swap3A, %swap3A_25] : memref<1x80000xf32, #tpu.memory_space<vmem>>, vector<1x2000xf32>
    tpu.vector_store %arg2[%swap3A, %swap3A_25], %transpose3A_24 {strides = array<i32>} : memref<1x80000xf32, #tpu.memory_space<vmem>>, vector<1x2000xf32>,
    %dma_start3A_27 = arith.constant 28000 : i32
    %dma_start3A_28 = arith.constant 0 : i32
    %dma_start3A_29 = tpu.memref_slice %arg1[%dma_start3A_27, %dma_start3A_28] : memref<100000x200xf32, #tpu.memory_space<any>> -> memref<2000x200xf32, #tpu.memory_space<any>>
    tpu.enqueue_dma source(%dma_start3A_29 : memref<2000x200xf32, #tpu.memory_space<any>>) target(%arg3 : memref<2000x200xf32, #tpu.memory_space<vmem>>) target_semaphore(%arg7 : memref<!tpu.dma_semaphore, #tpu.memory_space<semaphore_mem>>)
    %dma_wait3A_30 = arith.constant 0 : i32
    %dma_wait3A_31 = arith.constant 0 : i32
    %dma_wait3A_32 = tpu.memref_slice %arg1[%dma_wait3A_30, %dma_wait3A_31] : memref<100000x200xf32, #tpu.memory_space<any>> -> memref<2000x200xf32, #tpu.memory_space<any>>
    tpu.wait_dma2 semaphore(%arg8 : memref<!tpu.dma_semaphore, #tpu.memory_space<semaphore_mem>>) src(%dma_wait3A_32 : memref<2000x200xf32, #tpu.memory_space<any>>) dst(%arg4 : memref<2000x200xf32, #tpu.memory_space<vmem>>)
    %get3A_33 = arith.constant 0 : index
    %get3A_34 = arith.constant 0 : index
    %get3A_35 = vector.load %arg4[%get3A_33, %get3A_34] : memref<2000x200xf32, #tpu.memory_space<vmem>>, vector<2000x200xf32>
    %exp3A_36 = math.exp %get3A_35 : vector<2000x200xf32>
    %reduce_sum3A_37 = arith.constant dense<0.000000e+00> : vector<2000xf32>
    %reduce_sum3A_38 = vector.multi_reduction <add>, %exp3A_36, %reduce_sum3A_37 [1] : vector<2000x200xf32> to vector<2000xf32>
    %broadcast_in_dim3A_39 = vector.shape_cast %reduce_sum3A_38 : vector<2000xf32> to vector<2000x1xf32>
    %log3A_40 = math.log %broadcast_in_dim3A_39 : vector<2000x1xf32>
    %get3A_41 = arith.constant 0 : index
    %get3A_42 = arith.constant 22000 : index
    %get3A_43 = vector.load %arg0[%get3A_41, %get3A_42] : memref<1x100000xi32, #tpu.memory_space<vmem>>, vector<1x2000xi32>
    %transpose3A_44 = tpu.transpose %get3A_43, [1, 0] : vector<1x2000xi32> -> vector<2000x1xi32>
    %iota3A_45 = tpu.iota {dimensions = array<i32: 1>} : vector<2000x200xi32>
    %eq3A_46 = vector.broadcast %transpose3A_44 : vector<2000x1xi32> to vector<2000x200xi32>
    %eq3A_47 = arith.cmpi eq, %iota3A_45, %eq3A_46 : vector<2000x200xi32>
    %jit3A_48 = arith.constant 0.000000e+00 : f32
    %broadcast_in_dim3A_49 = vector.broadcast %jit3A_48 : f32 to vector<2000x200xf32>
    %select_n3A_50 = arith.select %eq3A_47, %get3A_35, %broadcast_in_dim3A_49 : vector<2000x200xi1>, vector<2000x200xf32>
    %reduce_sum3A_51 = arith.constant dense<0.000000e+00> : vector<2000xf32>
    %reduce_sum3A_52 = vector.multi_reduction <add>, %select_n3A_50, %reduce_sum3A_51 [1] : vector<2000x200xf32> to vector<2000xf32>
    %broadcast_in_dim3A_53 = vector.shape_cast %reduce_sum3A_52 : vector<2000xf32> to vector<2000x1xf32>
    %sub3A_54 = arith.subf %broadcast_in_dim3A_53, %log3A_40 : vector<2000x1xf32>
    %transpose3A_55 = tpu.transpose %sub3A_54, [1, 0] : vector<2000x1xf32> -> vector<1x2000xf32>
    %swap3A_56 = arith.constant 0 : index
    %swap3A_57 = arith.constant 2000 : index
    %swap3A_58 = vector.load %arg2[%swap3A_56, %swap3A_57] : memref<1x80000xf32, #tpu.memory_space<vmem>>, vector<1x2000xf32>
    tpu.vector_store %arg2[%swap3A_56, %swap3A_57], %transpose3A_55 {strides = array<i32>} : memref<1x80000xf32, #tpu.memory_space<vmem>>, vector<1x2000xf32>,
    %dma_start3A_59 = arith.constant 30000 : i32
    %dma_start3A_60 = arith.constant 0 : i32
    %dma_start3A_61 = tpu.memref_slice %arg1[%dma_start3A_59, %dma_start3A_60] : memref<100000x200xf32, #tpu.memory_space<any>> -> memref<2000x200xf32, #tpu.memory_space<any>>
    tpu.enqueue_dma source(%dma_start3A_61 : memref<2000x200xf32, #tpu.memory_space<any>>) target(%arg4 : memref<2000x200xf32, #tpu.memory_space<vmem>>) target_semaphore(%arg8 : memref<!tpu.dma_semaphore, #tpu.memory_space<semaphore_mem>>)
    %dma_wait3A_62 = arith.constant 0 : i32
    %dma_wait3A_63 = arith.constant 0 : i32
    %dma_wait3A_64 = tpu.memref_slice %arg1[%dma_wait3A_62, %dma_wait3A_63] : memref<100000x200xf32, #tpu.memory_space<any>> -> memref<2000x200xf32, #tpu.memory_space<any>>
    tpu.wait_dma2 semaphore(%arg9 : memref<!tpu.dma_semaphore, #tpu.memory_space<semaphore_mem>>) src(%dma_wait3A_64 : memref<2000x200xf32, #tpu.memory_space<any>>) dst(%arg5 : memref<2000x200xf32, #tpu.memory_space<vmem>>)
    %get3A_65 = arith.constant 0 : index
    %get3A_66 = arith.constant 0 : index
    %get3A_67 = vector.load %arg5[%get3A_65, %get3A_66] : memref<2000x200xf32, #tpu.memory_space<vmem>>, vector<2000x200xf32>
    %exp3A_68 = math.exp %get3A_67 : vector<2000x200xf32>
    %reduce_sum3A_69 = arith.constant dense<0.000000e+00> : vector<2000xf32>
    %reduce_sum3A_70 = vector.multi_reduction <add>, %exp3A_68, %reduce_sum3A_69 [1] : vector<2000x200xf32> to vector<2000xf32>
    %broadcast_in_dim3A_71 = vector.shape_cast %reduce_sum3A_70 : vector<2000xf32> to vector<2000x1xf32>
    %log3A_72 = math.log %broadcast_in_dim3A_71 : vector<2000x1xf32>
    %get3A_73 = arith.constant 0 : index
    %get3A_74 = arith.constant 24000 : index
    %get3A_75 = vector.load %arg0[%get3A_73, %get3A_74] : memref<1x100000xi32, #tpu.memory_space<vmem>>, vector<1x2000xi32>
    %transpose3A_76 = tpu.transpose %get3A_75, [1, 0] : vector<1x2000xi32> -> vector<2000x1xi32>
    %iota3A_77 = tpu.iota {dimensions = array<i32: 1>} : vector<2000x200xi32>
    %eq3A_78 = vector.broadcast %transpose3A_76 : vector<2000x1xi32> to vector<2000x200xi32>
    %eq3A_79 = arith.cmpi eq, %iota3A_77, %eq3A_78 : vector<2000x200xi32>
    %jit3A_80 = arith.constant 0.000000e+00 : f32
    %broadcast_in_dim3A_81 = vector.broadcast %jit3A_80 : f32 to vector<2000x200xf32>
    %select_n3A_82 = arith.select %eq3A_79, %get3A_67, %broadcast_in_dim3A_81 : vector<2000x200xi1>, vector<2000x200xf32>
    %reduce_sum3A_83 = arith.constant dense<0.000000e+00> : vector<2000xf32>
    %reduce_sum3A_84 = vector.multi_reduction <add>, %select_n3A_82, %reduce_sum3A_83 [1] : vector<2000x200xf32> to vector<2000xf32>
    %broadcast_in_dim3A_85 = vector.shape_cast %reduce_sum3A_84 : vector<2000xf32> to vector<2000x1xf32>
    %sub3A_86 = arith.subf %broadcast_in_dim3A_85, %log3A_72 : vector<2000x1xf32>
    %transpose3A_87 = tpu.transpose %sub3A_86, [1, 0] : vector<2000x1xf32> -> vector<1x2000xf32>
    %swap3A_88 = arith.constant 0 : index
    %swap3A_89 = arith.constant 4000 : index
    %swap3A_90 = vector.load %arg2[%swap3A_88, %swap3A_89] : memref<1x80000xf32, #tpu.memory_space<vmem>>, vector<1x2000xf32>
    tpu.vector_store %arg2[%swap3A_88, %swap3A_89], %transpose3A_87 {strides = array<i32>} : memref<1x80000xf32, #tpu.memory_space<vmem>>, vector<1x2000xf32>,
    %dma_start3A_91 = arith.constant 32000 : i32
    %dma_start3A_92 = arith.constant 0 : i32
    %dma_start3A_93 = tpu.memref_slice %arg1[%dma_start3A_91, %dma_start3A_92] : memref<100000x200xf32, #tpu.memory_space<any>> -> memref<2000x200xf32, #tpu.memory_space<any>>
    tpu.enqueue_dma source(%dma_start3A_93 : memref<2000x200xf32, #tpu.memory_space<any>>) target(%arg5 : memref<2000x200xf32, #tpu.memory_space<vmem>>) target_semaphore(%arg9 : memref<!tpu.dma_semaphore, #tpu.memory_space<semaphore_mem>>)
    %dma_wait3A_94 = arith.constant 0 : i32
    %dma_wait3A_95 = arith.constant 0 : i32
    %dma_wait3A_96 = tpu.memref_slice %arg1[%dma_wait3A_94, %dma_wait3A_95] : memref<100000x200xf32, #tpu.memory_space<any>> -> memref<2000x200xf32, #tpu.memory_space<any>>
    tpu.wait_dma2 semaphore(%arg10 : memref<!tpu.dma_semaphore, #tpu.memory_space<semaphore_mem>>) src(%dma_wait3A_96 : memref<2000x200xf32, #tpu.memory_space<any>>) dst(%arg6 : memref<2000x200xf32, #tpu.memory_space<vmem>>)
    %get3A_97 = arith.constant 0 : index
    %get3A_98 = arith.constant 0 : index
    %get3A_99 = vector.load %arg6[%get3A_97, %get3A_98] : memref<2000x200xf32, #tpu.memory_space<vmem>>, vector<2000x200xf32>
    %exp3A_100 = math.exp %get3A_99 : vector<2000x200xf32>
    %reduce_sum3A_101 = arith.constant dense<0.000000e+00> : vector<2000xf32>
    %reduce_sum3A_102 = vector.multi_reduction <add>, %exp3A_100, %reduce_sum3A_101 [1] : vector<2000x200xf32> to vector<2000xf32>
    %broadcast_in_dim3A_103 = vector.shape_cast %reduce_sum3A_102 : vector<2000xf32> to vector<2000x1xf32>
    %log3A_104 = math.log %broadcast_in_dim3A_103 : vector<2000x1xf32>
    %get3A_105 = arith.constant 0 : index
    %get3A_106 = arith.constant 26000 : index
    %get3A_107 = vector.load %arg0[%get3A_105, %get3A_106] : memref<1x100000xi32, #tpu.memory_space<vmem>>, vector<1x2000xi32>
    %transpose3A_108 = tpu.transpose %get3A_107, [1, 0] : vector<1x2000xi32> -> vector<2000x1xi32>
    %iota3A_109 = tpu.iota {dimensions = array<i32: 1>} : vector<2000x200xi32>
    %eq3A_110 = vector.broadcast %transpose3A_108 : vector<2000x1xi32> to vector<2000x200xi32>
    %eq3A_111 = arith.cmpi eq, %iota3A_109, %eq3A_110 : vector<2000x200xi32>
    %jit3A_112 = arith.constant 0.000000e+00 : f32
    %broadcast_in_dim3A_113 = vector.broadcast %jit3A_112 : f32 to vector<2000x200xf32>
    %select_n3A_114 = arith.select %eq3A_111, %get3A_99, %broadcast_in_dim3A_113 : vector<2000x200xi1>, vector<2000x200xf32>
    %reduce_sum3A_115 = arith.constant dense<0.000000e+00> : vector<2000xf32>
    %reduce_sum3A_116 = vector.multi_reduction <add>, %select_n3A_114, %reduce_sum3A_115 [1] : vector<2000x200xf32> to vector<2000xf32>
    %broadcast_in_dim3A_117 = vector.shape_cast %reduce_sum3A_116 : vector<2000xf32> to vector<2000x1xf32>
    %sub3A_118 = arith.subf %broadcast_in_dim3A_117, %log3A_104 : vector<2000x1xf32>
    %transpose3A_119 = tpu.transpose %sub3A_118, [1, 0] : vector<2000x1xf32> -> vector<1x2000xf32>
    %swap3A_120 = arith.constant 0 : index
    %swap3A_121 = arith.constant 6000 : index
    %swap3A_122 = vector.load %arg2[%swap3A_120, %swap3A_121] : memref<1x80000xf32, #tpu.memory_space<vmem>>, vector<1x2000xf32>
    tpu.vector_store %arg2[%swap3A_120, %swap3A_121], %transpose3A_119 {strides = array<i32>} : memref<1x80000xf32, #tpu.memory_space<vmem>>, vector<1x2000xf32>,
    %dma_start3A_123 = arith.constant 34000 : i32
    %dma_start3A_124 = arith.constant 0 : i32
    %dma_start3A_125 = tpu.memref_slice %arg1[%dma_start3A_123, %dma_start3A_124] : memref<100000x200xf32, #tpu.memory_space<any>> -> memref<2000x200xf32, #tpu.memory_space<any>>
    tpu.enqueue_dma source(%dma_start3A_125 : memref<2000x200xf32, #tpu.memory_space<any>>) target(%arg6 : memref<2000x200xf32, #tpu.memory_space<vmem>>) target_semaphore(%arg10 : memref<!tpu.dma_semaphore, #tpu.memory_space<semaphore_mem>>)
    %dma_wait3A_126 = arith.constant 0 : i32
    %dma_wait3A_127 = arith.constant 0 : i32
    %dma_wait3A_128 = tpu.memref_slice %arg1[%dma_wait3A_126, %dma_wait3A_127] : memref<100000x200xf32, #tpu.memory_space<any>> -> memref<2000x200xf32, #tpu.memory_space<any>>
    tpu.wait_dma2 semaphore(%arg7 : memref<!tpu.dma_semaphore, #tpu.memory_space<semaphore_mem>>) src(%dma_wait3A_128 : memref<2000x200xf32, #tpu.memory_space<any>>) dst(%arg3 : memref<2000x200xf32, #tpu.memory_space<vmem>>)
    %get3A_129 = arith.constant 0 : index
    %get3A_130 = arith.constant 0 : index
    %get3A_131 = vector.load %arg3[%get3A_129, %get3A_130] : memref<2000x200xf32, #tpu.memory_space<vmem>>, vector<2000x200xf32>
    %exp3A_132 = math.exp %get3A_131 : vector<2000x200xf32>
    %reduce_sum3A_133 = arith.constant dense<0.000000e+00> : vector<2000xf32>
    %reduce_sum3A_134 = vector.multi_reduction <add>, %exp3A_132, %reduce_sum3A_133 [1] : vector<2000x200xf32> to vector<2000xf32>
    %broadcast_in_dim3A_135 = vector.shape_cast %reduce_sum3A_134 : vector<2000xf32> to vector<2000x1xf32>
    %log3A_136 = math.log %broadcast_in_dim3A_135 : vector<2000x1xf32>
    %get3A_137 = arith.constant 0 : index
    %get3A_138 = arith.constant 28000 : index
    %get3A_139 = vector.load %arg0[%get3A_137, %get3A_138] : memref<1x100000xi32, #tpu.memory_space<vmem>>, vector<1x2000xi32>
    %transpose3A_140 = tpu.transpose %get3A_139, [1, 0] : vector<1x2000xi32> -> vector<2000x1xi32>
    %iota3A_141 = tpu.iota {dimensions = array<i32: 1>} : vector<2000x200xi32>
    %eq3A_142 = vector.broadcast %transpose3A_140 : vector<2000x1xi32> to vector<2000x200xi32>
    %eq3A_143 = arith.cmpi eq, %iota3A_141, %eq3A_142 : vector<2000x200xi32>
    %jit3A_144 = arith.constant 0.000000e+00 : f32
    %broadcast_in_dim3A_145 = vector.broadcast %jit3A_144 : f32 to vector<2000x200xf32>
    %select_n3A_146 = arith.select %eq3A_143, %get3A_131, %broadcast_in_dim3A_145 : vector<2000x200xi1>, vector<2000x200xf32>
    %reduce_sum3A_147 = arith.constant dense<0.000000e+00> : vector<2000xf32>
    %reduce_sum3A_148 = vector.multi_reduction <add>, %select_n3A_146, %reduce_sum3A_147 [1] : vector<2000x200xf32> to vector<2000xf32>
    %broadcast_in_dim3A_149 = vector.shape_cast %reduce_sum3A_148 : vector<2000xf32> to vector<2000x1xf32>
    %sub3A_150 = arith.subf %broadcast_in_dim3A_149, %log3A_136 : vector<2000x1xf32>
    %transpose3A_151 = tpu.transpose %sub3A_150, [1, 0] : vector<2000x1xf32> -> vector<1x2000xf32>
    %swap3A_152 = arith.constant 0 : index
    %swap3A_153 = arith.constant 8000 : index
    %swap3A_154 = vector.load %arg2[%swap3A_152, %swap3A_153] : memref<1x80000xf32, #tpu.memory_space<vmem>>, vector<1x2000xf32>
    tpu.vector_store %arg2[%swap3A_152, %swap3A_153], %transpose3A_151 {strides = array<i32>} : memref<1x80000xf32, #tpu.memory_space<vmem>>, vector<1x2000xf32>,
    %dma_start3A_155 = arith.constant 36000 : i32
    %dma_start3A_156 = arith.constant 0 : i32
    %dma_start3A_157 = tpu.memref_slice %arg1[%dma_start3A_155, %dma_start3A_156] : memref<100000x200xf32, #tpu.memory_space<any>> -> memref<2000x200xf32, #tpu.memory_space<any>>
    tpu.enqueue_dma source(%dma_start3A_157 : memref<2000x200xf32, #tpu.memory_space<any>>) target(%arg3 : memref<2000x200xf32, #tpu.memory_space<vmem>>) target_semaphore(%arg7 : memref<!tpu.dma_semaphore, #tpu.memory_space<semaphore_mem>>)
    %dma_wait3A_158 = arith.constant 0 : i32
    %dma_wait3A_159 = arith.constant 0 : i32
    %dma_wait3A_160 = tpu.memref_slice %arg1[%dma_wait3A_158, %dma_wait3A_159] : memref<100000x200xf32, #tpu.memory_space<any>> -> memref<2000x200xf32, #tpu.memory_space<any>>
    tpu.wait_dma2 semaphore(%arg8 : memref<!tpu.dma_semaphore, #tpu.memory_space<semaphore_mem>>) src(%dma_wait3A_160 : memref<2000x200xf32, #tpu.memory_space<any>>) dst(%arg4 : memref<2000x200xf32, #tpu.memory_space<vmem>>)
    %get3A_161 = arith.constant 0 : index
    %get3A_162 = arith.constant 0 : index
    %get3A_163 = vector.load %arg4[%get3A_161, %get3A_162] : memref<2000x200xf32, #tpu.memory_space<vmem>>, vector<2000x200xf32>
    %exp3A_164 = math.exp %get3A_163 : vector<2000x200xf32>
    %reduce_sum3A_165 = arith.constant dense<0.000000e+00> : vector<2000xf32>
    %reduce_sum3A_166 = vector.multi_reduction <add>, %exp3A_164, %reduce_sum3A_165 [1] : vector<2000x200xf32> to vector<2000xf32>
    %broadcast_in_dim3A_167 = vector.shape_cast %reduce_sum3A_166 : vector<2000xf32> to vector<2000x1xf32>
    %log3A_168 = math.log %broadcast_in_dim3A_167 : vector<2000x1xf32>
    %get3A_169 = arith.constant 0 : index
    %get3A_170 = arith.constant 30000 : index
    %get3A_171 = vector.load %arg0[%get3A_169, %get3A_170] : memref<1x100000xi32, #tpu.memory_space<vmem>>, vector<1x2000xi32>
    %transpose3A_172 = tpu.transpose %get3A_171, [1, 0] : vector<1x2000xi32> -> vector<2000x1xi32>
    %iota3A_173 = tpu.iota {dimensions = array<i32: 1>} : vector<2000x200xi32>
    %eq3A_174 = vector.broadcast %transpose3A_172 : vector<2000x1xi32> to vector<2000x200xi32>
    %eq3A_175 = arith.cmpi eq, %iota3A_173, %eq3A_174 : vector<2000x200xi32>
    %jit3A_176 = arith.constant 0.000000e+00 : f32
    %broadcast_in_dim3A_177 = vector.broadcast %jit3A_176 : f32 to vector<2000x200xf32>
    %select_n3A_178 = arith.select %eq3A_175, %get3A_163, %broadcast_in_dim3A_177 : vector<2000x200xi1>, vector<2000x200xf32>
    %reduce_sum3A_179 = arith.constant dense<0.000000e+00> : vector<2000xf32>
    %reduce_sum3A_180 = vector.multi_reduction <add>, %select_n3A_178, %reduce_sum3A_179 [1] : vector<2000x200xf32> to vector<2000xf32>
    %broadcast_in_dim3A_181 = vector.shape_cast %reduce_sum3A_180 : vector<2000xf32> to vector<2000x1xf32>
    %sub3A_182 = arith.subf %broadcast_in_dim3A_181, %log3A_168 : vector<2000x1xf32>
    %transpose3A_183 = tpu.transpose %sub3A_182, [1, 0] : vector<2000x1xf32> -> vector<1x2000xf32>
    %swap3A_184 = arith.constant 0 : index
    %swap3A_185 = arith.constant 10000 : index
    %swap3A_186 = vector.load %arg2[%swap3A_184, %swap3A_185] : memref<1x80000xf32, #tpu.memory_space<vmem>>, vector<1x2000xf32>
    tpu.vector_store %arg2[%swap3A_184, %swap3A_185], %transpose3A_183 {strides = array<i32>} : memref<1x80000xf32, #tpu.memory_space<vmem>>, vector<1x2000xf32>,
    %dma_start3A_187 = arith.constant 38000 : i32
    %dma_start3A_188 = arith.constant 0 : i32
    %dma_start3A_189 = tpu.memref_slice %arg1[%dma_start3A_187, %dma_start3A_188] : memref<100000x200xf32, #tpu.memory_space<any>> -> memref<2000x200xf32, #tpu.memory_space<any>>
    tpu.enqueue_dma source(%dma_start3A_189 : memref<2000x200xf32, #tpu.memory_space<any>>) target(%arg4 : memref<2000x200xf32, #tpu.memory_space<vmem>>) target_semaphore(%arg8 : memref<!tpu.dma_semaphore, #tpu.memory_space<semaphore_mem>>)
    %dma_wait3A_190 = arith.constant 0 : i32
    %dma_wait3A_191 = arith.constant 0 : i32
    %dma_wait3A_192 = tpu.memref_slice %arg1[%dma_wait3A_190, %dma_wait3A_191] : memref<100000x200xf32, #tpu.memory_space<any>> -> memref<2000x200xf32, #tpu.memory_space<any>>
    tpu.wait_dma2 semaphore(%arg9 : memref<!tpu.dma_semaphore, #tpu.memory_space<semaphore_mem>>) src(%dma_wait3A_192 : memref<2000x200xf32, #tpu.memory_space<any>>) dst(%arg5 : memref<2000x200xf32, #tpu.memory_space<vmem>>)
    %get3A_193 = arith.constant 0 : index
    %get3A_194 = arith.constant 0 : index
    %get3A_195 = vector.load %arg5[%get3A_193, %get3A_194] : memref<2000x200xf32, #tpu.memory_space<vmem>>, vector<2000x200xf32>
    %exp3A_196 = math.exp %get3A_195 : vector<2000x200xf32>
    %reduce_sum3A_197 = arith.constant dense<0.000000e+00> : vector<2000xf32>
    %reduce_sum3A_198 = vector.multi_reduction <add>, %exp3A_196, %reduce_sum3A_197 [1] : vector<2000x200xf32> to vector<2000xf32>
    %broadcast_in_dim3A_199 = vector.shape_cast %reduce_sum3A_198 : vector<2000xf32> to vector<2000x1xf32>
    %log3A_200 = math.log %broadcast_in_dim3A_199 : vector<2000x1xf32>
    %get3A_201 = arith.constant 0 : index
    %get3A_202 = arith.constant 32000 : index
    %get3A_203 = vector.load %arg0[%get3A_201, %get3A_202] : memref<1x100000xi32, #tpu.memory_space<vmem>>, vector<1x2000xi32>
    %transpose3A_204 = tpu.transpose %get3A_203, [1, 0] : vector<1x2000xi32> -> vector<2000x1xi32>
    %iota3A_205 = tpu.iota {dimensions = array<i32: 1>} : vector<2000x200xi32>
    %eq3A_206 = vector.broadcast %transpose3A_204 : vector<2000x1xi32> to vector<2000x200xi32>
    %eq3A_207 = arith.cmpi eq, %iota3A_205, %eq3A_206 : vector<2000x200xi32>
    %jit3A_208 = arith.constant 0.000000e+00 : f32
    %broadcast_in_dim3A_209 = vector.broadcast %jit3A_208 : f32 to vector<2000x200xf32>
    %select_n3A_210 = arith.select %eq3A_207, %get3A_195, %broadcast_in_dim3A_209 : vector<2000x200xi1>, vector<2000x200xf32>
    %reduce_sum3A_211 = arith.constant dense<0.000000e+00> : vector<2000xf32>
    %reduce_sum3A_212 = vector.multi_reduction <add>, %select_n3A_210, %reduce_sum3A_211 [1] : vector<2000x200xf32> to vector<2000xf32>
    %broadcast_in_dim3A_213 = vector.shape_cast %reduce_sum3A_212 : vector<2000xf32> to vector<2000x1xf32>
    %sub3A_214 = arith.subf %broadcast_in_dim3A_213, %log3A_200 : vector<2000x1xf32>
    %transpose3A_215 = tpu.transpose %sub3A_214, [1, 0] : vector<2000x1xf32> -> vector<1x2000xf32>
    %swap3A_216 = arith.constant 0 : index
    %swap3A_217 = arith.constant 12000 : index
    %swap3A_218 = vector.load %arg2[%swap3A_216, %swap3A_217] : memref<1x80000xf32, #tpu.memory_space<vmem>>, vector<1x2000xf32>
    tpu.vector_store %arg2[%swap3A_216, %swap3A_217], %transpose3A_215 {strides = array<i32>} : memref<1x80000xf32, #tpu.memory_space<vmem>>, vector<1x2000xf32>,
    %dma_start3A_219 = arith.constant 40000 : i32
    %dma_start3A_220 = arith.constant 0 : i32
    %dma_start3A_221 = tpu.memref_slice %arg1[%dma_start3A_219, %dma_start3A_220] : memref<100000x200xf32, #tpu.memory_space<any>> -> memref<2000x200xf32, #tpu.memory_space<any>>
    tpu.enqueue_dma source(%dma_start3A_221 : memref<2000x200xf32, #tpu.memory_space<any>>) target(%arg5 : memref<2000x200xf32, #tpu.memory_space<vmem>>) target_semaphore(%arg9 : memref<!tpu.dma_semaphore, #tpu.memory_space<semaphore_mem>>)
    %dma_wait3A_222 = arith.constant 0 : i32
    %dma_wait3A_223 = arith.constant 0 : i32
    %dma_wait3A_224 = tpu.memref_slice %arg1[%dma_wait3A_222, %dma_wait3A_223] : memref<100000x200xf32, #tpu.memory_space<any>> -> memref<2000x200xf32, #tpu.memory_space<any>>
    tpu.wait_dma2 semaphore(%arg10 : memref<!tpu.dma_semaphore, #tpu.memory_space<semaphore_mem>>) src(%dma_wait3A_224 : memref<2000x200xf32, #tpu.memory_space<any>>) dst(%arg6 : memref<2000x200xf32, #tpu.memory_space<vmem>>)
    %get3A_225 = arith.constant 0 : index
    %get3A_226 = arith.constant 0 : index
    %get3A_227 = vector.load %arg6[%get3A_225, %get3A_226] : memref<2000x200xf32, #tpu.memory_space<vmem>>, vector<2000x200xf32>
    %exp3A_228 = math.exp %get3A_227 : vector<2000x200xf32>
    %reduce_sum3A_229 = arith.constant dense<0.000000e+00> : vector<2000xf32>
    %reduce_sum3A_230 = vector.multi_reduction <add>, %exp3A_228, %reduce_sum3A_229 [1] : vector<2000x200xf32> to vector<2000xf32>
    %broadcast_in_dim3A_231 = vector.shape_cast %reduce_sum3A_230 : vector<2000xf32> to vector<2000x1xf32>
    %log3A_232 = math.log %broadcast_in_dim3A_231 : vector<2000x1xf32>
    %get3A_233 = arith.constant 0 : index
    %get3A_234 = arith.constant 34000 : index
    %get3A_235 = vector.load %arg0[%get3A_233, %get3A_234] : memref<1x100000xi32, #tpu.memory_space<vmem>>, vector<1x2000xi32>
    %transpose3A_236 = tpu.transpose %get3A_235, [1, 0] : vector<1x2000xi32> -> vector<2000x1xi32>
    %iota3A_237 = tpu.iota {dimensions = array<i32: 1>} : vector<2000x200xi32>
    %eq3A_238 = vector.broadcast %transpose3A_236 : vector<2000x1xi32> to vector<2000x200xi32>
    %eq3A_239 = arith.cmpi eq, %iota3A_237, %eq3A_238 : vector<2000x200xi32>
    %jit3A_240 = arith.constant 0.000000e+00 : f32
    %broadcast_in_dim3A_241 = vector.broadcast %jit3A_240 : f32 to vector<2000x200xf32>
    %select_n3A_242 = arith.select %eq3A_239, %get3A_227, %broadcast_in_dim3A_241 : vector<2000x200xi1>, vector<2000x200xf32>
    %reduce_sum3A_243 = arith.constant dense<0.000000e+00> : vector<2000xf32>
    %reduce_sum3A_244 = vector.multi_reduction <add>, %select_n3A_242, %reduce_sum3A_243 [1] : vector<2000x200xf32> to vector<2000xf32>
    %broadcast_in_dim3A_245 = vector.shape_cast %reduce_sum3A_244 : vector<2000xf32> to vector<2000x1xf32>
    %sub3A_246 = arith.subf %broadcast_in_dim3A_245, %log3A_232 : vector<2000x1xf32>
    %transpose3A_247 = tpu.transpose %sub3A_246, [1, 0] : vector<2000x1xf32> -> vector<1x2000xf32>
    %swap3A_248 = arith.constant 0 : index
    %swap3A_249 = arith.constant 14000 : index
    %swap3A_250 = vector.load %arg2[%swap3A_248, %swap3A_249] : memref<1x80000xf32, #tpu.memory_space<vmem>>, vector<1x2000xf32>
    tpu.vector_store %arg2[%swap3A_248, %swap3A_249], %transpose3A_247 {strides = array<i32>} : memref<1x80000xf32, #tpu.memory_space<vmem>>, vector<1x2000xf32>,
    %dma_start3A_251 = arith.constant 42000 : i32
    %dma_start3A_252 = arith.constant 0 : i32
    %dma_start3A_253 = tpu.memref_slice %arg1[%dma_start3A_251, %dma_start3A_252] : memref<100000x200xf32, #tpu.memory_space<any>> -> memref<2000x200xf32, #tpu.memory_space<any>>
    tpu.enqueue_dma source(%dma_start3A_253 : memref<2000x200xf32, #tpu.memory_space<any>>) target(%arg6 : memref<2000x200xf32, #tpu.memory_space<vmem>>) target_semaphore(%arg10 : memref<!tpu.dma_semaphore, #tpu.memory_space<semaphore_mem>>)
    %dma_wait3A_254 = arith.constant 0 : i32
    %dma_wait3A_255 = arith.constant 0 : i32
    %dma_wait3A_256 = tpu.memref_slice %arg1[%dma_wait3A_254, %dma_wait3A_255] : memref<100000x200xf32, #tpu.memory_space<any>> -> memref<2000x200xf32, #tpu.memory_space<any>>
    tpu.wait_dma2 semaphore(%arg7 : memref<!tpu.dma_semaphore, #tpu.memory_space<semaphore_mem>>) src(%dma_wait3A_256 : memref<2000x200xf32, #tpu.memory_space<any>>) dst(%arg3 : memref<2000x200xf32, #tpu.memory_space<vmem>>)
    %get3A_257 = arith.constant 0 : index
    %get3A_258 = arith.constant 0 : index
    %get3A_259 = vector.load %arg3[%get3A_257, %get3A_258] : memref<2000x200xf32, #tpu.memory_space<vmem>>, vector<2000x200xf32>
    %exp3A_260 = math.exp %get3A_259 : vector<2000x200xf32>
    %reduce_sum3A_261 = arith.constant dense<0.000000e+00> : vector<2000xf32>
    %reduce_sum3A_262 = vector.multi_reduction <add>, %exp3A_260, %reduce_sum3A_261 [1] : vector<2000x200xf32> to vector<2000xf32>
    %broadcast_in_dim3A_263 = vector.shape_cast %reduce_sum3A_262 : vector<2000xf32> to vector<2000x1xf32>
    %log3A_264 = math.log %broadcast_in_dim3A_263 : vector<2000x1xf32>
    %get3A_265 = arith.constant 0 : index
    %get3A_266 = arith.constant 36000 : index
    %get3A_267 = vector.load %arg0[%get3A_265, %get3A_266] : memref<1x100000xi32, #tpu.memory_space<vmem>>, vector<1x2000xi32>
    %transpose3A_268 = tpu.transpose %get3A_267, [1, 0] : vector<1x2000xi32> -> vector<2000x1xi32>
    %iota3A_269 = tpu.iota {dimensions = array<i32: 1>} : vector<2000x200xi32>
    %eq3A_270 = vector.broadcast %transpose3A_268 : vector<2000x1xi32> to vector<2000x200xi32>
    %eq3A_271 = arith.cmpi eq, %iota3A_269, %eq3A_270 : vector<2000x200xi32>
    %jit3A_272 = arith.constant 0.000000e+00 : f32
    %broadcast_in_dim3A_273 = vector.broadcast %jit3A_272 : f32 to vector<2000x200xf32>
    %select_n3A_274 = arith.select %eq3A_271, %get3A_259, %broadcast_in_dim3A_273 : vector<2000x200xi1>, vector<2000x200xf32>
    %reduce_sum3A_275 = arith.constant dense<0.000000e+00> : vector<2000xf32>
    %reduce_sum3A_276 = vector.multi_reduction <add>, %select_n3A_274, %reduce_sum3A_275 [1] : vector<2000x200xf32> to vector<2000xf32>
    %broadcast_in_dim3A_277 = vector.shape_cast %reduce_sum3A_276 : vector<2000xf32> to vector<2000x1xf32>
    %sub3A_278 = arith.subf %broadcast_in_dim3A_277, %log3A_264 : vector<2000x1xf32>
    %transpose3A_279 = tpu.transpose %sub3A_278, [1, 0] : vector<2000x1xf32> -> vector<1x2000xf32>
    %swap3A_280 = arith.constant 0 : index
    %swap3A_281 = arith.constant 16000 : index
    %swap3A_282 = vector.load %arg2[%swap3A_280, %swap3A_281] : memref<1x80000xf32, #tpu.memory_space<vmem>>, vector<1x2000xf32>
    tpu.vector_store %arg2[%swap3A_280, %swap3A_281], %transpose3A_279 {strides = array<i32>} : memref<1x80000xf32, #tpu.memory_space<vmem>>, vector<1x2000xf32>,
    %dma_start3A_283 = arith.constant 44000 : i32
    %dma_start3A_284 = arith.constant 0 : i32
    %dma_start3A_285 = tpu.memref_slice %arg1[%dma_start3A_283, %dma_start3A_284] : memref<100000x200xf32, #tpu.memory_space<any>> -> memref<2000x200xf32, #tpu.memory_space<any>>
    tpu.enqueue_dma source(%dma_start3A_285 : memref<2000x200xf32, #tpu.memory_space<any>>) target(%arg3 : memref<2000x200xf32, #tpu.memory_space<vmem>>) target_semaphore(%arg7 : memref<!tpu.dma_semaphore, #tpu.memory_space<semaphore_mem>>)
    %dma_wait3A_286 = arith.constant 0 : i32
    %dma_wait3A_287 = arith.constant 0 : i32
    %dma_wait3A_288 = tpu.memref_slice %arg1[%dma_wait3A_286, %dma_wait3A_287] : memref<100000x200xf32, #tpu.memory_space<any>> -> memref<2000x200xf32, #tpu.memory_space<any>>
    tpu.wait_dma2 semaphore(%arg8 : memref<!tpu.dma_semaphore, #tpu.memory_space<semaphore_mem>>) src(%dma_wait3A_288 : memref<2000x200xf32, #tpu.memory_space<any>>) dst(%arg4 : memref<2000x200xf32, #tpu.memory_space<vmem>>)
    %get3A_289 = arith.constant 0 : index
    %get3A_290 = arith.constant 0 : index
    %get3A_291 = vector.load %arg4[%get3A_289, %get3A_290] : memref<2000x200xf32, #tpu.memory_space<vmem>>, vector<2000x200xf32>
    %exp3A_292 = math.exp %get3A_291 : vector<2000x200xf32>
    %reduce_sum3A_293 = arith.constant dense<0.000000e+00> : vector<2000xf32>
    %reduce_sum3A_294 = vector.multi_reduction <add>, %exp3A_292, %reduce_sum3A_293 [1] : vector<2000x200xf32> to vector<2000xf32>
    %broadcast_in_dim3A_295 = vector.shape_cast %reduce_sum3A_294 : vector<2000xf32> to vector<2000x1xf32>
    %log3A_296 = math.log %broadcast_in_dim3A_295 : vector<2000x1xf32>
    %get3A_297 = arith.constant 0 : index
    %get3A_298 = arith.constant 38000 : index
    %get3A_299 = vector.load %arg0[%get3A_297, %get3A_298] : memref<1x100000xi32, #tpu.memory_space<vmem>>, vector<1x2000xi32>
    %transpose3A_300 = tpu.transpose %get3A_299, [1, 0] : vector<1x2000xi32> -> vector<2000x1xi32>
    %iota3A_301 = tpu.iota {dimensions = array<i32: 1>} : vector<2000x200xi32>
    %eq3A_302 = vector.broadcast %transpose3A_300 : vector<2000x1xi32> to vector<2000x200xi32>
    %eq3A_303 = arith.cmpi eq, %iota3A_301, %eq3A_302 : vector<2000x200xi32>
    %jit3A_304 = arith.constant 0.000000e+00 : f32
    %broadcast_in_dim3A_305 = vector.broadcast %jit3A_304 : f32 to vector<2000x200xf32>
    %select_n3A_306 = arith.select %eq3A_303, %get3A_291, %broadcast_in_dim3A_305 : vector<2000x200xi1>, vector<2000x200xf32>
    %reduce_sum3A_307 = arith.constant dense<0.000000e+00> : vector<2000xf32>
    %reduce_sum3A_308 = vector.multi_reduction <add>, %select_n3A_306, %reduce_sum3A_307 [1] : vector<2000x200xf32> to vector<2000xf32>
    %broadcast_in_dim3A_309 = vector.shape_cast %reduce_sum3A_308 : vector<2000xf32> to vector<2000x1xf32>
    %sub3A_310 = arith.subf %broadcast_in_dim3A_309, %log3A_296 : vector<2000x1xf32>
    %transpose3A_311 = tpu.transpose %sub3A_310, [1, 0] : vector<2000x1xf32> -> vector<1x2000xf32>
    %swap3A_312 = arith.constant 0 : index
    %swap3A_313 = arith.constant 18000 : index
    %swap3A_314 = vector.load %arg2[%swap3A_312, %swap3A_313] : memref<1x80000xf32, #tpu.memory_space<vmem>>, vector<1x2000xf32>
    tpu.vector_store %arg2[%swap3A_312, %swap3A_313], %transpose3A_311 {strides = array<i32>} : memref<1x80000xf32, #tpu.memory_space<vmem>>, vector<1x2000xf32>,
    %dma_start3A_315 = arith.constant 46000 : i32
    %dma_start3A_316 = arith.constant 0 : i32
    %dma_start3A_317 = tpu.memref_slice %arg1[%dma_start3A_315, %dma_start3A_316] : memref<100000x200xf32, #tpu.memory_space<any>> -> memref<2000x200xf32, #tpu.memory_space<any>>
    tpu.enqueue_dma source(%dma_start3A_317 : memref<2000x200xf32, #tpu.memory_space<any>>) target(%arg4 : memref<2000x200xf32, #tpu.memory_space<vmem>>) target_semaphore(%arg8 : memref<!tpu.dma_semaphore, #tpu.memory_space<semaphore_mem>>)
    %dma_wait3A_318 = arith.constant 0 : i32
    %dma_wait3A_319 = arith.constant 0 : i32
    %dma_wait3A_320 = tpu.memref_slice %arg1[%dma_wait3A_318, %dma_wait3A_319] : memref<100000x200xf32, #tpu.memory_space<any>> -> memref<2000x200xf32, #tpu.memory_space<any>>
    tpu.wait_dma2 semaphore(%arg9 : memref<!tpu.dma_semaphore, #tpu.memory_space<semaphore_mem>>) src(%dma_wait3A_320 : memref<2000x200xf32, #tpu.memory_space<any>>) dst(%arg5 : memref<2000x200xf32, #tpu.memory_space<vmem>>)
    %get3A_321 = arith.constant 0 : index
    %get3A_322 = arith.constant 0 : index
    %get3A_323 = vector.load %arg5[%get3A_321, %get3A_322] : memref<2000x200xf32, #tpu.memory_space<vmem>>, vector<2000x200xf32>
    %exp3A_324 = math.exp %get3A_323 : vector<2000x200xf32>
    %reduce_sum3A_325 = arith.constant dense<0.000000e+00> : vector<2000xf32>
    %reduce_sum3A_326 = vector.multi_reduction <add>, %exp3A_324, %reduce_sum3A_325 [1] : vector<2000x200xf32> to vector<2000xf32>
    %broadcast_in_dim3A_327 = vector.shape_cast %reduce_sum3A_326 : vector<2000xf32> to vector<2000x1xf32>
    %log3A_328 = math.log %broadcast_in_dim3A_327 : vector<2000x1xf32>
    %get3A_329 = arith.constant 0 : index
    %get3A_330 = arith.constant 40000 : index
    %get3A_331 = vector.load %arg0[%get3A_329, %get3A_330] : memref<1x100000xi32, #tpu.memory_space<vmem>>, vector<1x2000xi32>
    %transpose3A_332 = tpu.transpose %get3A_331, [1, 0] : vector<1x2000xi32> -> vector<2000x1xi32>
    %iota3A_333 = tpu.iota {dimensions = array<i32: 1>} : vector<2000x200xi32>
    %eq3A_334 = vector.broadcast %transpose3A_332 : vector<2000x1xi32> to vector<2000x200xi32>
    %eq3A_335 = arith.cmpi eq, %iota3A_333, %eq3A_334 : vector<2000x200xi32>
    %jit3A_336 = arith.constant 0.000000e+00 : f32
    %broadcast_in_dim3A_337 = vector.broadcast %jit3A_336 : f32 to vector<2000x200xf32>
    %select_n3A_338 = arith.select %eq3A_335, %get3A_323, %broadcast_in_dim3A_337 : vector<2000x200xi1>, vector<2000x200xf32>
    %reduce_sum3A_339 = arith.constant dense<0.000000e+00> : vector<2000xf32>
    %reduce_sum3A_340 = vector.multi_reduction <add>, %select_n3A_338, %reduce_sum3A_339 [1] : vector<2000x200xf32> to vector<2000xf32>
    %broadcast_in_dim3A_341 = vector.shape_cast %reduce_sum3A_340 : vector<2000xf32> to vector<2000x1xf32>
    %sub3A_342 = arith.subf %broadcast_in_dim3A_341, %log3A_328 : vector<2000x1xf32>
    %transpose3A_343 = tpu.transpose %sub3A_342, [1, 0] : vector<2000x1xf32> -> vector<1x2000xf32>
    %swap3A_344 = arith.constant 0 : index
    %swap3A_345 = arith.constant 20000 : index
    %swap3A_346 = vector.load %arg2[%swap3A_344, %swap3A_345] : memref<1x80000xf32, #tpu.memory_space<vmem>>, vector<1x2000xf32>
    tpu.vector_store %arg2[%swap3A_344, %swap3A_345], %transpose3A_343 {strides = array<i32>} : memref<1x80000xf32, #tpu.memory_space<vmem>>, vector<1x2000xf32>,
    %dma_start3A_347 = arith.constant 48000 : i32
    %dma_start3A_348 = arith.constant 0 : i32
    %dma_start3A_349 = tpu.memref_slice %arg1[%dma_start3A_347, %dma_start3A_348] : memref<100000x200xf32, #tpu.memory_space<any>> -> memref<2000x200xf32, #tpu.memory_space<any>>
    tpu.enqueue_dma source(%dma_start3A_349 : memref<2000x200xf32, #tpu.memory_space<any>>) target(%arg5 : memref<2000x200xf32, #tpu.memory_space<vmem>>) target_semaphore(%arg9 : memref<!tpu.dma_semaphore, #tpu.memory_space<semaphore_mem>>)
    %dma_wait3A_350 = arith.constant 0 : i32
    %dma_wait3A_351 = arith.constant 0 : i32
    %dma_wait3A_352 = tpu.memref_slice %arg1[%dma_wait3A_350, %dma_wait3A_351] : memref<100000x200xf32, #tpu.memory_space<any>> -> memref<2000x200xf32, #tpu.memory_space<any>>
    tpu.wait_dma2 semaphore(%arg10 : memref<!tpu.dma_semaphore, #tpu.memory_space<semaphore_mem>>) src(%dma_wait3A_352 : memref<2000x200xf32, #tpu.memory_space<any>>) dst(%arg6 : memref<2000x200xf32, #tpu.memory_space<vmem>>)
    %get3A_353 = arith.constant 0 : index
    %get3A_354 = arith.constant 0 : index
    %get3A_355 = vector.load %arg6[%get3A_353, %get3A_354] : memref<2000x200xf32, #tpu.memory_space<vmem>>, vector<2000x200xf32>
    %exp3A_356 = math.exp %get3A_355 : vector<2000x200xf32>
    %reduce_sum3A_357 = arith.constant dense<0.000000e+00> : vector<2000xf32>
    %reduce_sum3A_358 = vector.multi_reduction <add>, %exp3A_356, %reduce_sum3A_357 [1] : vector<2000x200xf32> to vector<2000xf32>
    %broadcast_in_dim3A_359 = vector.shape_cast %reduce_sum3A_358 : vector<2000xf32> to vector<2000x1xf32>
    %log3A_360 = math.log %broadcast_in_dim3A_359 : vector<2000x1xf32>
    %get3A_361 = arith.constant 0 : index
    %get3A_362 = arith.constant 42000 : index
    %get3A_363 = vector.load %arg0[%get3A_361, %get3A_362] : memref<1x100000xi32, #tpu.memory_space<vmem>>, vector<1x2000xi32>
    %transpose3A_364 = tpu.transpose %get3A_363, [1, 0] : vector<1x2000xi32> -> vector<2000x1xi32>
    %iota3A_365 = tpu.iota {dimensions = array<i32: 1>} : vector<2000x200xi32>
    %eq3A_366 = vector.broadcast %transpose3A_364 : vector<2000x1xi32> to vector<2000x200xi32>
    %eq3A_367 = arith.cmpi eq, %iota3A_365, %eq3A_366 : vector<2000x200xi32>
    %jit3A_368 = arith.constant 0.000000e+00 : f32
    %broadcast_in_dim3A_369 = vector.broadcast %jit3A_368 : f32 to vector<2000x200xf32>
    %select_n3A_370 = arith.select %eq3A_367, %get3A_355, %broadcast_in_dim3A_369 : vector<2000x200xi1>, vector<2000x200xf32>
    %reduce_sum3A_371 = arith.constant dense<0.000000e+00> : vector<2000xf32>
    %reduce_sum3A_372 = vector.multi_reduction <add>, %select_n3A_370, %reduce_sum3A_371 [1] : vector<2000x200xf32> to vector<2000xf32>
    %broadcast_in_dim3A_373 = vector.shape_cast %reduce_sum3A_372 : vector<2000xf32> to vector<2000x1xf32>
    %sub3A_374 = arith.subf %broadcast_in_dim3A_373, %log3A_360 : vector<2000x1xf32>
    %transpose3A_375 = tpu.transpose %sub3A_374, [1, 0] : vector<2000x1xf32> -> vector<1x2000xf32>
    %swap3A_376 = arith.constant 0 : index
    %swap3A_377 = arith.constant 22000 : index
    %swap3A_378 = vector.load %arg2[%swap3A_376, %swap3A_377] : memref<1x80000xf32, #tpu.memory_space<vmem>>, vector<1x2000xf32>
    tpu.vector_store %arg2[%swap3A_376, %swap3A_377], %transpose3A_375 {strides = array<i32>} : memref<1x80000xf32, #tpu.memory_space<vmem>>, vector<1x2000xf32>,
    %dma_start3A_379 = arith.constant 50000 : i32
    %dma_start3A_380 = arith.constant 0 : i32
    %dma_start3A_381 = tpu.memref_slice %arg1[%dma_start3A_379, %dma_start3A_380] : memref<100000x200xf32, #tpu.memory_space<any>> -> memref<2000x200xf32, #tpu.memory_space<any>>
    tpu.enqueue_dma source(%dma_start3A_381 : memref<2000x200xf32, #tpu.memory_space<any>>) target(%arg6 : memref<2000x200xf32, #tpu.memory_space<vmem>>) target_semaphore(%arg10 : memref<!tpu.dma_semaphore, #tpu.memory_space<semaphore_mem>>)
    %dma_wait3A_382 = arith.constant 0 : i32
    %dma_wait3A_383 = arith.constant 0 : i32
    %dma_wait3A_384 = tpu.memref_slice %arg1[%dma_wait3A_382, %dma_wait3A_383] : memref<100000x200xf32, #tpu.memory_space<any>> -> memref<2000x200xf32, #tpu.memory_space<any>>
    tpu.wait_dma2 semaphore(%arg7 : memref<!tpu.dma_semaphore, #tpu.memory_space<semaphore_mem>>) src(%dma_wait3A_384 : memref<2000x200xf32, #tpu.memory_space<any>>) dst(%arg3 : memref<2000x200xf32, #tpu.memory_space<vmem>>)
    %get3A_385 = arith.constant 0 : index
    %get3A_386 = arith.constant 0 : index
    %get3A_387 = vector.load %arg3[%get3A_385, %get3A_386] : memref<2000x200xf32, #tpu.memory_space<vmem>>, vector<2000x200xf32>
    %exp3A_388 = math.exp %get3A_387 : vector<2000x200xf32>
    %reduce_sum3A_389 = arith.constant dense<0.000000e+00> : vector<2000xf32>
    %reduce_sum3A_390 = vector.multi_reduction <add>, %exp3A_388, %reduce_sum3A_389 [1] : vector<2000x200xf32> to vector<2000xf32>
    %broadcast_in_dim3A_391 = vector.shape_cast %reduce_sum3A_390 : vector<2000xf32> to vector<2000x1xf32>
    %log3A_392 = math.log %broadcast_in_dim3A_391 : vector<2000x1xf32>
    %get3A_393 = arith.constant 0 : index
    %get3A_394 = arith.constant 44000 : index
    %get3A_395 = vector.load %arg0[%get3A_393, %get3A_394] : memref<1x100000xi32, #tpu.memory_space<vmem>>, vector<1x2000xi32>
    %transpose3A_396 = tpu.transpose %get3A_395, [1, 0] : vector<1x2000xi32> -> vector<2000x1xi32>
    %iota3A_397 = tpu.iota {dimensions = array<i32: 1>} : vector<2000x200xi32>
    %eq3A_398 = vector.broadcast %transpose3A_396 : vector<2000x1xi32> to vector<2000x200xi32>
    %eq3A_399 = arith.cmpi eq, %iota3A_397, %eq3A_398 : vector<2000x200xi32>
    %jit3A_400 = arith.constant 0.000000e+00 : f32
    %broadcast_in_dim3A_401 = vector.broadcast %jit3A_400 : f32 to vector<2000x200xf32>
    %select_n3A_402 = arith.select %eq3A_399, %get3A_387, %broadcast_in_dim3A_401 : vector<2000x200xi1>, vector<2000x200xf32>
    %reduce_sum3A_403 = arith.constant dense<0.000000e+00> : vector<2000xf32>
    %reduce_sum3A_404 = vector.multi_reduction <add>, %select_n3A_402, %reduce_sum3A_403 [1] : vector<2000x200xf32> to vector<2000xf32>
    %broadcast_in_dim3A_405 = vector.shape_cast %reduce_sum3A_404 : vector<2000xf32> to vector<2000x1xf32>
    %sub3A_406 = arith.subf %broadcast_in_dim3A_405, %log3A_392 : vector<2000x1xf32>
    %transpose3A_407 = tpu.transpose %sub3A_406, [1, 0] : vector<2000x1xf32> -> vector<1x2000xf32>
    %swap3A_408 = arith.constant 0 : index
    %swap3A_409 = arith.constant 24000 : index
    %swap3A_410 = vector.load %arg2[%swap3A_408, %swap3A_409] : memref<1x80000xf32, #tpu.memory_space<vmem>>, vector<1x2000xf32>
    tpu.vector_store %arg2[%swap3A_408, %swap3A_409], %transpose3A_407 {strides = array<i32>} : memref<1x80000xf32, #tpu.memory_space<vmem>>, vector<1x2000xf32>,
    %dma_start3A_411 = arith.constant 52000 : i32
    %dma_start3A_412 = arith.constant 0 : i32
    %dma_start3A_413 = tpu.memref_slice %arg1[%dma_start3A_411, %dma_start3A_412] : memref<100000x200xf32, #tpu.memory_space<any>> -> memref<2000x200xf32, #tpu.memory_space<any>>
    tpu.enqueue_dma source(%dma_start3A_413 : memref<2000x200xf32, #tpu.memory_space<any>>) target(%arg3 : memref<2000x200xf32, #tpu.memory_space<vmem>>) target_semaphore(%arg7 : memref<!tpu.dma_semaphore, #tpu.memory_space<semaphore_mem>>)
    %dma_wait3A_414 = arith.constant 0 : i32
    %dma_wait3A_415 = arith.constant 0 : i32
    %dma_wait3A_416 = tpu.memref_slice %arg1[%dma_wait3A_414, %dma_wait3A_415] : memref<100000x200xf32, #tpu.memory_space<any>> -> memref<2000x200xf32, #tpu.memory_space<any>>
    tpu.wait_dma2 semaphore(%arg8 : memref<!tpu.dma_semaphore, #tpu.memory_space<semaphore_mem>>) src(%dma_wait3A_416 : memref<2000x200xf32, #tpu.memory_space<any>>) dst(%arg4 : memref<2000x200xf32, #tpu.memory_space<vmem>>)
    %get3A_417 = arith.constant 0 : index
    %get3A_418 = arith.constant 0 : index
    %get3A_419 = vector.load %arg4[%get3A_417, %get3A_418] : memref<2000x200xf32, #tpu.memory_space<vmem>>, vector<2000x200xf32>
    %exp3A_420 = math.exp %get3A_419 : vector<2000x200xf32>
    %reduce_sum3A_421 = arith.constant dense<0.000000e+00> : vector<2000xf32>
    %reduce_sum3A_422 = vector.multi_reduction <add>, %exp3A_420, %reduce_sum3A_421 [1] : vector<2000x200xf32> to vector<2000xf32>
    %broadcast_in_dim3A_423 = vector.shape_cast %reduce_sum3A_422 : vector<2000xf32> to vector<2000x1xf32>
    %log3A_424 = math.log %broadcast_in_dim3A_423 : vector<2000x1xf32>
    %get3A_425 = arith.constant 0 : index
    %get3A_426 = arith.constant 46000 : index
    %get3A_427 = vector.load %arg0[%get3A_425, %get3A_426] : memref<1x100000xi32, #tpu.memory_space<vmem>>, vector<1x2000xi32>
    %transpose3A_428 = tpu.transpose %get3A_427, [1, 0] : vector<1x2000xi32> -> vector<2000x1xi32>
    %iota3A_429 = tpu.iota {dimensions = array<i32: 1>} : vector<2000x200xi32>
    %eq3A_430 = vector.broadcast %transpose3A_428 : vector<2000x1xi32> to vector<2000x200xi32>
    %eq3A_431 = arith.cmpi eq, %iota3A_429, %eq3A_430 : vector<2000x200xi32>
    %jit3A_432 = arith.constant 0.000000e+00 : f32
    %broadcast_in_dim3A_433 = vector.broadcast %jit3A_432 : f32 to vector<2000x200xf32>
    %select_n3A_434 = arith.select %eq3A_431, %get3A_419, %broadcast_in_dim3A_433 : vector<2000x200xi1>, vector<2000x200xf32>
    %reduce_sum3A_435 = arith.constant dense<0.000000e+00> : vector<2000xf32>
    %reduce_sum3A_436 = vector.multi_reduction <add>, %select_n3A_434, %reduce_sum3A_435 [1] : vector<2000x200xf32> to vector<2000xf32>
    %broadcast_in_dim3A_437 = vector.shape_cast %reduce_sum3A_436 : vector<2000xf32> to vector<2000x1xf32>
    %sub3A_438 = arith.subf %broadcast_in_dim3A_437, %log3A_424 : vector<2000x1xf32>
    %transpose3A_439 = tpu.transpose %sub3A_438, [1, 0] : vector<2000x1xf32> -> vector<1x2000xf32>
    %swap3A_440 = arith.constant 0 : index
    %swap3A_441 = arith.constant 26000 : index
    %swap3A_442 = vector.load %arg2[%swap3A_440, %swap3A_441] : memref<1x80000xf32, #tpu.memory_space<vmem>>, vector<1x2000xf32>
    tpu.vector_store %arg2[%swap3A_440, %swap3A_441], %transpose3A_439 {strides = array<i32>} : memref<1x80000xf32, #tpu.memory_space<vmem>>, vector<1x2000xf32>,
    %dma_start3A_443 = arith.constant 54000 : i32
    %dma_start3A_444 = arith.constant 0 : i32
    %dma_start3A_445 = tpu.memref_slice %arg1[%dma_start3A_443, %dma_start3A_444] : memref<100000x200xf32, #tpu.memory_space<any>> -> memref<2000x200xf32, #tpu.memory_space<any>>
    tpu.enqueue_dma source(%dma_start3A_445 : memref<2000x200xf32, #tpu.memory_space<any>>) target(%arg4 : memref<2000x200xf32, #tpu.memory_space<vmem>>) target_semaphore(%arg8 : memref<!tpu.dma_semaphore, #tpu.memory_space<semaphore_mem>>)
    %dma_wait3A_446 = arith.constant 0 : i32
    %dma_wait3A_447 = arith.constant 0 : i32
    %dma_wait3A_448 = tpu.memref_slice %arg1[%dma_wait3A_446, %dma_wait3A_447] : memref<100000x200xf32, #tpu.memory_space<any>> -> memref<2000x200xf32, #tpu.memory_space<any>>
    tpu.wait_dma2 semaphore(%arg9 : memref<!tpu.dma_semaphore, #tpu.memory_space<semaphore_mem>>) src(%dma_wait3A_448 : memref<2000x200xf32, #tpu.memory_space<any>>) dst(%arg5 : memref<2000x200xf32, #tpu.memory_space<vmem>>)
    %get3A_449 = arith.constant 0 : index
    %get3A_450 = arith.constant 0 : index
    %get3A_451 = vector.load %arg5[%get3A_449, %get3A_450] : memref<2000x200xf32, #tpu.memory_space<vmem>>, vector<2000x200xf32>
    %exp3A_452 = math.exp %get3A_451 : vector<2000x200xf32>
    %reduce_sum3A_453 = arith.constant dense<0.000000e+00> : vector<2000xf32>
    %reduce_sum3A_454 = vector.multi_reduction <add>, %exp3A_452, %reduce_sum3A_453 [1] : vector<2000x200xf32> to vector<2000xf32>
    %broadcast_in_dim3A_455 = vector.shape_cast %reduce_sum3A_454 : vector<2000xf32> to vector<2000x1xf32>
    %log3A_456 = math.log %broadcast_in_dim3A_455 : vector<2000x1xf32>
    %get3A_457 = arith.constant 0 : index
    %get3A_458 = arith.constant 48000 : index
    %get3A_459 = vector.load %arg0[%get3A_457, %get3A_458] : memref<1x100000xi32, #tpu.memory_space<vmem>>, vector<1x2000xi32>
    %transpose3A_460 = tpu.transpose %get3A_459, [1, 0] : vector<1x2000xi32> -> vector<2000x1xi32>
    %iota3A_461 = tpu.iota {dimensions = array<i32: 1>} : vector<2000x200xi32>
    %eq3A_462 = vector.broadcast %transpose3A_460 : vector<2000x1xi32> to vector<2000x200xi32>
    %eq3A_463 = arith.cmpi eq, %iota3A_461, %eq3A_462 : vector<2000x200xi32>
    %jit3A_464 = arith.constant 0.000000e+00 : f32
    %broadcast_in_dim3A_465 = vector.broadcast %jit3A_464 : f32 to vector<2000x200xf32>
    %select_n3A_466 = arith.select %eq3A_463, %get3A_451, %broadcast_in_dim3A_465 : vector<2000x200xi1>, vector<2000x200xf32>
    %reduce_sum3A_467 = arith.constant dense<0.000000e+00> : vector<2000xf32>
    %reduce_sum3A_468 = vector.multi_reduction <add>, %select_n3A_466, %reduce_sum3A_467 [1] : vector<2000x200xf32> to vector<2000xf32>
    %broadcast_in_dim3A_469 = vector.shape_cast %reduce_sum3A_468 : vector<2000xf32> to vector<2000x1xf32>
    %sub3A_470 = arith.subf %broadcast_in_dim3A_469, %log3A_456 : vector<2000x1xf32>
    %transpose3A_471 = tpu.transpose %sub3A_470, [1, 0] : vector<2000x1xf32> -> vector<1x2000xf32>
    %swap3A_472 = arith.constant 0 : index
    %swap3A_473 = arith.constant 28000 : index
    %swap3A_474 = vector.load %arg2[%swap3A_472, %swap3A_473] : memref<1x80000xf32, #tpu.memory_space<vmem>>, vector<1x2000xf32>
    tpu.vector_store %arg2[%swap3A_472, %swap3A_473], %transpose3A_471 {strides = array<i32>} : memref<1x80000xf32, #tpu.memory_space<vmem>>, vector<1x2000xf32>,
    %dma_start3A_475 = arith.constant 56000 : i32
    %dma_start3A_476 = arith.constant 0 : i32
    %dma_start3A_477 = tpu.memref_slice %arg1[%dma_start3A_475, %dma_start3A_476] : memref<100000x200xf32, #tpu.memory_space<any>> -> memref<2000x200xf32, #tpu.memory_space<any>>
    tpu.enqueue_dma source(%dma_start3A_477 : memref<2000x200xf32, #tpu.memory_space<any>>) target(%arg5 : memref<2000x200xf32, #tpu.memory_space<vmem>>) target_semaphore(%arg9 : memref<!tpu.dma_semaphore, #tpu.memory_space<semaphore_mem>>)
    %dma_wait3A_478 = arith.constant 0 : i32
    %dma_wait3A_479 = arith.constant 0 : i32
    %dma_wait3A_480 = tpu.memref_slice %arg1[%dma_wait3A_478, %dma_wait3A_479] : memref<100000x200xf32, #tpu.memory_space<any>> -> memref<2000x200xf32, #tpu.memory_space<any>>
    tpu.wait_dma2 semaphore(%arg10 : memref<!tpu.dma_semaphore, #tpu.memory_space<semaphore_mem>>) src(%dma_wait3A_480 : memref<2000x200xf32, #tpu.memory_space<any>>) dst(%arg6 : memref<2000x200xf32, #tpu.memory_space<vmem>>)
    %get3A_481 = arith.constant 0 : index
    %get3A_482 = arith.constant 0 : index
    %get3A_483 = vector.load %arg6[%get3A_481, %get3A_482] : memref<2000x200xf32, #tpu.memory_space<vmem>>, vector<2000x200xf32>
    %exp3A_484 = math.exp %get3A_483 : vector<2000x200xf32>
    %reduce_sum3A_485 = arith.constant dense<0.000000e+00> : vector<2000xf32>
    %reduce_sum3A_486 = vector.multi_reduction <add>, %exp3A_484, %reduce_sum3A_485 [1] : vector<2000x200xf32> to vector<2000xf32>
    %broadcast_in_dim3A_487 = vector.shape_cast %reduce_sum3A_486 : vector<2000xf32> to vector<2000x1xf32>
    %log3A_488 = math.log %broadcast_in_dim3A_487 : vector<2000x1xf32>
    %get3A_489 = arith.constant 0 : index
    %get3A_490 = arith.constant 50000 : index
    %get3A_491 = vector.load %arg0[%get3A_489, %get3A_490] : memref<1x100000xi32, #tpu.memory_space<vmem>>, vector<1x2000xi32>
    %transpose3A_492 = tpu.transpose %get3A_491, [1, 0] : vector<1x2000xi32> -> vector<2000x1xi32>
    %iota3A_493 = tpu.iota {dimensions = array<i32: 1>} : vector<2000x200xi32>
    %eq3A_494 = vector.broadcast %transpose3A_492 : vector<2000x1xi32> to vector<2000x200xi32>
    %eq3A_495 = arith.cmpi eq, %iota3A_493, %eq3A_494 : vector<2000x200xi32>
    %jit3A_496 = arith.constant 0.000000e+00 : f32
    %broadcast_in_dim3A_497 = vector.broadcast %jit3A_496 : f32 to vector<2000x200xf32>
    %select_n3A_498 = arith.select %eq3A_495, %get3A_483, %broadcast_in_dim3A_497 : vector<2000x200xi1>, vector<2000x200xf32>
    %reduce_sum3A_499 = arith.constant dense<0.000000e+00> : vector<2000xf32>
    %reduce_sum3A_500 = vector.multi_reduction <add>, %select_n3A_498, %reduce_sum3A_499 [1] : vector<2000x200xf32> to vector<2000xf32>
    %broadcast_in_dim3A_501 = vector.shape_cast %reduce_sum3A_500 : vector<2000xf32> to vector<2000x1xf32>
    %sub3A_502 = arith.subf %broadcast_in_dim3A_501, %log3A_488 : vector<2000x1xf32>
    %transpose3A_503 = tpu.transpose %sub3A_502, [1, 0] : vector<2000x1xf32> -> vector<1x2000xf32>
    %swap3A_504 = arith.constant 0 : index
    %swap3A_505 = arith.constant 30000 : index
    %swap3A_506 = vector.load %arg2[%swap3A_504, %swap3A_505] : memref<1x80000xf32, #tpu.memory_space<vmem>>, vector<1x2000xf32>
    tpu.vector_store %arg2[%swap3A_504, %swap3A_505], %transpose3A_503 {strides = array<i32>} : memref<1x80000xf32, #tpu.memory_space<vmem>>, vector<1x2000xf32>,
    %dma_start3A_507 = arith.constant 58000 : i32
    %dma_start3A_508 = arith.constant 0 : i32
    %dma_start3A_509 = tpu.memref_slice %arg1[%dma_start3A_507, %dma_start3A_508] : memref<100000x200xf32, #tpu.memory_space<any>> -> memref<2000x200xf32, #tpu.memory_space<any>>
    tpu.enqueue_dma source(%dma_start3A_509 : memref<2000x200xf32, #tpu.memory_space<any>>) target(%arg6 : memref<2000x200xf32, #tpu.memory_space<vmem>>) target_semaphore(%arg10 : memref<!tpu.dma_semaphore, #tpu.memory_space<semaphore_mem>>)
    %dma_wait3A_510 = arith.constant 0 : i32
    %dma_wait3A_511 = arith.constant 0 : i32
    %dma_wait3A_512 = tpu.memref_slice %arg1[%dma_wait3A_510, %dma_wait3A_511] : memref<100000x200xf32, #tpu.memory_space<any>> -> memref<2000x200xf32, #tpu.memory_space<any>>
    tpu.wait_dma2 semaphore(%arg7 : memref<!tpu.dma_semaphore, #tpu.memory_space<semaphore_mem>>) src(%dma_wait3A_512 : memref<2000x200xf32, #tpu.memory_space<any>>) dst(%arg3 : memref<2000x200xf32, #tpu.memory_space<vmem>>)
    %get3A_513 = arith.constant 0 : index
    %get3A_514 = arith.constant 0 : index
    %get3A_515 = vector.load %arg3[%get3A_513, %get3A_514] : memref<2000x200xf32, #tpu.memory_space<vmem>>, vector<2000x200xf32>
    %exp3A_516 = math.exp %get3A_515 : vector<2000x200xf32>
    %reduce_sum3A_517 = arith.constant dense<0.000000e+00> : vector<2000xf32>
    %reduce_sum3A_518 = vector.multi_reduction <add>, %exp3A_516, %reduce_sum3A_517 [1] : vector<2000x200xf32> to vector<2000xf32>
    %broadcast_in_dim3A_519 = vector.shape_cast %reduce_sum3A_518 : vector<2000xf32> to vector<2000x1xf32>
    %log3A_520 = math.log %broadcast_in_dim3A_519 : vector<2000x1xf32>
    %get3A_521 = arith.constant 0 : index
    %get3A_522 = arith.constant 52000 : index
    %get3A_523 = vector.load %arg0[%get3A_521, %get3A_522] : memref<1x100000xi32, #tpu.memory_space<vmem>>, vector<1x2000xi32>
    %transpose3A_524 = tpu.transpose %get3A_523, [1, 0] : vector<1x2000xi32> -> vector<2000x1xi32>
    %iota3A_525 = tpu.iota {dimensions = array<i32: 1>} : vector<2000x200xi32>
    %eq3A_526 = vector.broadcast %transpose3A_524 : vector<2000x1xi32> to vector<2000x200xi32>
    %eq3A_527 = arith.cmpi eq, %iota3A_525, %eq3A_526 : vector<2000x200xi32>
    %jit3A_528 = arith.constant 0.000000e+00 : f32
    %broadcast_in_dim3A_529 = vector.broadcast %jit3A_528 : f32 to vector<2000x200xf32>
    %select_n3A_530 = arith.select %eq3A_527, %get3A_515, %broadcast_in_dim3A_529 : vector<2000x200xi1>, vector<2000x200xf32>
    %reduce_sum3A_531 = arith.constant dense<0.000000e+00> : vector<2000xf32>
    %reduce_sum3A_532 = vector.multi_reduction <add>, %select_n3A_530, %reduce_sum3A_531 [1] : vector<2000x200xf32> to vector<2000xf32>
    %broadcast_in_dim3A_533 = vector.shape_cast %reduce_sum3A_532 : vector<2000xf32> to vector<2000x1xf32>
    %sub3A_534 = arith.subf %broadcast_in_dim3A_533, %log3A_520 : vector<2000x1xf32>
    %transpose3A_535 = tpu.transpose %sub3A_534, [1, 0] : vector<2000x1xf32> -> vector<1x2000xf32>
    %swap3A_536 = arith.constant 0 : index
    %swap3A_537 = arith.constant 32000 : index
    %swap3A_538 = vector.load %arg2[%swap3A_536, %swap3A_537] : memref<1x80000xf32, #tpu.memory_space<vmem>>, vector<1x2000xf32>
    tpu.vector_store %arg2[%swap3A_536, %swap3A_537], %transpose3A_535 {strides = array<i32>} : memref<1x80000xf32, #tpu.memory_space<vmem>>, vector<1x2000xf32>,
    %dma_start3A_539 = arith.constant 60000 : i32
    %dma_start3A_540 = arith.constant 0 : i32
    %dma_start3A_541 = tpu.memref_slice %arg1[%dma_start3A_539, %dma_start3A_540] : memref<100000x200xf32, #tpu.memory_space<any>> -> memref<2000x200xf32, #tpu.memory_space<any>>
    tpu.enqueue_dma source(%dma_start3A_541 : memref<2000x200xf32, #tpu.memory_space<any>>) target(%arg3 : memref<2000x200xf32, #tpu.memory_space<vmem>>) target_semaphore(%arg7 : memref<!tpu.dma_semaphore, #tpu.memory_space<semaphore_mem>>)
    %dma_wait3A_542 = arith.constant 0 : i32
    %dma_wait3A_543 = arith.constant 0 : i32
    %dma_wait3A_544 = tpu.memref_slice %arg1[%dma_wait3A_542, %dma_wait3A_543] : memref<100000x200xf32, #tpu.memory_space<any>> -> memref<2000x200xf32, #tpu.memory_space<any>>
    tpu.wait_dma2 semaphore(%arg8 : memref<!tpu.dma_semaphore, #tpu.memory_space<semaphore_mem>>) src(%dma_wait3A_544 : memref<2000x200xf32, #tpu.memory_space<any>>) dst(%arg4 : memref<2000x200xf32, #tpu.memory_space<vmem>>)
    %get3A_545 = arith.constant 0 : index
    %get3A_546 = arith.constant 0 : index
    %get3A_547 = vector.load %arg4[%get3A_545, %get3A_546] : memref<2000x200xf32, #tpu.memory_space<vmem>>, vector<2000x200xf32>
    %exp3A_548 = math.exp %get3A_547 : vector<2000x200xf32>
    %reduce_sum3A_549 = arith.constant dense<0.000000e+00> : vector<2000xf32>
    %reduce_sum3A_550 = vector.multi_reduction <add>, %exp3A_548, %reduce_sum3A_549 [1] : vector<2000x200xf32> to vector<2000xf32>
    %broadcast_in_dim3A_551 = vector.shape_cast %reduce_sum3A_550 : vector<2000xf32> to vector<2000x1xf32>
    %log3A_552 = math.log %broadcast_in_dim3A_551 : vector<2000x1xf32>
    %get3A_553 = arith.constant 0 : index
    %get3A_554 = arith.constant 54000 : index
    %get3A_555 = vector.load %arg0[%get3A_553, %get3A_554] : memref<1x100000xi32, #tpu.memory_space<vmem>>, vector<1x2000xi32>
    %transpose3A_556 = tpu.transpose %get3A_555, [1, 0] : vector<1x2000xi32> -> vector<2000x1xi32>
    %iota3A_557 = tpu.iota {dimensions = array<i32: 1>} : vector<2000x200xi32>
    %eq3A_558 = vector.broadcast %transpose3A_556 : vector<2000x1xi32> to vector<2000x200xi32>
    %eq3A_559 = arith.cmpi eq, %iota3A_557, %eq3A_558 : vector<2000x200xi32>
    %jit3A_560 = arith.constant 0.000000e+00 : f32
    %broadcast_in_dim3A_561 = vector.broadcast %jit3A_560 : f32 to vector<2000x200xf32>
    %select_n3A_562 = arith.select %eq3A_559, %get3A_547, %broadcast_in_dim3A_561 : vector<2000x200xi1>, vector<2000x200xf32>
    %reduce_sum3A_563 = arith.constant dense<0.000000e+00> : vector<2000xf32>
    %reduce_sum3A_564 = vector.multi_reduction <add>, %select_n3A_562, %reduce_sum3A_563 [1] : vector<2000x200xf32> to vector<2000xf32>
    %broadcast_in_dim3A_565 = vector.shape_cast %reduce_sum3A_564 : vector<2000xf32> to vector<2000x1xf32>
    %sub3A_566 = arith.subf %broadcast_in_dim3A_565, %log3A_552 : vector<2000x1xf32>
    %transpose3A_567 = tpu.transpose %sub3A_566, [1, 0] : vector<2000x1xf32> -> vector<1x2000xf32>
    %swap3A_568 = arith.constant 0 : index
    %swap3A_569 = arith.constant 34000 : index
    %swap3A_570 = vector.load %arg2[%swap3A_568, %swap3A_569] : memref<1x80000xf32, #tpu.memory_space<vmem>>, vector<1x2000xf32>
    tpu.vector_store %arg2[%swap3A_568, %swap3A_569], %transpose3A_567 {strides = array<i32>} : memref<1x80000xf32, #tpu.memory_space<vmem>>, vector<1x2000xf32>,
    %dma_start3A_571 = arith.constant 62000 : i32
    %dma_start3A_572 = arith.constant 0 : i32
    %dma_start3A_573 = tpu.memref_slice %arg1[%dma_start3A_571, %dma_start3A_572] : memref<100000x200xf32, #tpu.memory_space<any>> -> memref<2000x200xf32, #tpu.memory_space<any>>
    tpu.enqueue_dma source(%dma_start3A_573 : memref<2000x200xf32, #tpu.memory_space<any>>) target(%arg4 : memref<2000x200xf32, #tpu.memory_space<vmem>>) target_semaphore(%arg8 : memref<!tpu.dma_semaphore, #tpu.memory_space<semaphore_mem>>)
    %dma_wait3A_574 = arith.constant 0 : i32
    %dma_wait3A_575 = arith.constant 0 : i32
    %dma_wait3A_576 = tpu.memref_slice %arg1[%dma_wait3A_574, %dma_wait3A_575] : memref<100000x200xf32, #tpu.memory_space<any>> -> memref<2000x200xf32, #tpu.memory_space<any>>
    tpu.wait_dma2 semaphore(%arg9 : memref<!tpu.dma_semaphore, #tpu.memory_space<semaphore_mem>>) src(%dma_wait3A_576 : memref<2000x200xf32, #tpu.memory_space<any>>) dst(%arg5 : memref<2000x200xf32, #tpu.memory_space<vmem>>)
    %get3A_577 = arith.constant 0 : index
    %get3A_578 = arith.constant 0 : index
    %get3A_579 = vector.load %arg5[%get3A_577, %get3A_578] : memref<2000x200xf32, #tpu.memory_space<vmem>>, vector<2000x200xf32>
    %exp3A_580 = math.exp %get3A_579 : vector<2000x200xf32>
    %reduce_sum3A_581 = arith.constant dense<0.000000e+00> : vector<2000xf32>
    %reduce_sum3A_582 = vector.multi_reduction <add>, %exp3A_580, %reduce_sum3A_581 [1] : vector<2000x200xf32> to vector<2000xf32>
    %broadcast_in_dim3A_583 = vector.shape_cast %reduce_sum3A_582 : vector<2000xf32> to vector<2000x1xf32>
    %log3A_584 = math.log %broadcast_in_dim3A_583 : vector<2000x1xf32>
    %get3A_585 = arith.constant 0 : index
    %get3A_586 = arith.constant 56000 : index
    %get3A_587 = vector.load %arg0[%get3A_585, %get3A_586] : memref<1x100000xi32, #tpu.memory_space<vmem>>, vector<1x2000xi32>
    %transpose3A_588 = tpu.transpose %get3A_587, [1, 0] : vector<1x2000xi32> -> vector<2000x1xi32>
    %iota3A_589 = tpu.iota {dimensions = array<i32: 1>} : vector<2000x200xi32>
    %eq3A_590 = vector.broadcast %transpose3A_588 : vector<2000x1xi32> to vector<2000x200xi32>
    %eq3A_591 = arith.cmpi eq, %iota3A_589, %eq3A_590 : vector<2000x200xi32>
    %jit3A_592 = arith.constant 0.000000e+00 : f32
    %broadcast_in_dim3A_593 = vector.broadcast %jit3A_592 : f32 to vector<2000x200xf32>
    %select_n3A_594 = arith.select %eq3A_591, %get3A_579, %broadcast_in_dim3A_593 : vector<2000x200xi1>, vector<2000x200xf32>
    %reduce_sum3A_595 = arith.constant dense<0.000000e+00> : vector<2000xf32>
    %reduce_sum3A_596 = vector.multi_reduction <add>, %select_n3A_594, %reduce_sum3A_595 [1] : vector<2000x200xf32> to vector<2000xf32>
    %broadcast_in_dim3A_597 = vector.shape_cast %reduce_sum3A_596 : vector<2000xf32> to vector<2000x1xf32>
    %sub3A_598 = arith.subf %broadcast_in_dim3A_597, %log3A_584 : vector<2000x1xf32>
    %transpose3A_599 = tpu.transpose %sub3A_598, [1, 0] : vector<2000x1xf32> -> vector<1x2000xf32>
    %swap3A_600 = arith.constant 0 : index
    %swap3A_601 = arith.constant 36000 : index
    %swap3A_602 = vector.load %arg2[%swap3A_600, %swap3A_601] : memref<1x80000xf32, #tpu.memory_space<vmem>>, vector<1x2000xf32>
    tpu.vector_store %arg2[%swap3A_600, %swap3A_601], %transpose3A_599 {strides = array<i32>} : memref<1x80000xf32, #tpu.memory_space<vmem>>, vector<1x2000xf32>,
    %dma_start3A_603 = arith.constant 64000 : i32
    %dma_start3A_604 = arith.constant 0 : i32
    %dma_start3A_605 = tpu.memref_slice %arg1[%dma_start3A_603, %dma_start3A_604] : memref<100000x200xf32, #tpu.memory_space<any>> -> memref<2000x200xf32, #tpu.memory_space<any>>
    tpu.enqueue_dma source(%dma_start3A_605 : memref<2000x200xf32, #tpu.memory_space<any>>) target(%arg5 : memref<2000x200xf32, #tpu.memory_space<vmem>>) target_semaphore(%arg9 : memref<!tpu.dma_semaphore, #tpu.memory_space<semaphore_mem>>)
    %dma_wait3A_606 = arith.constant 0 : i32
    %dma_wait3A_607 = arith.constant 0 : i32
    %dma_wait3A_608 = tpu.memref_slice %arg1[%dma_wait3A_606, %dma_wait3A_607] : memref<100000x200xf32, #tpu.memory_space<any>> -> memref<2000x200xf32, #tpu.memory_space<any>>
    tpu.wait_dma2 semaphore(%arg10 : memref<!tpu.dma_semaphore, #tpu.memory_space<semaphore_mem>>) src(%dma_wait3A_608 : memref<2000x200xf32, #tpu.memory_space<any>>) dst(%arg6 : memref<2000x200xf32, #tpu.memory_space<vmem>>)
    %get3A_609 = arith.constant 0 : index
    %get3A_610 = arith.constant 0 : index
    %get3A_611 = vector.load %arg6[%get3A_609, %get3A_610] : memref<2000x200xf32, #tpu.memory_space<vmem>>, vector<2000x200xf32>
    %exp3A_612 = math.exp %get3A_611 : vector<2000x200xf32>
    %reduce_sum3A_613 = arith.constant dense<0.000000e+00> : vector<2000xf32>
    %reduce_sum3A_614 = vector.multi_reduction <add>, %exp3A_612, %reduce_sum3A_613 [1] : vector<2000x200xf32> to vector<2000xf32>
    %broadcast_in_dim3A_615 = vector.shape_cast %reduce_sum3A_614 : vector<2000xf32> to vector<2000x1xf32>
    %log3A_616 = math.log %broadcast_in_dim3A_615 : vector<2000x1xf32>
    %get3A_617 = arith.constant 0 : index
    %get3A_618 = arith.constant 58000 : index
    %get3A_619 = vector.load %arg0[%get3A_617, %get3A_618] : memref<1x100000xi32, #tpu.memory_space<vmem>>, vector<1x2000xi32>
    %transpose3A_620 = tpu.transpose %get3A_619, [1, 0] : vector<1x2000xi32> -> vector<2000x1xi32>
    %iota3A_621 = tpu.iota {dimensions = array<i32: 1>} : vector<2000x200xi32>
    %eq3A_622 = vector.broadcast %transpose3A_620 : vector<2000x1xi32> to vector<2000x200xi32>
    %eq3A_623 = arith.cmpi eq, %iota3A_621, %eq3A_622 : vector<2000x200xi32>
    %jit3A_624 = arith.constant 0.000000e+00 : f32
    %broadcast_in_dim3A_625 = vector.broadcast %jit3A_624 : f32 to vector<2000x200xf32>
    %select_n3A_626 = arith.select %eq3A_623, %get3A_611, %broadcast_in_dim3A_625 : vector<2000x200xi1>, vector<2000x200xf32>
    %reduce_sum3A_627 = arith.constant dense<0.000000e+00> : vector<2000xf32>
    %reduce_sum3A_628 = vector.multi_reduction <add>, %select_n3A_626, %reduce_sum3A_627 [1] : vector<2000x200xf32> to vector<2000xf32>
    %broadcast_in_dim3A_629 = vector.shape_cast %reduce_sum3A_628 : vector<2000xf32> to vector<2000x1xf32>
    %sub3A_630 = arith.subf %broadcast_in_dim3A_629, %log3A_616 : vector<2000x1xf32>
    %transpose3A_631 = tpu.transpose %sub3A_630, [1, 0] : vector<2000x1xf32> -> vector<1x2000xf32>
    %swap3A_632 = arith.constant 0 : index
    %swap3A_633 = arith.constant 38000 : index
    %swap3A_634 = vector.load %arg2[%swap3A_632, %swap3A_633] : memref<1x80000xf32, #tpu.memory_space<vmem>>, vector<1x2000xf32>
    tpu.vector_store %arg2[%swap3A_632, %swap3A_633], %transpose3A_631 {strides = array<i32>} : memref<1x80000xf32, #tpu.memory_space<vmem>>, vector<1x2000xf32>,
    %dma_start3A_635 = arith.constant 66000 : i32
    %dma_start3A_636 = arith.constant 0 : i32
    %dma_start3A_637 = tpu.memref_slice %arg1[%dma_start3A_635, %dma_start3A_636] : memref<100000x200xf32, #tpu.memory_space<any>> -> memref<2000x200xf32, #tpu.memory_space<any>>
    tpu.enqueue_dma source(%dma_start3A_637 : memref<2000x200xf32, #tpu.memory_space<any>>) target(%arg6 : memref<2000x200xf32, #tpu.memory_space<vmem>>) target_semaphore(%arg10 : memref<!tpu.dma_semaphore, #tpu.memory_space<semaphore_mem>>)
    %dma_wait3A_638 = arith.constant 0 : i32
    %dma_wait3A_639 = arith.constant 0 : i32
    %dma_wait3A_640 = tpu.memref_slice %arg1[%dma_wait3A_638, %dma_wait3A_639] : memref<100000x200xf32, #tpu.memory_space<any>> -> memref<2000x200xf32, #tpu.memory_space<any>>
    tpu.wait_dma2 semaphore(%arg7 : memref<!tpu.dma_semaphore, #tpu.memory_space<semaphore_mem>>) src(%dma_wait3A_640 : memref<2000x200xf32, #tpu.memory_space<any>>) dst(%arg3 : memref<2000x200xf32, #tpu.memory_space<vmem>>)
    %get3A_641 = arith.constant 0 : index
    %get3A_642 = arith.constant 0 : index
    %get3A_643 = vector.load %arg3[%get3A_641, %get3A_642] : memref<2000x200xf32, #tpu.memory_space<vmem>>, vector<2000x200xf32>
    %exp3A_644 = math.exp %get3A_643 : vector<2000x200xf32>
    %reduce_sum3A_645 = arith.constant dense<0.000000e+00> : vector<2000xf32>
    %reduce_sum3A_646 = vector.multi_reduction <add>, %exp3A_644, %reduce_sum3A_645 [1] : vector<2000x200xf32> to vector<2000xf32>
    %broadcast_in_dim3A_647 = vector.shape_cast %reduce_sum3A_646 : vector<2000xf32> to vector<2000x1xf32>
    %log3A_648 = math.log %broadcast_in_dim3A_647 : vector<2000x1xf32>
    %get3A_649 = arith.constant 0 : index
    %get3A_650 = arith.constant 60000 : index
    %get3A_651 = vector.load %arg0[%get3A_649, %get3A_650] : memref<1x100000xi32, #tpu.memory_space<vmem>>, vector<1x2000xi32>
    %transpose3A_652 = tpu.transpose %get3A_651, [1, 0] : vector<1x2000xi32> -> vector<2000x1xi32>
    %iota3A_653 = tpu.iota {dimensions = array<i32: 1>} : vector<2000x200xi32>
    %eq3A_654 = vector.broadcast %transpose3A_652 : vector<2000x1xi32> to vector<2000x200xi32>
    %eq3A_655 = arith.cmpi eq, %iota3A_653, %eq3A_654 : vector<2000x200xi32>
    %jit3A_656 = arith.constant 0.000000e+00 : f32
    %broadcast_in_dim3A_657 = vector.broadcast %jit3A_656 : f32 to vector<2000x200xf32>
    %select_n3A_658 = arith.select %eq3A_655, %get3A_643, %broadcast_in_dim3A_657 : vector<2000x200xi1>, vector<2000x200xf32>
    %reduce_sum3A_659 = arith.constant dense<0.000000e+00> : vector<2000xf32>
    %reduce_sum3A_660 = vector.multi_reduction <add>, %select_n3A_658, %reduce_sum3A_659 [1] : vector<2000x200xf32> to vector<2000xf32>
    %broadcast_in_dim3A_661 = vector.shape_cast %reduce_sum3A_660 : vector<2000xf32> to vector<2000x1xf32>
    %sub3A_662 = arith.subf %broadcast_in_dim3A_661, %log3A_648 : vector<2000x1xf32>
    %transpose3A_663 = tpu.transpose %sub3A_662, [1, 0] : vector<2000x1xf32> -> vector<1x2000xf32>
    %swap3A_664 = arith.constant 0 : index
    %swap3A_665 = arith.constant 40000 : index
    %swap3A_666 = vector.load %arg2[%swap3A_664, %swap3A_665] : memref<1x80000xf32, #tpu.memory_space<vmem>>, vector<1x2000xf32>
    tpu.vector_store %arg2[%swap3A_664, %swap3A_665], %transpose3A_663 {strides = array<i32>} : memref<1x80000xf32, #tpu.memory_space<vmem>>, vector<1x2000xf32>,
    %dma_start3A_667 = arith.constant 68000 : i32
    %dma_start3A_668 = arith.constant 0 : i32
    %dma_start3A_669 = tpu.memref_slice %arg1[%dma_start3A_667, %dma_start3A_668] : memref<100000x200xf32, #tpu.memory_space<any>> -> memref<2000x200xf32, #tpu.memory_space<any>>
    tpu.enqueue_dma source(%dma_start3A_669 : memref<2000x200xf32, #tpu.memory_space<any>>) target(%arg3 : memref<2000x200xf32, #tpu.memory_space<vmem>>) target_semaphore(%arg7 : memref<!tpu.dma_semaphore, #tpu.memory_space<semaphore_mem>>)
    %dma_wait3A_670 = arith.constant 0 : i32
    %dma_wait3A_671 = arith.constant 0 : i32
    %dma_wait3A_672 = tpu.memref_slice %arg1[%dma_wait3A_670, %dma_wait3A_671] : memref<100000x200xf32, #tpu.memory_space<any>> -> memref<2000x200xf32, #tpu.memory_space<any>>
    tpu.wait_dma2 semaphore(%arg8 : memref<!tpu.dma_semaphore, #tpu.memory_space<semaphore_mem>>) src(%dma_wait3A_672 : memref<2000x200xf32, #tpu.memory_space<any>>) dst(%arg4 : memref<2000x200xf32, #tpu.memory_space<vmem>>)
    %get3A_673 = arith.constant 0 : index
    %get3A_674 = arith.constant 0 : index
    %get3A_675 = vector.load %arg4[%get3A_673, %get3A_674] : memref<2000x200xf32, #tpu.memory_space<vmem>>, vector<2000x200xf32>
    %exp3A_676 = math.exp %get3A_675 : vector<2000x200xf32>
    %reduce_sum3A_677 = arith.constant dense<0.000000e+00> : vector<2000xf32>
    %reduce_sum3A_678 = vector.multi_reduction <add>, %exp3A_676, %reduce_sum3A_677 [1] : vector<2000x200xf32> to vector<2000xf32>
    %broadcast_in_dim3A_679 = vector.shape_cast %reduce_sum3A_678 : vector<2000xf32> to vector<2000x1xf32>
    %log3A_680 = math.log %broadcast_in_dim3A_679 : vector<2000x1xf32>
    %get3A_681 = arith.constant 0 : index
    %get3A_682 = arith.constant 62000 : index
    %get3A_683 = vector.load %arg0[%get3A_681, %get3A_682] : memref<1x100000xi32, #tpu.memory_space<vmem>>, vector<1x2000xi32>
    %transpose3A_684 = tpu.transpose %get3A_683, [1, 0] : vector<1x2000xi32> -> vector<2000x1xi32>
    %iota3A_685 = tpu.iota {dimensions = array<i32: 1>} : vector<2000x200xi32>
    %eq3A_686 = vector.broadcast %transpose3A_684 : vector<2000x1xi32> to vector<2000x200xi32>
    %eq3A_687 = arith.cmpi eq, %iota3A_685, %eq3A_686 : vector<2000x200xi32>
    %jit3A_688 = arith.constant 0.000000e+00 : f32
    %broadcast_in_dim3A_689 = vector.broadcast %jit3A_688 : f32 to vector<2000x200xf32>
    %select_n3A_690 = arith.select %eq3A_687, %get3A_675, %broadcast_in_dim3A_689 : vector<2000x200xi1>, vector<2000x200xf32>
    %reduce_sum3A_691 = arith.constant dense<0.000000e+00> : vector<2000xf32>
    %reduce_sum3A_692 = vector.multi_reduction <add>, %select_n3A_690, %reduce_sum3A_691 [1] : vector<2000x200xf32> to vector<2000xf32>
    %broadcast_in_dim3A_693 = vector.shape_cast %reduce_sum3A_692 : vector<2000xf32> to vector<2000x1xf32>
    %sub3A_694 = arith.subf %broadcast_in_dim3A_693, %log3A_680 : vector<2000x1xf32>
    %transpose3A_695 = tpu.transpose %sub3A_694, [1, 0] : vector<2000x1xf32> -> vector<1x2000xf32>
    %swap3A_696 = arith.constant 0 : index
    %swap3A_697 = arith.constant 42000 : index
    %swap3A_698 = vector.load %arg2[%swap3A_696, %swap3A_697] : memref<1x80000xf32, #tpu.memory_space<vmem>>, vector<1x2000xf32>
    tpu.vector_store %arg2[%swap3A_696, %swap3A_697], %transpose3A_695 {strides = array<i32>} : memref<1x80000xf32, #tpu.memory_space<vmem>>, vector<1x2000xf32>,
    %dma_start3A_699 = arith.constant 70000 : i32
    %dma_start3A_700 = arith.constant 0 : i32
    %dma_start3A_701 = tpu.memref_slice %arg1[%dma_start3A_699, %dma_start3A_700] : memref<100000x200xf32, #tpu.memory_space<any>> -> memref<2000x200xf32, #tpu.memory_space<any>>
    tpu.enqueue_dma source(%dma_start3A_701 : memref<2000x200xf32, #tpu.memory_space<any>>) target(%arg4 : memref<2000x200xf32, #tpu.memory_space<vmem>>) target_semaphore(%arg8 : memref<!tpu.dma_semaphore, #tpu.memory_space<semaphore_mem>>)
    %dma_wait3A_702 = arith.constant 0 : i32
    %dma_wait3A_703 = arith.constant 0 : i32
    %dma_wait3A_704 = tpu.memref_slice %arg1[%dma_wait3A_702, %dma_wait3A_703] : memref<100000x200xf32, #tpu.memory_space<any>> -> memref<2000x200xf32, #tpu.memory_space<any>>
    tpu.wait_dma2 semaphore(%arg9 : memref<!tpu.dma_semaphore, #tpu.memory_space<semaphore_mem>>) src(%dma_wait3A_704 : memref<2000x200xf32, #tpu.memory_space<any>>) dst(%arg5 : memref<2000x200xf32, #tpu.memory_space<vmem>>)
    %get3A_705 = arith.constant 0 : index
    %get3A_706 = arith.constant 0 : index
    %get3A_707 = vector.load %arg5[%get3A_705, %get3A_706] : memref<2000x200xf32, #tpu.memory_space<vmem>>, vector<2000x200xf32>
    %exp3A_708 = math.exp %get3A_707 : vector<2000x200xf32>
    %reduce_sum3A_709 = arith.constant dense<0.000000e+00> : vector<2000xf32>
    %reduce_sum3A_710 = vector.multi_reduction <add>, %exp3A_708, %reduce_sum3A_709 [1] : vector<2000x200xf32> to vector<2000xf32>
    %broadcast_in_dim3A_711 = vector.shape_cast %reduce_sum3A_710 : vector<2000xf32> to vector<2000x1xf32>
    %log3A_712 = math.log %broadcast_in_dim3A_711 : vector<2000x1xf32>
    %get3A_713 = arith.constant 0 : index
    %get3A_714 = arith.constant 64000 : index
    %get3A_715 = vector.load %arg0[%get3A_713, %get3A_714] : memref<1x100000xi32, #tpu.memory_space<vmem>>, vector<1x2000xi32>
    %transpose3A_716 = tpu.transpose %get3A_715, [1, 0] : vector<1x2000xi32> -> vector<2000x1xi32>
    %iota3A_717 = tpu.iota {dimensions = array<i32: 1>} : vector<2000x200xi32>
    %eq3A_718 = vector.broadcast %transpose3A_716 : vector<2000x1xi32> to vector<2000x200xi32>
    %eq3A_719 = arith.cmpi eq, %iota3A_717, %eq3A_718 : vector<2000x200xi32>
    %jit3A_720 = arith.constant 0.000000e+00 : f32
    %broadcast_in_dim3A_721 = vector.broadcast %jit3A_720 : f32 to vector<2000x200xf32>
    %select_n3A_722 = arith.select %eq3A_719, %get3A_707, %broadcast_in_dim3A_721 : vector<2000x200xi1>, vector<2000x200xf32>
    %reduce_sum3A_723 = arith.constant dense<0.000000e+00> : vector<2000xf32>
    %reduce_sum3A_724 = vector.multi_reduction <add>, %select_n3A_722, %reduce_sum3A_723 [1] : vector<2000x200xf32> to vector<2000xf32>
    %broadcast_in_dim3A_725 = vector.shape_cast %reduce_sum3A_724 : vector<2000xf32> to vector<2000x1xf32>
    %sub3A_726 = arith.subf %broadcast_in_dim3A_725, %log3A_712 : vector<2000x1xf32>
    %transpose3A_727 = tpu.transpose %sub3A_726, [1, 0] : vector<2000x1xf32> -> vector<1x2000xf32>
    %swap3A_728 = arith.constant 0 : index
    %swap3A_729 = arith.constant 44000 : index
    %swap3A_730 = vector.load %arg2[%swap3A_728, %swap3A_729] : memref<1x80000xf32, #tpu.memory_space<vmem>>, vector<1x2000xf32>
    tpu.vector_store %arg2[%swap3A_728, %swap3A_729], %transpose3A_727 {strides = array<i32>} : memref<1x80000xf32, #tpu.memory_space<vmem>>, vector<1x2000xf32>,
    %dma_start3A_731 = arith.constant 72000 : i32
    %dma_start3A_732 = arith.constant 0 : i32
    %dma_start3A_733 = tpu.memref_slice %arg1[%dma_start3A_731, %dma_start3A_732] : memref<100000x200xf32, #tpu.memory_space<any>> -> memref<2000x200xf32, #tpu.memory_space<any>>
    tpu.enqueue_dma source(%dma_start3A_733 : memref<2000x200xf32, #tpu.memory_space<any>>) target(%arg5 : memref<2000x200xf32, #tpu.memory_space<vmem>>) target_semaphore(%arg9 : memref<!tpu.dma_semaphore, #tpu.memory_space<semaphore_mem>>)
    %dma_wait3A_734 = arith.constant 0 : i32
    %dma_wait3A_735 = arith.constant 0 : i32
    %dma_wait3A_736 = tpu.memref_slice %arg1[%dma_wait3A_734, %dma_wait3A_735] : memref<100000x200xf32, #tpu.memory_space<any>> -> memref<2000x200xf32, #tpu.memory_space<any>>
    tpu.wait_dma2 semaphore(%arg10 : memref<!tpu.dma_semaphore, #tpu.memory_space<semaphore_mem>>) src(%dma_wait3A_736 : memref<2000x200xf32, #tpu.memory_space<any>>) dst(%arg6 : memref<2000x200xf32, #tpu.memory_space<vmem>>)
    %get3A_737 = arith.constant 0 : index
    %get3A_738 = arith.constant 0 : index
    %get3A_739 = vector.load %arg6[%get3A_737, %get3A_738] : memref<2000x200xf32, #tpu.memory_space<vmem>>, vector<2000x200xf32>
    %exp3A_740 = math.exp %get3A_739 : vector<2000x200xf32>
    %reduce_sum3A_741 = arith.constant dense<0.000000e+00> : vector<2000xf32>
    %reduce_sum3A_742 = vector.multi_reduction <add>, %exp3A_740, %reduce_sum3A_741 [1] : vector<2000x200xf32> to vector<2000xf32>
    %broadcast_in_dim3A_743 = vector.shape_cast %reduce_sum3A_742 : vector<2000xf32> to vector<2000x1xf32>
    %log3A_744 = math.log %broadcast_in_dim3A_743 : vector<2000x1xf32>
    %get3A_745 = arith.constant 0 : index
    %get3A_746 = arith.constant 66000 : index
    %get3A_747 = vector.load %arg0[%get3A_745, %get3A_746] : memref<1x100000xi32, #tpu.memory_space<vmem>>, vector<1x2000xi32>
    %transpose3A_748 = tpu.transpose %get3A_747, [1, 0] : vector<1x2000xi32> -> vector<2000x1xi32>
    %iota3A_749 = tpu.iota {dimensions = array<i32: 1>} : vector<2000x200xi32>
    %eq3A_750 = vector.broadcast %transpose3A_748 : vector<2000x1xi32> to vector<2000x200xi32>
    %eq3A_751 = arith.cmpi eq, %iota3A_749, %eq3A_750 : vector<2000x200xi32>
    %jit3A_752 = arith.constant 0.000000e+00 : f32
    %broadcast_in_dim3A_753 = vector.broadcast %jit3A_752 : f32 to vector<2000x200xf32>
    %select_n3A_754 = arith.select %eq3A_751, %get3A_739, %broadcast_in_dim3A_753 : vector<2000x200xi1>, vector<2000x200xf32>
    %reduce_sum3A_755 = arith.constant dense<0.000000e+00> : vector<2000xf32>
    %reduce_sum3A_756 = vector.multi_reduction <add>, %select_n3A_754, %reduce_sum3A_755 [1] : vector<2000x200xf32> to vector<2000xf32>
    %broadcast_in_dim3A_757 = vector.shape_cast %reduce_sum3A_756 : vector<2000xf32> to vector<2000x1xf32>
    %sub3A_758 = arith.subf %broadcast_in_dim3A_757, %log3A_744 : vector<2000x1xf32>
    %transpose3A_759 = tpu.transpose %sub3A_758, [1, 0] : vector<2000x1xf32> -> vector<1x2000xf32>
    %swap3A_760 = arith.constant 0 : index
    %swap3A_761 = arith.constant 46000 : index
    %swap3A_762 = vector.load %arg2[%swap3A_760, %swap3A_761] : memref<1x80000xf32, #tpu.memory_space<vmem>>, vector<1x2000xf32>
    tpu.vector_store %arg2[%swap3A_760, %swap3A_761], %transpose3A_759 {strides = array<i32>} : memref<1x80000xf32, #tpu.memory_space<vmem>>, vector<1x2000xf32>,
    %dma_start3A_763 = arith.constant 74000 : i32
    %dma_start3A_764 = arith.constant 0 : i32
    %dma_start3A_765 = tpu.memref_slice %arg1[%dma_start3A_763, %dma_start3A_764] : memref<100000x200xf32, #tpu.memory_space<any>> -> memref<2000x200xf32, #tpu.memory_space<any>>
    tpu.enqueue_dma source(%dma_start3A_765 : memref<2000x200xf32, #tpu.memory_space<any>>) target(%arg6 : memref<2000x200xf32, #tpu.memory_space<vmem>>) target_semaphore(%arg10 : memref<!tpu.dma_semaphore, #tpu.memory_space<semaphore_mem>>)
    %dma_wait3A_766 = arith.constant 0 : i32
    %dma_wait3A_767 = arith.constant 0 : i32
    %dma_wait3A_768 = tpu.memref_slice %arg1[%dma_wait3A_766, %dma_wait3A_767] : memref<100000x200xf32, #tpu.memory_space<any>> -> memref<2000x200xf32, #tpu.memory_space<any>>
    tpu.wait_dma2 semaphore(%arg7 : memref<!tpu.dma_semaphore, #tpu.memory_space<semaphore_mem>>) src(%dma_wait3A_768 : memref<2000x200xf32, #tpu.memory_space<any>>) dst(%arg3 : memref<2000x200xf32, #tpu.memory_space<vmem>>)
    %get3A_769 = arith.constant 0 : index
    %get3A_770 = arith.constant 0 : index
    %get3A_771 = vector.load %arg3[%get3A_769, %get3A_770] : memref<2000x200xf32, #tpu.memory_space<vmem>>, vector<2000x200xf32>
    %exp3A_772 = math.exp %get3A_771 : vector<2000x200xf32>
    %reduce_sum3A_773 = arith.constant dense<0.000000e+00> : vector<2000xf32>
    %reduce_sum3A_774 = vector.multi_reduction <add>, %exp3A_772, %reduce_sum3A_773 [1] : vector<2000x200xf32> to vector<2000xf32>
    %broadcast_in_dim3A_775 = vector.shape_cast %reduce_sum3A_774 : vector<2000xf32> to vector<2000x1xf32>
    %log3A_776 = math.log %broadcast_in_dim3A_775 : vector<2000x1xf32>
    %get3A_777 = arith.constant 0 : index
    %get3A_778 = arith.constant 68000 : index
    %get3A_779 = vector.load %arg0[%get3A_777, %get3A_778] : memref<1x100000xi32, #tpu.memory_space<vmem>>, vector<1x2000xi32>
    %transpose3A_780 = tpu.transpose %get3A_779, [1, 0] : vector<1x2000xi32> -> vector<2000x1xi32>
    %iota3A_781 = tpu.iota {dimensions = array<i32: 1>} : vector<2000x200xi32>
    %eq3A_782 = vector.broadcast %transpose3A_780 : vector<2000x1xi32> to vector<2000x200xi32>
    %eq3A_783 = arith.cmpi eq, %iota3A_781, %eq3A_782 : vector<2000x200xi32>
    %jit3A_784 = arith.constant 0.000000e+00 : f32
    %broadcast_in_dim3A_785 = vector.broadcast %jit3A_784 : f32 to vector<2000x200xf32>
    %select_n3A_786 = arith.select %eq3A_783, %get3A_771, %broadcast_in_dim3A_785 : vector<2000x200xi1>, vector<2000x200xf32>
    %reduce_sum3A_787 = arith.constant dense<0.000000e+00> : vector<2000xf32>
    %reduce_sum3A_788 = vector.multi_reduction <add>, %select_n3A_786, %reduce_sum3A_787 [1] : vector<2000x200xf32> to vector<2000xf32>
    %broadcast_in_dim3A_789 = vector.shape_cast %reduce_sum3A_788 : vector<2000xf32> to vector<2000x1xf32>
    %sub3A_790 = arith.subf %broadcast_in_dim3A_789, %log3A_776 : vector<2000x1xf32>
    %transpose3A_791 = tpu.transpose %sub3A_790, [1, 0] : vector<2000x1xf32> -> vector<1x2000xf32>
    %swap3A_792 = arith.constant 0 : index
    %swap3A_793 = arith.constant 48000 : index
    %swap3A_794 = vector.load %arg2[%swap3A_792, %swap3A_793] : memref<1x80000xf32, #tpu.memory_space<vmem>>, vector<1x2000xf32>
    tpu.vector_store %arg2[%swap3A_792, %swap3A_793], %transpose3A_791 {strides = array<i32>} : memref<1x80000xf32, #tpu.memory_space<vmem>>, vector<1x2000xf32>,
    %dma_start3A_795 = arith.constant 76000 : i32
    %dma_start3A_796 = arith.constant 0 : i32
    %dma_start3A_797 = tpu.memref_slice %arg1[%dma_start3A_795, %dma_start3A_796] : memref<100000x200xf32, #tpu.memory_space<any>> -> memref<2000x200xf32, #tpu.memory_space<any>>
    tpu.enqueue_dma source(%dma_start3A_797 : memref<2000x200xf32, #tpu.memory_space<any>>) target(%arg3 : memref<2000x200xf32, #tpu.memory_space<vmem>>) target_semaphore(%arg7 : memref<!tpu.dma_semaphore, #tpu.memory_space<semaphore_mem>>)
    %dma_wait3A_798 = arith.constant 0 : i32
    %dma_wait3A_799 = arith.constant 0 : i32
    %dma_wait3A_800 = tpu.memref_slice %arg1[%dma_wait3A_798, %dma_wait3A_799] : memref<100000x200xf32, #tpu.memory_space<any>> -> memref<2000x200xf32, #tpu.memory_space<any>>
    tpu.wait_dma2 semaphore(%arg8 : memref<!tpu.dma_semaphore, #tpu.memory_space<semaphore_mem>>) src(%dma_wait3A_800 : memref<2000x200xf32, #tpu.memory_space<any>>) dst(%arg4 : memref<2000x200xf32, #tpu.memory_space<vmem>>)
    %get3A_801 = arith.constant 0 : index
    %get3A_802 = arith.constant 0 : index
    %get3A_803 = vector.load %arg4[%get3A_801, %get3A_802] : memref<2000x200xf32, #tpu.memory_space<vmem>>, vector<2000x200xf32>
    %exp3A_804 = math.exp %get3A_803 : vector<2000x200xf32>
    %reduce_sum3A_805 = arith.constant dense<0.000000e+00> : vector<2000xf32>
    %reduce_sum3A_806 = vector.multi_reduction <add>, %exp3A_804, %reduce_sum3A_805 [1] : vector<2000x200xf32> to vector<2000xf32>
    %broadcast_in_dim3A_807 = vector.shape_cast %reduce_sum3A_806 : vector<2000xf32> to vector<2000x1xf32>
    %log3A_808 = math.log %broadcast_in_dim3A_807 : vector<2000x1xf32>
    %get3A_809 = arith.constant 0 : index
    %get3A_810 = arith.constant 70000 : index
    %get3A_811 = vector.load %arg0[%get3A_809, %get3A_810] : memref<1x100000xi32, #tpu.memory_space<vmem>>, vector<1x2000xi32>
    %transpose3A_812 = tpu.transpose %get3A_811, [1, 0] : vector<1x2000xi32> -> vector<2000x1xi32>
    %iota3A_813 = tpu.iota {dimensions = array<i32: 1>} : vector<2000x200xi32>
    %eq3A_814 = vector.broadcast %transpose3A_812 : vector<2000x1xi32> to vector<2000x200xi32>
    %eq3A_815 = arith.cmpi eq, %iota3A_813, %eq3A_814 : vector<2000x200xi32>
    %jit3A_816 = arith.constant 0.000000e+00 : f32
    %broadcast_in_dim3A_817 = vector.broadcast %jit3A_816 : f32 to vector<2000x200xf32>
    %select_n3A_818 = arith.select %eq3A_815, %get3A_803, %broadcast_in_dim3A_817 : vector<2000x200xi1>, vector<2000x200xf32>
    %reduce_sum3A_819 = arith.constant dense<0.000000e+00> : vector<2000xf32>
    %reduce_sum3A_820 = vector.multi_reduction <add>, %select_n3A_818, %reduce_sum3A_819 [1] : vector<2000x200xf32> to vector<2000xf32>
    %broadcast_in_dim3A_821 = vector.shape_cast %reduce_sum3A_820 : vector<2000xf32> to vector<2000x1xf32>
    %sub3A_822 = arith.subf %broadcast_in_dim3A_821, %log3A_808 : vector<2000x1xf32>
    %transpose3A_823 = tpu.transpose %sub3A_822, [1, 0] : vector<2000x1xf32> -> vector<1x2000xf32>
    %swap3A_824 = arith.constant 0 : index
    %swap3A_825 = arith.constant 50000 : index
    %swap3A_826 = vector.load %arg2[%swap3A_824, %swap3A_825] : memref<1x80000xf32, #tpu.memory_space<vmem>>, vector<1x2000xf32>
    tpu.vector_store %arg2[%swap3A_824, %swap3A_825], %transpose3A_823 {strides = array<i32>} : memref<1x80000xf32, #tpu.memory_space<vmem>>, vector<1x2000xf32>,
    %dma_start3A_827 = arith.constant 78000 : i32
    %dma_start3A_828 = arith.constant 0 : i32
    %dma_start3A_829 = tpu.memref_slice %arg1[%dma_start3A_827, %dma_start3A_828] : memref<100000x200xf32, #tpu.memory_space<any>> -> memref<2000x200xf32, #tpu.memory_space<any>>
    tpu.enqueue_dma source(%dma_start3A_829 : memref<2000x200xf32, #tpu.memory_space<any>>) target(%arg4 : memref<2000x200xf32, #tpu.memory_space<vmem>>) target_semaphore(%arg8 : memref<!tpu.dma_semaphore, #tpu.memory_space<semaphore_mem>>)
    %dma_wait3A_830 = arith.constant 0 : i32
    %dma_wait3A_831 = arith.constant 0 : i32
    %dma_wait3A_832 = tpu.memref_slice %arg1[%dma_wait3A_830, %dma_wait3A_831] : memref<100000x200xf32, #tpu.memory_space<any>> -> memref<2000x200xf32, #tpu.memory_space<any>>
    tpu.wait_dma2 semaphore(%arg9 : memref<!tpu.dma_semaphore, #tpu.memory_space<semaphore_mem>>) src(%dma_wait3A_832 : memref<2000x200xf32, #tpu.memory_space<any>>) dst(%arg5 : memref<2000x200xf32, #tpu.memory_space<vmem>>)
    %get3A_833 = arith.constant 0 : index
    %get3A_834 = arith.constant 0 : index
    %get3A_835 = vector.load %arg5[%get3A_833, %get3A_834] : memref<2000x200xf32, #tpu.memory_space<vmem>>, vector<2000x200xf32>
    %exp3A_836 = math.exp %get3A_835 : vector<2000x200xf32>
    %reduce_sum3A_837 = arith.constant dense<0.000000e+00> : vector<2000xf32>
    %reduce_sum3A_838 = vector.multi_reduction <add>, %exp3A_836, %reduce_sum3A_837 [1] : vector<2000x200xf32> to vector<2000xf32>
    %broadcast_in_dim3A_839 = vector.shape_cast %reduce_sum3A_838 : vector<2000xf32> to vector<2000x1xf32>
    %log3A_840 = math.log %broadcast_in_dim3A_839 : vector<2000x1xf32>
    %get3A_841 = arith.constant 0 : index
    %get3A_842 = arith.constant 72000 : index
    %get3A_843 = vector.load %arg0[%get3A_841, %get3A_842] : memref<1x100000xi32, #tpu.memory_space<vmem>>, vector<1x2000xi32>
    %transpose3A_844 = tpu.transpose %get3A_843, [1, 0] : vector<1x2000xi32> -> vector<2000x1xi32>
    %iota3A_845 = tpu.iota {dimensions = array<i32: 1>} : vector<2000x200xi32>
    %eq3A_846 = vector.broadcast %transpose3A_844 : vector<2000x1xi32> to vector<2000x200xi32>
    %eq3A_847 = arith.cmpi eq, %iota3A_845, %eq3A_846 : vector<2000x200xi32>
    %jit3A_848 = arith.constant 0.000000e+00 : f32
    %broadcast_in_dim3A_849 = vector.broadcast %jit3A_848 : f32 to vector<2000x200xf32>
    %select_n3A_850 = arith.select %eq3A_847, %get3A_835, %broadcast_in_dim3A_849 : vector<2000x200xi1>, vector<2000x200xf32>
    %reduce_sum3A_851 = arith.constant dense<0.000000e+00> : vector<2000xf32>
    %reduce_sum3A_852 = vector.multi_reduction <add>, %select_n3A_850, %reduce_sum3A_851 [1] : vector<2000x200xf32> to vector<2000xf32>
    %broadcast_in_dim3A_853 = vector.shape_cast %reduce_sum3A_852 : vector<2000xf32> to vector<2000x1xf32>
    %sub3A_854 = arith.subf %broadcast_in_dim3A_853, %log3A_840 : vector<2000x1xf32>
    %transpose3A_855 = tpu.transpose %sub3A_854, [1, 0] : vector<2000x1xf32> -> vector<1x2000xf32>
    %swap3A_856 = arith.constant 0 : index
    %swap3A_857 = arith.constant 52000 : index
    %swap3A_858 = vector.load %arg2[%swap3A_856, %swap3A_857] : memref<1x80000xf32, #tpu.memory_space<vmem>>, vector<1x2000xf32>
    tpu.vector_store %arg2[%swap3A_856, %swap3A_857], %transpose3A_855 {strides = array<i32>} : memref<1x80000xf32, #tpu.memory_space<vmem>>, vector<1x2000xf32>,
    %dma_start3A_859 = arith.constant 80000 : i32
    %dma_start3A_860 = arith.constant 0 : i32
    %dma_start3A_861 = tpu.memref_slice %arg1[%dma_start3A_859, %dma_start3A_860] : memref<100000x200xf32, #tpu.memory_space<any>> -> memref<2000x200xf32, #tpu.memory_space<any>>
    tpu.enqueue_dma source(%dma_start3A_861 : memref<2000x200xf32, #tpu.memory_space<any>>) target(%arg5 : memref<2000x200xf32, #tpu.memory_space<vmem>>) target_semaphore(%arg9 : memref<!tpu.dma_semaphore, #tpu.memory_space<semaphore_mem>>)
    %dma_wait3A_862 = arith.constant 0 : i32
    %dma_wait3A_863 = arith.constant 0 : i32
    %dma_wait3A_864 = tpu.memref_slice %arg1[%dma_wait3A_862, %dma_wait3A_863] : memref<100000x200xf32, #tpu.memory_space<any>> -> memref<2000x200xf32, #tpu.memory_space<any>>
    tpu.wait_dma2 semaphore(%arg10 : memref<!tpu.dma_semaphore, #tpu.memory_space<semaphore_mem>>) src(%dma_wait3A_864 : memref<2000x200xf32, #tpu.memory_space<any>>) dst(%arg6 : memref<2000x200xf32, #tpu.memory_space<vmem>>)
    %get3A_865 = arith.constant 0 : index
    %get3A_866 = arith.constant 0 : index
    %get3A_867 = vector.load %arg6[%get3A_865, %get3A_866] : memref<2000x200xf32, #tpu.memory_space<vmem>>, vector<2000x200xf32>
    %exp3A_868 = math.exp %get3A_867 : vector<2000x200xf32>
    %reduce_sum3A_869 = arith.constant dense<0.000000e+00> : vector<2000xf32>
    %reduce_sum3A_870 = vector.multi_reduction <add>, %exp3A_868, %reduce_sum3A_869 [1] : vector<2000x200xf32> to vector<2000xf32>
    %broadcast_in_dim3A_871 = vector.shape_cast %reduce_sum3A_870 : vector<2000xf32> to vector<2000x1xf32>
    %log3A_872 = math.log %broadcast_in_dim3A_871 : vector<2000x1xf32>
    %get3A_873 = arith.constant 0 : index
    %get3A_874 = arith.constant 74000 : index
    %get3A_875 = vector.load %arg0[%get3A_873, %get3A_874] : memref<1x100000xi32, #tpu.memory_space<vmem>>, vector<1x2000xi32>
    %transpose3A_876 = tpu.transpose %get3A_875, [1, 0] : vector<1x2000xi32> -> vector<2000x1xi32>
    %iota3A_877 = tpu.iota {dimensions = array<i32: 1>} : vector<2000x200xi32>
    %eq3A_878 = vector.broadcast %transpose3A_876 : vector<2000x1xi32> to vector<2000x200xi32>
    %eq3A_879 = arith.cmpi eq, %iota3A_877, %eq3A_878 : vector<2000x200xi32>
    %jit3A_880 = arith.constant 0.000000e+00 : f32
    %broadcast_in_dim3A_881 = vector.broadcast %jit3A_880 : f32 to vector<2000x200xf32>
    %select_n3A_882 = arith.select %eq3A_879, %get3A_867, %broadcast_in_dim3A_881 : vector<2000x200xi1>, vector<2000x200xf32>
    %reduce_sum3A_883 = arith.constant dense<0.000000e+00> : vector<2000xf32>
    %reduce_sum3A_884 = vector.multi_reduction <add>, %select_n3A_882, %reduce_sum3A_883 [1] : vector<2000x200xf32> to vector<2000xf32>
    %broadcast_in_dim3A_885 = vector.shape_cast %reduce_sum3A_884 : vector<2000xf32> to vector<2000x1xf32>
    %sub3A_886 = arith.subf %broadcast_in_dim3A_885, %log3A_872 : vector<2000x1xf32>
    %transpose3A_887 = tpu.transpose %sub3A_886, [1, 0] : vector<2000x1xf32> -> vector<1x2000xf32>
    %swap3A_888 = arith.constant 0 : index
    %swap3A_889 = arith.constant 54000 : index
    %swap3A_890 = vector.load %arg2[%swap3A_888, %swap3A_889] : memref<1x80000xf32, #tpu.memory_space<vmem>>, vector<1x2000xf32>
    tpu.vector_store %arg2[%swap3A_888, %swap3A_889], %transpose3A_887 {strides = array<i32>} : memref<1x80000xf32, #tpu.memory_space<vmem>>, vector<1x2000xf32>,
    %dma_start3A_891 = arith.constant 82000 : i32
    %dma_start3A_892 = arith.constant 0 : i32
    %dma_start3A_893 = tpu.memref_slice %arg1[%dma_start3A_891, %dma_start3A_892] : memref<100000x200xf32, #tpu.memory_space<any>> -> memref<2000x200xf32, #tpu.memory_space<any>>
    tpu.enqueue_dma source(%dma_start3A_893 : memref<2000x200xf32, #tpu.memory_space<any>>) target(%arg6 : memref<2000x200xf32, #tpu.memory_space<vmem>>) target_semaphore(%arg10 : memref<!tpu.dma_semaphore, #tpu.memory_space<semaphore_mem>>)
    %dma_wait3A_894 = arith.constant 0 : i32
    %dma_wait3A_895 = arith.constant 0 : i32
    %dma_wait3A_896 = tpu.memref_slice %arg1[%dma_wait3A_894, %dma_wait3A_895] : memref<100000x200xf32, #tpu.memory_space<any>> -> memref<2000x200xf32, #tpu.memory_space<any>>
    tpu.wait_dma2 semaphore(%arg7 : memref<!tpu.dma_semaphore, #tpu.memory_space<semaphore_mem>>) src(%dma_wait3A_896 : memref<2000x200xf32, #tpu.memory_space<any>>) dst(%arg3 : memref<2000x200xf32, #tpu.memory_space<vmem>>)
    %get3A_897 = arith.constant 0 : index
    %get3A_898 = arith.constant 0 : index
    %get3A_899 = vector.load %arg3[%get3A_897, %get3A_898] : memref<2000x200xf32, #tpu.memory_space<vmem>>, vector<2000x200xf32>
    %exp3A_900 = math.exp %get3A_899 : vector<2000x200xf32>
    %reduce_sum3A_901 = arith.constant dense<0.000000e+00> : vector<2000xf32>
    %reduce_sum3A_902 = vector.multi_reduction <add>, %exp3A_900, %reduce_sum3A_901 [1] : vector<2000x200xf32> to vector<2000xf32>
    %broadcast_in_dim3A_903 = vector.shape_cast %reduce_sum3A_902 : vector<2000xf32> to vector<2000x1xf32>
    %log3A_904 = math.log %broadcast_in_dim3A_903 : vector<2000x1xf32>
    %get3A_905 = arith.constant 0 : index
    %get3A_906 = arith.constant 76000 : index
    %get3A_907 = vector.load %arg0[%get3A_905, %get3A_906] : memref<1x100000xi32, #tpu.memory_space<vmem>>, vector<1x2000xi32>
    %transpose3A_908 = tpu.transpose %get3A_907, [1, 0] : vector<1x2000xi32> -> vector<2000x1xi32>
    %iota3A_909 = tpu.iota {dimensions = array<i32: 1>} : vector<2000x200xi32>
    %eq3A_910 = vector.broadcast %transpose3A_908 : vector<2000x1xi32> to vector<2000x200xi32>
    %eq3A_911 = arith.cmpi eq, %iota3A_909, %eq3A_910 : vector<2000x200xi32>
    %jit3A_912 = arith.constant 0.000000e+00 : f32
    %broadcast_in_dim3A_913 = vector.broadcast %jit3A_912 : f32 to vector<2000x200xf32>
    %select_n3A_914 = arith.select %eq3A_911, %get3A_899, %broadcast_in_dim3A_913 : vector<2000x200xi1>, vector<2000x200xf32>
    %reduce_sum3A_915 = arith.constant dense<0.000000e+00> : vector<2000xf32>
    %reduce_sum3A_916 = vector.multi_reduction <add>, %select_n3A_914, %reduce_sum3A_915 [1] : vector<2000x200xf32> to vector<2000xf32>
    %broadcast_in_dim3A_917 = vector.shape_cast %reduce_sum3A_916 : vector<2000xf32> to vector<2000x1xf32>
    %sub3A_918 = arith.subf %broadcast_in_dim3A_917, %log3A_904 : vector<2000x1xf32>
    %transpose3A_919 = tpu.transpose %sub3A_918, [1, 0] : vector<2000x1xf32> -> vector<1x2000xf32>
    %swap3A_920 = arith.constant 0 : index
    %swap3A_921 = arith.constant 56000 : index
    %swap3A_922 = vector.load %arg2[%swap3A_920, %swap3A_921] : memref<1x80000xf32, #tpu.memory_space<vmem>>, vector<1x2000xf32>
    tpu.vector_store %arg2[%swap3A_920, %swap3A_921], %transpose3A_919 {strides = array<i32>} : memref<1x80000xf32, #tpu.memory_space<vmem>>, vector<1x2000xf32>,
    %dma_start3A_923 = arith.constant 84000 : i32
    %dma_start3A_924 = arith.constant 0 : i32
    %dma_start3A_925 = tpu.memref_slice %arg1[%dma_start3A_923, %dma_start3A_924] : memref<100000x200xf32, #tpu.memory_space<any>> -> memref<2000x200xf32, #tpu.memory_space<any>>
    tpu.enqueue_dma source(%dma_start3A_925 : memref<2000x200xf32, #tpu.memory_space<any>>) target(%arg3 : memref<2000x200xf32, #tpu.memory_space<vmem>>) target_semaphore(%arg7 : memref<!tpu.dma_semaphore, #tpu.memory_space<semaphore_mem>>)
    %dma_wait3A_926 = arith.constant 0 : i32
    %dma_wait3A_927 = arith.constant 0 : i32
    %dma_wait3A_928 = tpu.memref_slice %arg1[%dma_wait3A_926, %dma_wait3A_927] : memref<100000x200xf32, #tpu.memory_space<any>> -> memref<2000x200xf32, #tpu.memory_space<any>>
    tpu.wait_dma2 semaphore(%arg8 : memref<!tpu.dma_semaphore, #tpu.memory_space<semaphore_mem>>) src(%dma_wait3A_928 : memref<2000x200xf32, #tpu.memory_space<any>>) dst(%arg4 : memref<2000x200xf32, #tpu.memory_space<vmem>>)
    %get3A_929 = arith.constant 0 : index
    %get3A_930 = arith.constant 0 : index
    %get3A_931 = vector.load %arg4[%get3A_929, %get3A_930] : memref<2000x200xf32, #tpu.memory_space<vmem>>, vector<2000x200xf32>
    %exp3A_932 = math.exp %get3A_931 : vector<2000x200xf32>
    %reduce_sum3A_933 = arith.constant dense<0.000000e+00> : vector<2000xf32>
    %reduce_sum3A_934 = vector.multi_reduction <add>, %exp3A_932, %reduce_sum3A_933 [1] : vector<2000x200xf32> to vector<2000xf32>
    %broadcast_in_dim3A_935 = vector.shape_cast %reduce_sum3A_934 : vector<2000xf32> to vector<2000x1xf32>
    %log3A_936 = math.log %broadcast_in_dim3A_935 : vector<2000x1xf32>
    %get3A_937 = arith.constant 0 : index
    %get3A_938 = arith.constant 78000 : index
    %get3A_939 = vector.load %arg0[%get3A_937, %get3A_938] : memref<1x100000xi32, #tpu.memory_space<vmem>>, vector<1x2000xi32>
    %transpose3A_940 = tpu.transpose %get3A_939, [1, 0] : vector<1x2000xi32> -> vector<2000x1xi32>
    %iota3A_941 = tpu.iota {dimensions = array<i32: 1>} : vector<2000x200xi32>
    %eq3A_942 = vector.broadcast %transpose3A_940 : vector<2000x1xi32> to vector<2000x200xi32>
    %eq3A_943 = arith.cmpi eq, %iota3A_941, %eq3A_942 : vector<2000x200xi32>
    %jit3A_944 = arith.constant 0.000000e+00 : f32
    %broadcast_in_dim3A_945 = vector.broadcast %jit3A_944 : f32 to vector<2000x200xf32>
    %select_n3A_946 = arith.select %eq3A_943, %get3A_931, %broadcast_in_dim3A_945 : vector<2000x200xi1>, vector<2000x200xf32>
    %reduce_sum3A_947 = arith.constant dense<0.000000e+00> : vector<2000xf32>
    %reduce_sum3A_948 = vector.multi_reduction <add>, %select_n3A_946, %reduce_sum3A_947 [1] : vector<2000x200xf32> to vector<2000xf32>
    %broadcast_in_dim3A_949 = vector.shape_cast %reduce_sum3A_948 : vector<2000xf32> to vector<2000x1xf32>
    %sub3A_950 = arith.subf %broadcast_in_dim3A_949, %log3A_936 : vector<2000x1xf32>
    %transpose3A_951 = tpu.transpose %sub3A_950, [1, 0] : vector<2000x1xf32> -> vector<1x2000xf32>
    %swap3A_952 = arith.constant 0 : index
    %swap3A_953 = arith.constant 58000 : index
    %swap3A_954 = vector.load %arg2[%swap3A_952, %swap3A_953] : memref<1x80000xf32, #tpu.memory_space<vmem>>, vector<1x2000xf32>
    tpu.vector_store %arg2[%swap3A_952, %swap3A_953], %transpose3A_951 {strides = array<i32>} : memref<1x80000xf32, #tpu.memory_space<vmem>>, vector<1x2000xf32>,
    %dma_start3A_955 = arith.constant 86000 : i32
    %dma_start3A_956 = arith.constant 0 : i32
    %dma_start3A_957 = tpu.memref_slice %arg1[%dma_start3A_955, %dma_start3A_956] : memref<100000x200xf32, #tpu.memory_space<any>> -> memref<2000x200xf32, #tpu.memory_space<any>>
    tpu.enqueue_dma source(%dma_start3A_957 : memref<2000x200xf32, #tpu.memory_space<any>>) target(%arg4 : memref<2000x200xf32, #tpu.memory_space<vmem>>) target_semaphore(%arg8 : memref<!tpu.dma_semaphore, #tpu.memory_space<semaphore_mem>>)
    %dma_wait3A_958 = arith.constant 0 : i32
    %dma_wait3A_959 = arith.constant 0 : i32
    %dma_wait3A_960 = tpu.memref_slice %arg1[%dma_wait3A_958, %dma_wait3A_959] : memref<100000x200xf32, #tpu.memory_space<any>> -> memref<2000x200xf32, #tpu.memory_space<any>>
    tpu.wait_dma2 semaphore(%arg9 : memref<!tpu.dma_semaphore, #tpu.memory_space<semaphore_mem>>) src(%dma_wait3A_960 : memref<2000x200xf32, #tpu.memory_space<any>>) dst(%arg5 : memref<2000x200xf32, #tpu.memory_space<vmem>>)
    %get3A_961 = arith.constant 0 : index
    %get3A_962 = arith.constant 0 : index
    %get3A_963 = vector.load %arg5[%get3A_961, %get3A_962] : memref<2000x200xf32, #tpu.memory_space<vmem>>, vector<2000x200xf32>
    %exp3A_964 = math.exp %get3A_963 : vector<2000x200xf32>
    %reduce_sum3A_965 = arith.constant dense<0.000000e+00> : vector<2000xf32>
    %reduce_sum3A_966 = vector.multi_reduction <add>, %exp3A_964, %reduce_sum3A_965 [1] : vector<2000x200xf32> to vector<2000xf32>
    %broadcast_in_dim3A_967 = vector.shape_cast %reduce_sum3A_966 : vector<2000xf32> to vector<2000x1xf32>
    %log3A_968 = math.log %broadcast_in_dim3A_967 : vector<2000x1xf32>
    %get3A_969 = arith.constant 0 : index
    %get3A_970 = arith.constant 80000 : index
    %get3A_971 = vector.load %arg0[%get3A_969, %get3A_970] : memref<1x100000xi32, #tpu.memory_space<vmem>>, vector<1x2000xi32>
    %transpose3A_972 = tpu.transpose %get3A_971, [1, 0] : vector<1x2000xi32> -> vector<2000x1xi32>
    %iota3A_973 = tpu.iota {dimensions = array<i32: 1>} : vector<2000x200xi32>
    %eq3A_974 = vector.broadcast %transpose3A_972 : vector<2000x1xi32> to vector<2000x200xi32>
    %eq3A_975 = arith.cmpi eq, %iota3A_973, %eq3A_974 : vector<2000x200xi32>
    %jit3A_976 = arith.constant 0.000000e+00 : f32
    %broadcast_in_dim3A_977 = vector.broadcast %jit3A_976 : f32 to vector<2000x200xf32>
    %select_n3A_978 = arith.select %eq3A_975, %get3A_963, %broadcast_in_dim3A_977 : vector<2000x200xi1>, vector<2000x200xf32>
    %reduce_sum3A_979 = arith.constant dense<0.000000e+00> : vector<2000xf32>
    %reduce_sum3A_980 = vector.multi_reduction <add>, %select_n3A_978, %reduce_sum3A_979 [1] : vector<2000x200xf32> to vector<2000xf32>
    %broadcast_in_dim3A_981 = vector.shape_cast %reduce_sum3A_980 : vector<2000xf32> to vector<2000x1xf32>
    %sub3A_982 = arith.subf %broadcast_in_dim3A_981, %log3A_968 : vector<2000x1xf32>
    %transpose3A_983 = tpu.transpose %sub3A_982, [1, 0] : vector<2000x1xf32> -> vector<1x2000xf32>
    %swap3A_984 = arith.constant 0 : index
    %swap3A_985 = arith.constant 60000 : index
    %swap3A_986 = vector.load %arg2[%swap3A_984, %swap3A_985] : memref<1x80000xf32, #tpu.memory_space<vmem>>, vector<1x2000xf32>
    tpu.vector_store %arg2[%swap3A_984, %swap3A_985], %transpose3A_983 {strides = array<i32>} : memref<1x80000xf32, #tpu.memory_space<vmem>>, vector<1x2000xf32>,
    %dma_start3A_987 = arith.constant 88000 : i32
    %dma_start3A_988 = arith.constant 0 : i32
    %dma_start3A_989 = tpu.memref_slice %arg1[%dma_start3A_987, %dma_start3A_988] : memref<100000x200xf32, #tpu.memory_space<any>> -> memref<2000x200xf32, #tpu.memory_space<any>>
    tpu.enqueue_dma source(%dma_start3A_989 : memref<2000x200xf32, #tpu.memory_space<any>>) target(%arg5 : memref<2000x200xf32, #tpu.memory_space<vmem>>) target_semaphore(%arg9 : memref<!tpu.dma_semaphore, #tpu.memory_space<semaphore_mem>>)
    %dma_wait3A_990 = arith.constant 0 : i32
    %dma_wait3A_991 = arith.constant 0 : i32
    %dma_wait3A_992 = tpu.memref_slice %arg1[%dma_wait3A_990, %dma_wait3A_991] : memref<100000x200xf32, #tpu.memory_space<any>> -> memref<2000x200xf32, #tpu.memory_space<any>>
    tpu.wait_dma2 semaphore(%arg10 : memref<!tpu.dma_semaphore, #tpu.memory_space<semaphore_mem>>) src(%dma_wait3A_992 : memref<2000x200xf32, #tpu.memory_space<any>>) dst(%arg6 : memref<2000x200xf32, #tpu.memory_space<vmem>>)
    %get3A_993 = arith.constant 0 : index
    %get3A_994 = arith.constant 0 : index
    %get3A_995 = vector.load %arg6[%get3A_993, %get3A_994] : memref<2000x200xf32, #tpu.memory_space<vmem>>, vector<2000x200xf32>
    %exp3A_996 = math.exp %get3A_995 : vector<2000x200xf32>
    %reduce_sum3A_997 = arith.constant dense<0.000000e+00> : vector<2000xf32>
    %reduce_sum3A_998 = vector.multi_reduction <add>, %exp3A_996, %reduce_sum3A_997 [1] : vector<2000x200xf32> to vector<2000xf32>
    %broadcast_in_dim3A_999 = vector.shape_cast %reduce_sum3A_998 : vector<2000xf32> to vector<2000x1xf32>
    %log3A_1000 = math.log %broadcast_in_dim3A_999 : vector<2000x1xf32>
    %get3A_1001 = arith.constant 0 : index
    %get3A_1002 = arith.constant 82000 : index
    %get3A_1003 = vector.load %arg0[%get3A_1001, %get3A_1002] : memref<1x100000xi32, #tpu.memory_space<vmem>>, vector<1x2000xi32>
    %transpose3A_1004 = tpu.transpose %get3A_1003, [1, 0] : vector<1x2000xi32> -> vector<2000x1xi32>
    %iota3A_1005 = tpu.iota {dimensions = array<i32: 1>} : vector<2000x200xi32>
    %eq3A_1006 = vector.broadcast %transpose3A_1004 : vector<2000x1xi32> to vector<2000x200xi32>
    %eq3A_1007 = arith.cmpi eq, %iota3A_1005, %eq3A_1006 : vector<2000x200xi32>
    %jit3A_1008 = arith.constant 0.000000e+00 : f32
    %broadcast_in_dim3A_1009 = vector.broadcast %jit3A_1008 : f32 to vector<2000x200xf32>
    %select_n3A_1010 = arith.select %eq3A_1007, %get3A_995, %broadcast_in_dim3A_1009 : vector<2000x200xi1>, vector<2000x200xf32>
    %reduce_sum3A_1011 = arith.constant dense<0.000000e+00> : vector<2000xf32>
    %reduce_sum3A_1012 = vector.multi_reduction <add>, %select_n3A_1010, %reduce_sum3A_1011 [1] : vector<2000x200xf32> to vector<2000xf32>
    %broadcast_in_dim3A_1013 = vector.shape_cast %reduce_sum3A_1012 : vector<2000xf32> to vector<2000x1xf32>
    %sub3A_1014 = arith.subf %broadcast_in_dim3A_1013, %log3A_1000 : vector<2000x1xf32>
    %transpose3A_1015 = tpu.transpose %sub3A_1014, [1, 0] : vector<2000x1xf32> -> vector<1x2000xf32>
    %swap3A_1016 = arith.constant 0 : index
    %swap3A_1017 = arith.constant 62000 : index
    %swap3A_1018 = vector.load %arg2[%swap3A_1016, %swap3A_1017] : memref<1x80000xf32, #tpu.memory_space<vmem>>, vector<1x2000xf32>
    tpu.vector_store %arg2[%swap3A_1016, %swap3A_1017], %transpose3A_1015 {strides = array<i32>} : memref<1x80000xf32, #tpu.memory_space<vmem>>, vector<1x2000xf32>,
    %dma_start3A_1019 = arith.constant 90000 : i32
    %dma_start3A_1020 = arith.constant 0 : i32
    %dma_start3A_1021 = tpu.memref_slice %arg1[%dma_start3A_1019, %dma_start3A_1020] : memref<100000x200xf32, #tpu.memory_space<any>> -> memref<2000x200xf32, #tpu.memory_space<any>>
    tpu.enqueue_dma source(%dma_start3A_1021 : memref<2000x200xf32, #tpu.memory_space<any>>) target(%arg6 : memref<2000x200xf32, #tpu.memory_space<vmem>>) target_semaphore(%arg10 : memref<!tpu.dma_semaphore, #tpu.memory_space<semaphore_mem>>)
    %dma_wait3A_1022 = arith.constant 0 : i32
    %dma_wait3A_1023 = arith.constant 0 : i32
    %dma_wait3A_1024 = tpu.memref_slice %arg1[%dma_wait3A_1022, %dma_wait3A_1023] : memref<100000x200xf32, #tpu.memory_space<any>> -> memref<2000x200xf32, #tpu.memory_space<any>>
    tpu.wait_dma2 semaphore(%arg7 : memref<!tpu.dma_semaphore, #tpu.memory_space<semaphore_mem>>) src(%dma_wait3A_1024 : memref<2000x200xf32, #tpu.memory_space<any>>) dst(%arg3 : memref<2000x200xf32, #tpu.memory_space<vmem>>)
    %get3A_1025 = arith.constant 0 : index
    %get3A_1026 = arith.constant 0 : index
    %get3A_1027 = vector.load %arg3[%get3A_1025, %get3A_1026] : memref<2000x200xf32, #tpu.memory_space<vmem>>, vector<2000x200xf32>
    %exp3A_1028 = math.exp %get3A_1027 : vector<2000x200xf32>
    %reduce_sum3A_1029 = arith.constant dense<0.000000e+00> : vector<2000xf32>
    %reduce_sum3A_1030 = vector.multi_reduction <add>, %exp3A_1028, %reduce_sum3A_1029 [1] : vector<2000x200xf32> to vector<2000xf32>
    %broadcast_in_dim3A_1031 = vector.shape_cast %reduce_sum3A_1030 : vector<2000xf32> to vector<2000x1xf32>
    %log3A_1032 = math.log %broadcast_in_dim3A_1031 : vector<2000x1xf32>
    %get3A_1033 = arith.constant 0 : index
    %get3A_1034 = arith.constant 84000 : index
    %get3A_1035 = vector.load %arg0[%get3A_1033, %get3A_1034] : memref<1x100000xi32, #tpu.memory_space<vmem>>, vector<1x2000xi32>
    %transpose3A_1036 = tpu.transpose %get3A_1035, [1, 0] : vector<1x2000xi32> -> vector<2000x1xi32>
    %iota3A_1037 = tpu.iota {dimensions = array<i32: 1>} : vector<2000x200xi32>
    %eq3A_1038 = vector.broadcast %transpose3A_1036 : vector<2000x1xi32> to vector<2000x200xi32>
    %eq3A_1039 = arith.cmpi eq, %iota3A_1037, %eq3A_1038 : vector<2000x200xi32>
    %jit3A_1040 = arith.constant 0.000000e+00 : f32
    %broadcast_in_dim3A_1041 = vector.broadcast %jit3A_1040 : f32 to vector<2000x200xf32>
    %select_n3A_1042 = arith.select %eq3A_1039, %get3A_1027, %broadcast_in_dim3A_1041 : vector<2000x200xi1>, vector<2000x200xf32>
    %reduce_sum3A_1043 = arith.constant dense<0.000000e+00> : vector<2000xf32>
    %reduce_sum3A_1044 = vector.multi_reduction <add>, %select_n3A_1042, %reduce_sum3A_1043 [1] : vector<2000x200xf32> to vector<2000xf32>
    %broadcast_in_dim3A_1045 = vector.shape_cast %reduce_sum3A_1044 : vector<2000xf32> to vector<2000x1xf32>
    %sub3A_1046 = arith.subf %broadcast_in_dim3A_1045, %log3A_1032 : vector<2000x1xf32>
    %transpose3A_1047 = tpu.transpose %sub3A_1046, [1, 0] : vector<2000x1xf32> -> vector<1x2000xf32>
    %swap3A_1048 = arith.constant 0 : index
    %swap3A_1049 = arith.constant 64000 : index
    %swap3A_1050 = vector.load %arg2[%swap3A_1048, %swap3A_1049] : memref<1x80000xf32, #tpu.memory_space<vmem>>, vector<1x2000xf32>
    tpu.vector_store %arg2[%swap3A_1048, %swap3A_1049], %transpose3A_1047 {strides = array<i32>} : memref<1x80000xf32, #tpu.memory_space<vmem>>, vector<1x2000xf32>,
    %dma_start3A_1051 = arith.constant 92000 : i32
    %dma_start3A_1052 = arith.constant 0 : i32
    %dma_start3A_1053 = tpu.memref_slice %arg1[%dma_start3A_1051, %dma_start3A_1052] : memref<100000x200xf32, #tpu.memory_space<any>> -> memref<2000x200xf32, #tpu.memory_space<any>>
    tpu.enqueue_dma source(%dma_start3A_1053 : memref<2000x200xf32, #tpu.memory_space<any>>) target(%arg3 : memref<2000x200xf32, #tpu.memory_space<vmem>>) target_semaphore(%arg7 : memref<!tpu.dma_semaphore, #tpu.memory_space<semaphore_mem>>)
    %dma_wait3A_1054 = arith.constant 0 : i32
    %dma_wait3A_1055 = arith.constant 0 : i32
    %dma_wait3A_1056 = tpu.memref_slice %arg1[%dma_wait3A_1054, %dma_wait3A_1055] : memref<100000x200xf32, #tpu.memory_space<any>> -> memref<2000x200xf32, #tpu.memory_space<any>>
    tpu.wait_dma2 semaphore(%arg8 : memref<!tpu.dma_semaphore, #tpu.memory_space<semaphore_mem>>) src(%dma_wait3A_1056 : memref<2000x200xf32, #tpu.memory_space<any>>) dst(%arg4 : memref<2000x200xf32, #tpu.memory_space<vmem>>)
    %get3A_1057 = arith.constant 0 : index
    %get3A_1058 = arith.constant 0 : index
    %get3A_1059 = vector.load %arg4[%get3A_1057, %get3A_1058] : memref<2000x200xf32, #tpu.memory_space<vmem>>, vector<2000x200xf32>
    %exp3A_1060 = math.exp %get3A_1059 : vector<2000x200xf32>
    %reduce_sum3A_1061 = arith.constant dense<0.000000e+00> : vector<2000xf32>
    %reduce_sum3A_1062 = vector.multi_reduction <add>, %exp3A_1060, %reduce_sum3A_1061 [1] : vector<2000x200xf32> to vector<2000xf32>
    %broadcast_in_dim3A_1063 = vector.shape_cast %reduce_sum3A_1062 : vector<2000xf32> to vector<2000x1xf32>
    %log3A_1064 = math.log %broadcast_in_dim3A_1063 : vector<2000x1xf32>
    %get3A_1065 = arith.constant 0 : index
    %get3A_1066 = arith.constant 86000 : index
    %get3A_1067 = vector.load %arg0[%get3A_1065, %get3A_1066] : memref<1x100000xi32, #tpu.memory_space<vmem>>, vector<1x2000xi32>
    %transpose3A_1068 = tpu.transpose %get3A_1067, [1, 0] : vector<1x2000xi32> -> vector<2000x1xi32>
    %iota3A_1069 = tpu.iota {dimensions = array<i32: 1>} : vector<2000x200xi32>
    %eq3A_1070 = vector.broadcast %transpose3A_1068 : vector<2000x1xi32> to vector<2000x200xi32>
    %eq3A_1071 = arith.cmpi eq, %iota3A_1069, %eq3A_1070 : vector<2000x200xi32>
    %jit3A_1072 = arith.constant 0.000000e+00 : f32
    %broadcast_in_dim3A_1073 = vector.broadcast %jit3A_1072 : f32 to vector<2000x200xf32>
    %select_n3A_1074 = arith.select %eq3A_1071, %get3A_1059, %broadcast_in_dim3A_1073 : vector<2000x200xi1>, vector<2000x200xf32>
    %reduce_sum3A_1075 = arith.constant dense<0.000000e+00> : vector<2000xf32>
    %reduce_sum3A_1076 = vector.multi_reduction <add>, %select_n3A_1074, %reduce_sum3A_1075 [1] : vector<2000x200xf32> to vector<2000xf32>
    %broadcast_in_dim3A_1077 = vector.shape_cast %reduce_sum3A_1076 : vector<2000xf32> to vector<2000x1xf32>
    %sub3A_1078 = arith.subf %broadcast_in_dim3A_1077, %log3A_1064 : vector<2000x1xf32>
    %transpose3A_1079 = tpu.transpose %sub3A_1078, [1, 0] : vector<2000x1xf32> -> vector<1x2000xf32>
    %swap3A_1080 = arith.constant 0 : index
    %swap3A_1081 = arith.constant 66000 : index
    %swap3A_1082 = vector.load %arg2[%swap3A_1080, %swap3A_1081] : memref<1x80000xf32, #tpu.memory_space<vmem>>, vector<1x2000xf32>
    tpu.vector_store %arg2[%swap3A_1080, %swap3A_1081], %transpose3A_1079 {strides = array<i32>} : memref<1x80000xf32, #tpu.memory_space<vmem>>, vector<1x2000xf32>,
    %dma_start3A_1083 = arith.constant 94000 : i32
    %dma_start3A_1084 = arith.constant 0 : i32
    %dma_start3A_1085 = tpu.memref_slice %arg1[%dma_start3A_1083, %dma_start3A_1084] : memref<100000x200xf32, #tpu.memory_space<any>> -> memref<2000x200xf32, #tpu.memory_space<any>>
    tpu.enqueue_dma source(%dma_start3A_1085 : memref<2000x200xf32, #tpu.memory_space<any>>) target(%arg4 : memref<2000x200xf32, #tpu.memory_space<vmem>>) target_semaphore(%arg8 : memref<!tpu.dma_semaphore, #tpu.memory_space<semaphore_mem>>)
    %dma_wait3A_1086 = arith.constant 0 : i32
    %dma_wait3A_1087 = arith.constant 0 : i32
    %dma_wait3A_1088 = tpu.memref_slice %arg1[%dma_wait3A_1086, %dma_wait3A_1087] : memref<100000x200xf32, #tpu.memory_space<any>> -> memref<2000x200xf32, #tpu.memory_space<any>>
    tpu.wait_dma2 semaphore(%arg9 : memref<!tpu.dma_semaphore, #tpu.memory_space<semaphore_mem>>) src(%dma_wait3A_1088 : memref<2000x200xf32, #tpu.memory_space<any>>) dst(%arg5 : memref<2000x200xf32, #tpu.memory_space<vmem>>)
    %get3A_1089 = arith.constant 0 : index
    %get3A_1090 = arith.constant 0 : index
    %get3A_1091 = vector.load %arg5[%get3A_1089, %get3A_1090] : memref<2000x200xf32, #tpu.memory_space<vmem>>, vector<2000x200xf32>
    %exp3A_1092 = math.exp %get3A_1091 : vector<2000x200xf32>
    %reduce_sum3A_1093 = arith.constant dense<0.000000e+00> : vector<2000xf32>
    %reduce_sum3A_1094 = vector.multi_reduction <add>, %exp3A_1092, %reduce_sum3A_1093 [1] : vector<2000x200xf32> to vector<2000xf32>
    %broadcast_in_dim3A_1095 = vector.shape_cast %reduce_sum3A_1094 : vector<2000xf32> to vector<2000x1xf32>
    %log3A_1096 = math.log %broadcast_in_dim3A_1095 : vector<2000x1xf32>
    %get3A_1097 = arith.constant 0 : index
    %get3A_1098 = arith.constant 88000 : index
    %get3A_1099 = vector.load %arg0[%get3A_1097, %get3A_1098] : memref<1x100000xi32, #tpu.memory_space<vmem>>, vector<1x2000xi32>
    %transpose3A_1100 = tpu.transpose %get3A_1099, [1, 0] : vector<1x2000xi32> -> vector<2000x1xi32>
    %iota3A_1101 = tpu.iota {dimensions = array<i32: 1>} : vector<2000x200xi32>
    %eq3A_1102 = vector.broadcast %transpose3A_1100 : vector<2000x1xi32> to vector<2000x200xi32>
    %eq3A_1103 = arith.cmpi eq, %iota3A_1101, %eq3A_1102 : vector<2000x200xi32>
    %jit3A_1104 = arith.constant 0.000000e+00 : f32
    %broadcast_in_dim3A_1105 = vector.broadcast %jit3A_1104 : f32 to vector<2000x200xf32>
    %select_n3A_1106 = arith.select %eq3A_1103, %get3A_1091, %broadcast_in_dim3A_1105 : vector<2000x200xi1>, vector<2000x200xf32>
    %reduce_sum3A_1107 = arith.constant dense<0.000000e+00> : vector<2000xf32>
    %reduce_sum3A_1108 = vector.multi_reduction <add>, %select_n3A_1106, %reduce_sum3A_1107 [1] : vector<2000x200xf32> to vector<2000xf32>
    %broadcast_in_dim3A_1109 = vector.shape_cast %reduce_sum3A_1108 : vector<2000xf32> to vector<2000x1xf32>
    %sub3A_1110 = arith.subf %broadcast_in_dim3A_1109, %log3A_1096 : vector<2000x1xf32>
    %transpose3A_1111 = tpu.transpose %sub3A_1110, [1, 0] : vector<2000x1xf32> -> vector<1x2000xf32>
    %swap3A_1112 = arith.constant 0 : index
    %swap3A_1113 = arith.constant 68000 : index
    %swap3A_1114 = vector.load %arg2[%swap3A_1112, %swap3A_1113] : memref<1x80000xf32, #tpu.memory_space<vmem>>, vector<1x2000xf32>
    tpu.vector_store %arg2[%swap3A_1112, %swap3A_1113], %transpose3A_1111 {strides = array<i32>} : memref<1x80000xf32, #tpu.memory_space<vmem>>, vector<1x2000xf32>,
    %dma_start3A_1115 = arith.constant 96000 : i32
    %dma_start3A_1116 = arith.constant 0 : i32
    %dma_start3A_1117 = tpu.memref_slice %arg1[%dma_start3A_1115, %dma_start3A_1116] : memref<100000x200xf32, #tpu.memory_space<any>> -> memref<2000x200xf32, #tpu.memory_space<any>>
    tpu.enqueue_dma source(%dma_start3A_1117 : memref<2000x200xf32, #tpu.memory_space<any>>) target(%arg5 : memref<2000x200xf32, #tpu.memory_space<vmem>>) target_semaphore(%arg9 : memref<!tpu.dma_semaphore, #tpu.memory_space<semaphore_mem>>)
    %dma_wait3A_1118 = arith.constant 0 : i32
    %dma_wait3A_1119 = arith.constant 0 : i32
    %dma_wait3A_1120 = tpu.memref_slice %arg1[%dma_wait3A_1118, %dma_wait3A_1119] : memref<100000x200xf32, #tpu.memory_space<any>> -> memref<2000x200xf32, #tpu.memory_space<any>>
    tpu.wait_dma2 semaphore(%arg10 : memref<!tpu.dma_semaphore, #tpu.memory_space<semaphore_mem>>) src(%dma_wait3A_1120 : memref<2000x200xf32, #tpu.memory_space<any>>) dst(%arg6 : memref<2000x200xf32, #tpu.memory_space<vmem>>)
    %get3A_1121 = arith.constant 0 : index
    %get3A_1122 = arith.constant 0 : index
    %get3A_1123 = vector.load %arg6[%get3A_1121, %get3A_1122] : memref<2000x200xf32, #tpu.memory_space<vmem>>, vector<2000x200xf32>
    %exp3A_1124 = math.exp %get3A_1123 : vector<2000x200xf32>
    %reduce_sum3A_1125 = arith.constant dense<0.000000e+00> : vector<2000xf32>
    %reduce_sum3A_1126 = vector.multi_reduction <add>, %exp3A_1124, %reduce_sum3A_1125 [1] : vector<2000x200xf32> to vector<2000xf32>
    %broadcast_in_dim3A_1127 = vector.shape_cast %reduce_sum3A_1126 : vector<2000xf32> to vector<2000x1xf32>
    %log3A_1128 = math.log %broadcast_in_dim3A_1127 : vector<2000x1xf32>
    %get3A_1129 = arith.constant 0 : index
    %get3A_1130 = arith.constant 90000 : index
    %get3A_1131 = vector.load %arg0[%get3A_1129, %get3A_1130] : memref<1x100000xi32, #tpu.memory_space<vmem>>, vector<1x2000xi32>
    %transpose3A_1132 = tpu.transpose %get3A_1131, [1, 0] : vector<1x2000xi32> -> vector<2000x1xi32>
    %iota3A_1133 = tpu.iota {dimensions = array<i32: 1>} : vector<2000x200xi32>
    %eq3A_1134 = vector.broadcast %transpose3A_1132 : vector<2000x1xi32> to vector<2000x200xi32>
    %eq3A_1135 = arith.cmpi eq, %iota3A_1133, %eq3A_1134 : vector<2000x200xi32>
    %jit3A_1136 = arith.constant 0.000000e+00 : f32
    %broadcast_in_dim3A_1137 = vector.broadcast %jit3A_1136 : f32 to vector<2000x200xf32>
    %select_n3A_1138 = arith.select %eq3A_1135, %get3A_1123, %broadcast_in_dim3A_1137 : vector<2000x200xi1>, vector<2000x200xf32>
    %reduce_sum3A_1139 = arith.constant dense<0.000000e+00> : vector<2000xf32>
    %reduce_sum3A_1140 = vector.multi_reduction <add>, %select_n3A_1138, %reduce_sum3A_1139 [1] : vector<2000x200xf32> to vector<2000xf32>
    %broadcast_in_dim3A_1141 = vector.shape_cast %reduce_sum3A_1140 : vector<2000xf32> to vector<2000x1xf32>
    %sub3A_1142 = arith.subf %broadcast_in_dim3A_1141, %log3A_1128 : vector<2000x1xf32>
    %transpose3A_1143 = tpu.transpose %sub3A_1142, [1, 0] : vector<2000x1xf32> -> vector<1x2000xf32>
    %swap3A_1144 = arith.constant 0 : index
    %swap3A_1145 = arith.constant 70000 : index
    %swap3A_1146 = vector.load %arg2[%swap3A_1144, %swap3A_1145] : memref<1x80000xf32, #tpu.memory_space<vmem>>, vector<1x2000xf32>
    tpu.vector_store %arg2[%swap3A_1144, %swap3A_1145], %transpose3A_1143 {strides = array<i32>} : memref<1x80000xf32, #tpu.memory_space<vmem>>, vector<1x2000xf32>,
    %dma_start3A_1147 = arith.constant 98000 : i32
    %dma_start3A_1148 = arith.constant 0 : i32
    %dma_start3A_1149 = tpu.memref_slice %arg1[%dma_start3A_1147, %dma_start3A_1148] : memref<100000x200xf32, #tpu.memory_space<any>> -> memref<2000x200xf32, #tpu.memory_space<any>>
    tpu.enqueue_dma source(%dma_start3A_1149 : memref<2000x200xf32, #tpu.memory_space<any>>) target(%arg6 : memref<2000x200xf32, #tpu.memory_space<vmem>>) target_semaphore(%arg10 : memref<!tpu.dma_semaphore, #tpu.memory_space<semaphore_mem>>)
    %dma_wait3A_1150 = arith.constant 0 : i32
    %dma_wait3A_1151 = arith.constant 0 : i32
    %dma_wait3A_1152 = tpu.memref_slice %arg1[%dma_wait3A_1150, %dma_wait3A_1151] : memref<100000x200xf32, #tpu.memory_space<any>> -> memref<2000x200xf32, #tpu.memory_space<any>>
    tpu.wait_dma2 semaphore(%arg7 : memref<!tpu.dma_semaphore, #tpu.memory_space<semaphore_mem>>) src(%dma_wait3A_1152 : memref<2000x200xf32, #tpu.memory_space<any>>) dst(%arg3 : memref<2000x200xf32, #tpu.memory_space<vmem>>)
    %get3A_1153 = arith.constant 0 : index
    %get3A_1154 = arith.constant 0 : index
    %get3A_1155 = vector.load %arg3[%get3A_1153, %get3A_1154] : memref<2000x200xf32, #tpu.memory_space<vmem>>, vector<2000x200xf32>
    %exp3A_1156 = math.exp %get3A_1155 : vector<2000x200xf32>
    %reduce_sum3A_1157 = arith.constant dense<0.000000e+00> : vector<2000xf32>
    %reduce_sum3A_1158 = vector.multi_reduction <add>, %exp3A_1156, %reduce_sum3A_1157 [1] : vector<2000x200xf32> to vector<2000xf32>
    %broadcast_in_dim3A_1159 = vector.shape_cast %reduce_sum3A_1158 : vector<2000xf32> to vector<2000x1xf32>
    %log3A_1160 = math.log %broadcast_in_dim3A_1159 : vector<2000x1xf32>
    %get3A_1161 = arith.constant 0 : index
    %get3A_1162 = arith.constant 92000 : index
    %get3A_1163 = vector.load %arg0[%get3A_1161, %get3A_1162] : memref<1x100000xi32, #tpu.memory_space<vmem>>, vector<1x2000xi32>
    %transpose3A_1164 = tpu.transpose %get3A_1163, [1, 0] : vector<1x2000xi32> -> vector<2000x1xi32>
    %iota3A_1165 = tpu.iota {dimensions = array<i32: 1>} : vector<2000x200xi32>
    %eq3A_1166 = vector.broadcast %transpose3A_1164 : vector<2000x1xi32> to vector<2000x200xi32>
    %eq3A_1167 = arith.cmpi eq, %iota3A_1165, %eq3A_1166 : vector<2000x200xi32>
    %jit3A_1168 = arith.constant 0.000000e+00 : f32
    %broadcast_in_dim3A_1169 = vector.broadcast %jit3A_1168 : f32 to vector<2000x200xf32>
    %select_n3A_1170 = arith.select %eq3A_1167, %get3A_1155, %broadcast_in_dim3A_1169 : vector<2000x200xi1>, vector<2000x200xf32>
    %reduce_sum3A_1171 = arith.constant dense<0.000000e+00> : vector<2000xf32>
    %reduce_sum3A_1172 = vector.multi_reduction <add>, %select_n3A_1170, %reduce_sum3A_1171 [1] : vector<2000x200xf32> to vector<2000xf32>
    %broadcast_in_dim3A_1173 = vector.shape_cast %reduce_sum3A_1172 : vector<2000xf32> to vector<2000x1xf32>
    %sub3A_1174 = arith.subf %broadcast_in_dim3A_1173, %log3A_1160 : vector<2000x1xf32>
    %transpose3A_1175 = tpu.transpose %sub3A_1174, [1, 0] : vector<2000x1xf32> -> vector<1x2000xf32>
    %swap3A_1176 = arith.constant 0 : index
    %swap3A_1177 = arith.constant 72000 : index
    %swap3A_1178 = vector.load %arg2[%swap3A_1176, %swap3A_1177] : memref<1x80000xf32, #tpu.memory_space<vmem>>, vector<1x2000xf32>
    tpu.vector_store %arg2[%swap3A_1176, %swap3A_1177], %transpose3A_1175 {strides = array<i32>} : memref<1x80000xf32, #tpu.memory_space<vmem>>, vector<1x2000xf32>,
    %dma_wait3A_1179 = arith.constant 0 : i32
    %dma_wait3A_1180 = arith.constant 0 : i32
    %dma_wait3A_1181 = tpu.memref_slice %arg1[%dma_wait3A_1179, %dma_wait3A_1180] : memref<100000x200xf32, #tpu.memory_space<any>> -> memref<2000x200xf32, #tpu.memory_space<any>>
    tpu.wait_dma2 semaphore(%arg8 : memref<!tpu.dma_semaphore, #tpu.memory_space<semaphore_mem>>) src(%dma_wait3A_1181 : memref<2000x200xf32, #tpu.memory_space<any>>) dst(%arg4 : memref<2000x200xf32, #tpu.memory_space<vmem>>)
    %get3A_1182 = arith.constant 0 : index
    %get3A_1183 = arith.constant 0 : index
    %get3A_1184 = vector.load %arg4[%get3A_1182, %get3A_1183] : memref<2000x200xf32, #tpu.memory_space<vmem>>, vector<2000x200xf32>
    %exp3A_1185 = math.exp %get3A_1184 : vector<2000x200xf32>
    %reduce_sum3A_1186 = arith.constant dense<0.000000e+00> : vector<2000xf32>
    %reduce_sum3A_1187 = vector.multi_reduction <add>, %exp3A_1185, %reduce_sum3A_1186 [1] : vector<2000x200xf32> to vector<2000xf32>
    %broadcast_in_dim3A_1188 = vector.shape_cast %reduce_sum3A_1187 : vector<2000xf32> to vector<2000x1xf32>
    %log3A_1189 = math.log %broadcast_in_dim3A_1188 : vector<2000x1xf32>
    %get3A_1190 = arith.constant 0 : index
    %get3A_1191 = arith.constant 94000 : index
    %get3A_1192 = vector.load %arg0[%get3A_1190, %get3A_1191] : memref<1x100000xi32, #tpu.memory_space<vmem>>, vector<1x2000xi32>
    %transpose3A_1193 = tpu.transpose %get3A_1192, [1, 0] : vector<1x2000xi32> -> vector<2000x1xi32>
    %iota3A_1194 = tpu.iota {dimensions = array<i32: 1>} : vector<2000x200xi32>
    %eq3A_1195 = vector.broadcast %transpose3A_1193 : vector<2000x1xi32> to vector<2000x200xi32>
    %eq3A_1196 = arith.cmpi eq, %iota3A_1194, %eq3A_1195 : vector<2000x200xi32>
    %jit3A_1197 = arith.constant 0.000000e+00 : f32
    %broadcast_in_dim3A_1198 = vector.broadcast %jit3A_1197 : f32 to vector<2000x200xf32>
    %select_n3A_1199 = arith.select %eq3A_1196, %get3A_1184, %broadcast_in_dim3A_1198 : vector<2000x200xi1>, vector<2000x200xf32>
    %reduce_sum3A_1200 = arith.constant dense<0.000000e+00> : vector<2000xf32>
    %reduce_sum3A_1201 = vector.multi_reduction <add>, %select_n3A_1199, %reduce_sum3A_1200 [1] : vector<2000x200xf32> to vector<2000xf32>
    %broadcast_in_dim3A_1202 = vector.shape_cast %reduce_sum3A_1201 : vector<2000xf32> to vector<2000x1xf32>
    %sub3A_1203 = arith.subf %broadcast_in_dim3A_1202, %log3A_1189 : vector<2000x1xf32>
    %transpose3A_1204 = tpu.transpose %sub3A_1203, [1, 0] : vector<2000x1xf32> -> vector<1x2000xf32>
    %swap3A_1205 = arith.constant 0 : index
    %swap3A_1206 = arith.constant 74000 : index
    %swap3A_1207 = vector.load %arg2[%swap3A_1205, %swap3A_1206] : memref<1x80000xf32, #tpu.memory_space<vmem>>, vector<1x2000xf32>
    tpu.vector_store %arg2[%swap3A_1205, %swap3A_1206], %transpose3A_1204 {strides = array<i32>} : memref<1x80000xf32, #tpu.memory_space<vmem>>, vector<1x2000xf32>,
    %dma_wait3A_1208 = arith.constant 0 : i32
    %dma_wait3A_1209 = arith.constant 0 : i32
    %dma_wait3A_1210 = tpu.memref_slice %arg1[%dma_wait3A_1208, %dma_wait3A_1209] : memref<100000x200xf32, #tpu.memory_space<any>> -> memref<2000x200xf32, #tpu.memory_space<any>>
    tpu.wait_dma2 semaphore(%arg9 : memref<!tpu.dma_semaphore, #tpu.memory_space<semaphore_mem>>) src(%dma_wait3A_1210 : memref<2000x200xf32, #tpu.memory_space<any>>) dst(%arg5 : memref<2000x200xf32, #tpu.memory_space<vmem>>)
    %get3A_1211 = arith.constant 0 : index
    %get3A_1212 = arith.constant 0 : index
    %get3A_1213 = vector.load %arg5[%get3A_1211, %get3A_1212] : memref<2000x200xf32, #tpu.memory_space<vmem>>, vector<2000x200xf32>
    %exp3A_1214 = math.exp %get3A_1213 : vector<2000x200xf32>
    %reduce_sum3A_1215 = arith.constant dense<0.000000e+00> : vector<2000xf32>
    %reduce_sum3A_1216 = vector.multi_reduction <add>, %exp3A_1214, %reduce_sum3A_1215 [1] : vector<2000x200xf32> to vector<2000xf32>
    %broadcast_in_dim3A_1217 = vector.shape_cast %reduce_sum3A_1216 : vector<2000xf32> to vector<2000x1xf32>
    %log3A_1218 = math.log %broadcast_in_dim3A_1217 : vector<2000x1xf32>
    %get3A_1219 = arith.constant 0 : index
    %get3A_1220 = arith.constant 96000 : index
    %get3A_1221 = vector.load %arg0[%get3A_1219, %get3A_1220] : memref<1x100000xi32, #tpu.memory_space<vmem>>, vector<1x2000xi32>
    %transpose3A_1222 = tpu.transpose %get3A_1221, [1, 0] : vector<1x2000xi32> -> vector<2000x1xi32>
    %iota3A_1223 = tpu.iota {dimensions = array<i32: 1>} : vector<2000x200xi32>
    %eq3A_1224 = vector.broadcast %transpose3A_1222 : vector<2000x1xi32> to vector<2000x200xi32>
    %eq3A_1225 = arith.cmpi eq, %iota3A_1223, %eq3A_1224 : vector<2000x200xi32>
    %jit3A_1226 = arith.constant 0.000000e+00 : f32
    %broadcast_in_dim3A_1227 = vector.broadcast %jit3A_1226 : f32 to vector<2000x200xf32>
    %select_n3A_1228 = arith.select %eq3A_1225, %get3A_1213, %broadcast_in_dim3A_1227 : vector<2000x200xi1>, vector<2000x200xf32>
    %reduce_sum3A_1229 = arith.constant dense<0.000000e+00> : vector<2000xf32>
    %reduce_sum3A_1230 = vector.multi_reduction <add>, %select_n3A_1228, %reduce_sum3A_1229 [1] : vector<2000x200xf32> to vector<2000xf32>
    %broadcast_in_dim3A_1231 = vector.shape_cast %reduce_sum3A_1230 : vector<2000xf32> to vector<2000x1xf32>
    %sub3A_1232 = arith.subf %broadcast_in_dim3A_1231, %log3A_1218 : vector<2000x1xf32>
    %transpose3A_1233 = tpu.transpose %sub3A_1232, [1, 0] : vector<2000x1xf32> -> vector<1x2000xf32>
    %swap3A_1234 = arith.constant 0 : index
    %swap3A_1235 = arith.constant 76000 : index
    %swap3A_1236 = vector.load %arg2[%swap3A_1234, %swap3A_1235] : memref<1x80000xf32, #tpu.memory_space<vmem>>, vector<1x2000xf32>
    tpu.vector_store %arg2[%swap3A_1234, %swap3A_1235], %transpose3A_1233 {strides = array<i32>} : memref<1x80000xf32, #tpu.memory_space<vmem>>, vector<1x2000xf32>,
    %dma_wait3A_1237 = arith.constant 0 : i32
    %dma_wait3A_1238 = arith.constant 0 : i32
    %dma_wait3A_1239 = tpu.memref_slice %arg1[%dma_wait3A_1237, %dma_wait3A_1238] : memref<100000x200xf32, #tpu.memory_space<any>> -> memref<2000x200xf32, #tpu.memory_space<any>>
    tpu.wait_dma2 semaphore(%arg10 : memref<!tpu.dma_semaphore, #tpu.memory_space<semaphore_mem>>) src(%dma_wait3A_1239 : memref<2000x200xf32, #tpu.memory_space<any>>) dst(%arg6 : memref<2000x200xf32, #tpu.memory_space<vmem>>)
    %get3A_1240 = arith.constant 0 : index
    %get3A_1241 = arith.constant 0 : index
    %get3A_1242 = vector.load %arg6[%get3A_1240, %get3A_1241] : memref<2000x200xf32, #tpu.memory_space<vmem>>, vector<2000x200xf32>
    %exp3A_1243 = math.exp %get3A_1242 : vector<2000x200xf32>
    %reduce_sum3A_1244 = arith.constant dense<0.000000e+00> : vector<2000xf32>
    %reduce_sum3A_1245 = vector.multi_reduction <add>, %exp3A_1243, %reduce_sum3A_1244 [1] : vector<2000x200xf32> to vector<2000xf32>
    %broadcast_in_dim3A_1246 = vector.shape_cast %reduce_sum3A_1245 : vector<2000xf32> to vector<2000x1xf32>
    %log3A_1247 = math.log %broadcast_in_dim3A_1246 : vector<2000x1xf32>
    %get3A_1248 = arith.constant 0 : index
    %get3A_1249 = arith.constant 98000 : index
    %get3A_1250 = vector.load %arg0[%get3A_1248, %get3A_1249] : memref<1x100000xi32, #tpu.memory_space<vmem>>, vector<1x2000xi32>
    %transpose3A_1251 = tpu.transpose %get3A_1250, [1, 0] : vector<1x2000xi32> -> vector<2000x1xi32>
    %iota3A_1252 = tpu.iota {dimensions = array<i32: 1>} : vector<2000x200xi32>
    %eq3A_1253 = vector.broadcast %transpose3A_1251 : vector<2000x1xi32> to vector<2000x200xi32>
    %eq3A_1254 = arith.cmpi eq, %iota3A_1252, %eq3A_1253 : vector<2000x200xi32>
    %jit3A_1255 = arith.constant 0.000000e+00 : f32
    %broadcast_in_dim3A_1256 = vector.broadcast %jit3A_1255 : f32 to vector<2000x200xf32>
    %select_n3A_1257 = arith.select %eq3A_1254, %get3A_1242, %broadcast_in_dim3A_1256 : vector<2000x200xi1>, vector<2000x200xf32>
    %reduce_sum3A_1258 = arith.constant dense<0.000000e+00> : vector<2000xf32>
    %reduce_sum3A_1259 = vector.multi_reduction <add>, %select_n3A_1257, %reduce_sum3A_1258 [1] : vector<2000x200xf32> to vector<2000xf32>
    %broadcast_in_dim3A_1260 = vector.shape_cast %reduce_sum3A_1259 : vector<2000xf32> to vector<2000x1xf32>
    %sub3A_1261 = arith.subf %broadcast_in_dim3A_1260, %log3A_1247 : vector<2000x1xf32>
    %transpose3A_1262 = tpu.transpose %sub3A_1261, [1, 0] : vector<2000x1xf32> -> vector<1x2000xf32>
    %swap3A_1263 = arith.constant 0 : index
    %swap3A_1264 = arith.constant 78000 : index
    %swap3A_1265 = vector.load %arg2[%swap3A_1263, %swap3A_1264] : memref<1x80000xf32, #tpu.memory_space<vmem>>, vector<1x2000xf32>
    tpu.vector_store %arg2[%swap3A_1263, %swap3A_1264], %transpose3A_1262 {strides = array<i32>} : memref<1x80000xf32, #tpu.memory_space<vmem>>, vector<1x2000xf32>,
    return
  }
}

module attributes {stable_mosaic.version = 14 : i64} {
  func.func @_finish_kernel(%arg0: memref<20000xf32, #tpu.memory_space<vmem>>, %arg1: memref<20000xf32, #tpu.memory_space<vmem>>, %arg2: memref<20000xf32, #tpu.memory_space<vmem>>) attributes {dimension_semantics = [], scalar_prefetch = 0 : i64, scratch_operands = 0 : i64, tpu.core_type = #tpu.core_type<tc>} {
    %get3A = arith.constant 0 : index
    %get3A_0 = vector.load %arg1[%get3A] : memref<20000xf32, #tpu.memory_space<vmem>>, vector<20000xf32>
    %get3A_1 = arith.constant 0 : index
    %get3A_2 = vector.load %arg0[%get3A_1] : memref<20000xf32, #tpu.memory_space<vmem>>, vector<20000xf32>
    %log3A = math.log %get3A_2 : vector<20000xf32>
    %sub3A = arith.subf %get3A_0, %log3A : vector<20000xf32>
    %swap3A = arith.constant 0 : index
    %swap3A_3 = vector.load %arg2[%swap3A] : memref<20000xf32, #tpu.memory_space<vmem>>, vector<20000xf32>
    tpu.vector_store %arg2[%swap3A], %sub3A {strides = array<i32>} : memref<20000xf32, #tpu.memory_space<vmem>>, vector<20000xf32>,
    return
  }
}

</mosaic_0001>

<sc_bundles>
// kernel: kernel.5.cloned.1.call-start
scs
__scs_entry_jumppad:
0x0: {  	(pc) =	sbr.rel $0x88, $3  }
0x1: {  	(tag) =	ssettag $0x0;
	lr =	simm.s32 $0x1  }
0x2: {  	[smem:$0x3F9F] =	sst lr;
	_ =	strace $0xD0000000  }
0x3: {  	_ = 	snop  }
0x4: {  	_ = 	snop  }
0x5: {  	_ = 	snop  }
0x6: {  	_ = 	snop  }
0x7: {  	_ = 	snop  }
__scs_overlays_trampoline_lowered:
0x8: {  	[smem:$0x3FAE] =	sst s0  }
0x9: {  	[smem:$0x3FAF] =	sst s1  }
0xa: {  	[smem:$0x3FB0] =	sst s2  }
0xb: {  	[smem:$0x3FB1] =	sst s3  }
0xc: {  	[smem:$0x3FB2] =	sst s4  }
0xd: {  	[smem:$0x3FB3] =	sst s5  }
0xe: {  	[smem:$0x3FB4] =	sst s6  }
0xf: {  	[smem:$0x3FB5] =	sst s7  }
0x10: {  	[smem:$0x3FB6] =	sst s8  }
0x11: {  	[smem:$0x3FB7] =	sst s9;
	s0 =	simm.s32 @!p0 $0x0  }
0x12: {  	s1 =	sld [smem:$0x3F9D];
	s0 =	simm.s32 @p0 $0x1  }
0x13: {  	[smem:$0x3FB8] =	sst s0;
	s0 =	simm.s32 @!p1 $0x0  }
0x14: {  	s2 =	sld [smem:$0x3F9C];
	s0 =	simm.s32 @p1 $0x1  }
0x15: {  	[smem:$0x3FB9] =	sst s0;
	s0 =	simm.s32 @!p2 $0x0  }
0x16: {  	s3 =	sld [smem:$0x3FDB];
	s0 =	simm.s32 @p2 $0x1  }
0x17: {  	s4 =	simm.s32 $0x1BF5;
	[smem:$0x3FBB] =	sst s0  }
0x18: {  	s0 =	sld [smem:$0x3F9E];
	_ =	swait.ge [sflag:s4], $0x0  }
0x19: {  	s7 =	sld [smem:$0x3F9F]  }
0x1a: {  	s8 =	sadd.s32 $0xFFFFE003, lr  }
0x1b: {  	s9 =	sadd.s32 $0xFFFFFEF7, lr;
	s5 =	simm.s32 $0xFFFFFFFF;
	p2 =	slt.u32 s8, $0xFFFFF086  }
0x1c: {  	p1 =	slt.u32 s9, $0xF7A;
	s5 =	simm.s32 @!p2 $0x0  }
0x1d: {  	s5 =	simm.s32 @p1 $0x1;
	p0 =	seq.s32 s7, s2  }
0x1e: {  	s7 =	smul.u32 @!p0 $0xF7A, s2;
	p2 =	seq.s32 @!p0 s5, $0x0  }
0x1f: {  	s9 =	smul.u32 $0xF7A, s1;
	s8 =	simm.s32 @!p0 $0x1BF5;
	p2 =	por !p2, p0  }
0x20: {  	[sflag:s8] =	ssyncset.s32 @!p0 $0xFFFFF086;
	s6 =	sadd.s32 @!p0 s3, s7;
	s7 =	simm.s32 @!p0 $0x108  }
0x21: {  	s3 =	sadd.s32 s3, s9;
	s6 =	sadd.s32 @!p0 $0x88, s6;
	s7 =	simm.s32 @p2 $0x1082  }
0x22: {  	[simem:s7], [sflag:s8] =	dma.local @!p0 [hbm:s6], $0xF7A  }
0x23: {  	s9 =	sor.u32 $0xD0000000, s2;
	s6 =	simm.s32 $0x108;
	_ =	swait.ge @!p0 [sflag:s8], $0x0  }
0x24: {  	s3 =	sadd.s32 $0x88, s3;
	s6 =	simm.s32 @!p1 $0x1082;
	[sflag:s4] =	ssyncset.s32 $0xFFFFF086  }
0x25: {  	[simem:s6], [sflag:s4] =	dma.local [hbm:s3], $0xF7A  }
0x26: {  	[smem:$0x3F9F] =	sst s1;
	(tag) =	ssettag s2;
	_ =	strace s9  }
0x27: {  	s1 =	sld [smem:$0x3FAF]  }
0x28: {  	s2 =	sld [smem:$0x3FB0]  }
0x29: {  	s4 =	sld [smem:$0x3FB2]  }
0x2a: {  	p0 =	seq.s32 s5, $0x0;
	s5 =	sld [smem:$0x3FB3]  }
0x2b: {  	s6 =	sld [smem:$0x3FB4]  }
0x2c: {  	s7 =	sld [smem:$0x3FB5]  }
0x2d: {  	s3 =	simm.s32 $0x108;
	s8 =	sld [smem:$0x3FB6]  }
0x2e: {  	s3 =	simm.s32 @!p0 $0x1082;
	s9 =	sld [smem:$0x3FB7]  }
0x2f: {  	lr =	sadd.s32 s0, s3;
	s0 =	sld [smem:$0x3FAE]  }
0x30: {  	s3 =	sld [smem:$0x3FB1]  }
0x31: {  	[smem:$0x3FBA] =	sst s10  }
0x32: {  	s10 =	sld [smem:$0x3FB8];
	_ =	sdelay $0x3  }
0x33: {  	p0 =	seq.s32 s10, $0x1;
	s10 =	sld [smem:$0x3FBA];
	_ =	sdelay $0x3  }
0x34: {  	[smem:$0x3FBA] =	sst s10  }
0x35: {  	s10 =	sld [smem:$0x3FB9];
	_ =	sdelay $0x3  }
0x36: {  	p1 =	seq.s32 s10, $0x1;
	s10 =	sld [smem:$0x3FBA];
	_ =	sdelay $0x3  }
0x37: {  	[smem:$0x3FBA] =	sst s10  }
0x38: {  	s10 =	sld [smem:$0x3FBB]  }
0x39: {  	_ = 	snop;
	(pc) =	sbr.ind lr, $3  }
0x3a: {  	_ = 	snop  }
0x3b: {  	_ = 	snop  }
0x3c: {  	p2 =	seq.s32 s10, $0x1;
	s10 =	sld [smem:$0x3FBA]  }
0x3d: {  	_ =	shalt  }
0x3e: {  	_ =	shalt  }
0x3f: {  	_ =	shalt  }
0x40: {  	_ =	shalt  }
0x41: {  	_ =	shalt  }
0x42: {  	_ =	shalt  }
0x43: {  	_ =	shalt  }
0x44: {  	_ =	shalt  }
0x45: {  	_ =	shalt  }
0x46: {  	_ =	shalt  }
0x47: {  	_ =	shalt  }
0x48: {  	_ =	shalt  }
0x49: {  	_ =	shalt  }
0x4a: {  	_ =	shalt  }
0x4b: {  	_ =	shalt  }
0x4c: {  	_ =	shalt  }
0x4d: {  	_ =	shalt  }
0x4e: {  	_ =	shalt  }
0x4f: {  	_ =	shalt  }
0x50: {  	_ =	shalt  }
0x51: {  	_ =	shalt  }
0x52: {  	_ =	shalt  }
0x53: {  	_ =	shalt  }
0x54: {  	_ =	shalt  }
0x55: {  	_ =	shalt  }
0x56: {  	_ =	shalt  }
0x57: {  	_ =	shalt  }
0x58: {  	_ =	shalt  }
0x59: {  	_ =	shalt  }
0x5a: {  	_ =	shalt  }
0x5b: {  	_ =	shalt  }
0x5c: {  	_ =	shalt  }
0x5d: {  	_ =	shalt  }
0x5e: {  	_ =	shalt  }
0x5f: {  	_ =	shalt  }
0x60: {  	_ =	shalt  }
0x61: {  	_ =	shalt  }
0x62: {  	_ =	shalt  }
0x63: {  	_ =	shalt  }
0x64: {  	_ =	shalt  }
0x65: {  	_ =	shalt  }
0x66: {  	_ =	shalt  }
0x67: {  	_ =	shalt  }
0x68: {  	_ =	shalt  }
0x69: {  	_ =	shalt  }
0x6a: {  	_ =	shalt  }
0x6b: {  	_ =	shalt  }
0x6c: {  	_ =	shalt  }
0x6d: {  	_ =	shalt  }
0x6e: {  	_ =	shalt  }
0x6f: {  	_ =	shalt  }
0x70: {  	_ =	shalt  }
0x71: {  	_ =	shalt  }
0x72: {  	_ =	shalt  }
0x73: {  	_ =	shalt  }
0x74: {  	_ =	shalt  }
0x75: {  	_ =	shalt  }
0x76: {  	_ =	shalt  }
0x77: {  	_ =	shalt  }
0x78: {  	_ =	shalt  }
0x79: {  	_ =	shalt  }
0x7a: {  	_ =	shalt  }
0x7b: {  	_ =	shalt  }
0x7c: {  	_ =	shalt  }
0x7d: {  	_ =	shalt  }
0x7e: {  	_ =	shalt  }
0x7f: {  	_ =	shalt  }
0x80: {  	_ =	shalt  }
0x81: {  	_ =	shalt  }
0x82: {  	_ =	shalt  }
0x83: {  	_ =	shalt  }
0x84: {  	_ =	shalt  }
0x85: {  	_ =	shalt  }
0x86: {  	_ =	shalt  }
0x87: {  	_ =	shalt  }
.Lfunc_end0:
.L_simem_size_0:
called_computation_lowered:
.L_overlay_start_0:
0x88: {  	s2 =	sld [smem:$0x3FD9]  }
0x89: {  	s3 =	sld [smem:$0x3FFE];
	_ =	sdelay $0x1  }
0x8a: {  	s1 =	srdreg.scid  }
0x8b: {  	s0 =	sand.u32 $0x1, s1  }
0x8c: {  	s17 =	sshll.u32 s0, $0xA;
	s2 =	sadd.s32 s3, s2  }
0x8d: {  	s2 =	sadd.s32 s2, s17  }
0x8e: {  	[smem:$0x3FC6] =	sst s2  }
0x8f: {  	_ = 	snop  }
0x90: {  	s2 =	sld [smem:$0x3FD0];
	(tm) =	ssettm $0x1  }
0x91: {  	s18 =	sld [smem:$0x3FFB];
	_ =	sdelay $0x3  }
0x92: {  	_ =	strace s18  }
0x93: {  	s3 =	sld [smem:$0x3FFC];
	_ =	sdelay $0x3  }
0x94: {  	_ =	strace s3  }
0x95: {  	s3 =	sld [smem:$0x3FFD];
	_ =	sdelay $0x3  }
0x96: {  	_ =	strace s3  }
0x97: {  	_ =	strace $0x8FFFFFFF  }
0x98: {  	s19 =	sld [smem:$0x3FDB];
	_ =	sdelay $0x1  }
0x99: {  	s4 =	simm.s32 $_scs_section_size  }
0x9a: {  	s5 =	simm.s32 $_size__tile_overlayer_lowered;
	s6 =	simm.s32 $_tile_overlayer_lowered  }
0x9b: {  	s22 =	simm.s32 $0x1BFF;
	s21 =	sshll.u32 s6, $0x1;
	s3 =	sadd.s32 s4, s19  }
0x9c: {  	s7 =	simm.s32 $0x0;
	s20 =	sshll.u32 s5, $0x1;
	s5 =	sadd.s32 s21, s3  }
0x9d: {  	[timem:s7], [sflag:s22] =	dma.local [hbm:s5], s20  }
0x9e: {  	_ =	swait.ge [sflag:s22], s20  }
0x9f: {  	s4 =	ssub.s32 $0x0, s20;
	[sflag:s22] =	ssyncset.done $0x0  }
0xa0: {  	[sflag:s22] =	ssyncadd.s32 s4;
	_ =	sdelay $0x1  }
0xa1: {  	s23 =	simm.s32 $0x1B8B  }
0xa2: {  	_ =	swait.ge [sflag:s23], $0x1  }
0xa3: {  	[sflag:s23] =	ssyncset.done $0x0  }
0xa4: {  	s25 =	simm.s32 $0x1B8E;
	s24 =	sld [smem:$0x3FFE];
	[sflag:s23] =	ssyncadd.s32 $0xFFFFFFFF  }
0xa5: {  	s26 =	simm.s32 $execute0_lowered;
	[smem:$0x3FD2] =	sst s25  }
0xa6: {  	s5 =	sshll.u32 s26, $0x1;
	_ =	strace $0x80000046;
	[dreg:$0x1] =	wrdreg $0xFFFFFFFF  }
0xa7: {  	s28 =	simm.s32 $_size_execute0_lowered;
	s3 =	sadd.s32 s3, s5;
	[dreg:$0x0] =	wrdreg $0x0  }
0xa8: {  	s5 =	sshll.u32 s28, $0x1;
	[dreg:$0x2] =	wrdreg s3  }
0xa9: {  	[dreg:$0x3] =	wrdreg s5  }
0xaa: {  	[dreg:$0x4] =	wrdreg $0xC0  }
0xab: {  	_ =	task [dreg:s7], $0x5FFFF  }
0xac: {  	[dreg:$0x1] =	wrdreg $0xFFFFFFFF  }
0xad: {  	[dreg:$0x0] =	wrdreg $0x60  }
0xae: {  	[dreg:$0x2] =	wrdreg s24  }
0xaf: {  	[dreg:$0x3] =	wrdreg s2  }
0xb0: {  	[dreg:$0x4] =	wrdreg $0x9  }
0xb1: {  	_ =	task.clear_ibuf [dreg:s7], $0x5FFFF;
	_ =	strace $0x90000046  }
0xb2: {  	s29 =	simm.s32 $0x9;
	_ =	strace $0x80000048  }
0xb3: {  	_ =	swait.ge [sflag:s29], $0x1  }
0xb4: {  	[sflag:s29] =	ssyncadd.s32 $0xFFFFFFFF  }
0xb5: {  	_ =	strace $0x90000048  }
0xb6: {  	_ =	sfence  }
0xb7: {  	s30 =	sld [smem:$0x0];
	_ =	sdelay $0x2  }
0xb8: {  	s31 =	sshll.u32 s1, $0xD;
	s1 =	sshrl.u32 s1, $0x2  }
0xb9: {  	s3 =	sand.u32 $0x4000, s31;
	s1 =	sadd.s32 s1, s30  }
0xba: {  	s0 =	sor.u32 s3, s0;
	s1 =	sshll.u32 s1, $0x11  }
0xbb: {  	s0 =	sor.u32 s1, s0  }
0xbc: {  	s0 =	sadd.s32 $0x8F2B, s0  }
0xbd: {  	[sflag:s0] =	ssyncadd.remote.s32 $0x1  }
0xbe: {  	_ =	sfence.sel $0xFFFF  }
0xbf: {  	[dreg:$0x0] =	wrdreg $0xFFFFFFFF;
	(pc) =	sbr.abs _section_cstart, $3  }
0xc0: {  	[dreg:$0x1] =	wrdreg $0xFFFFFFFF  }
0xc1: {  	_ =	task.clear_ibuf [dreg:s7], $0x2FFFF;
	_ =	strace $0x9FFFFFFF  }
0xc2: {  	(tm) =	ssettm $0x7FFFFFFF  }
0xc3: {  	_ =	shalt  }
tec
execute0_lowered:
.L_overlay_start_1:
0x0: {  	(tag) =	ssettag $0x1  }
0x1: {  	s0 =	rddreg [dreg:$0x0]  }
0x2: {  	s1 =	rddreg [dreg:$0x1];
	s2 =	simm.s32 $0x0  }
0x3: {  	s3 =	srdreg.scid;
	s4 =	stileid.u32;
	s19 =	simm.s32 $0x14000  }
0x4: {  	s28 =	simm.s32 $0x4;
	s5 =	sand.u32 $0x1, s3;
	s20 =	sshll.u32 s4, $0x1  }
0x5: {  	s29 =	simm.s32 $0x14300;
	s30 =	simm.s32 $0x14500;
	s3 =	sor.u32 s5, s20  }
0x6: {  	s31 =	simm.s32 $0x6;
	[smem:$0x7FF] =	sst s2;
	s14 =	smul.u32 $0xA0, s3  }
0x7: {  	s6 =	sadd.s32 $0xA00, s0;
	s4 =	sadd.s32 $0x30DE00, s0;
	s8 =	smul.u32 $0x1400, s3  }
0x8: {  	_ =	strace $0x80000047;
	s12 =	smul.u32 $0x14, s3;
	s10 =	sor.u32 $0x40, s3  }
0x9: {  	s7 =	ssub.s32 $0x2, s5;
	s5 =	sadd.s32 $0x30E800, s0;
	s11 =	smul.u32 $0x1400, s10  }
0xa: {  	s20 =	simm.s32 $0xA000;
	s15 =	sor.u32 $0x60, s3;
	s13 =	smul.u32 $0x14, s10  }
0xb: {  	s21 =	sshrl.u32 s7, $0x1;
	p0 =	sgt.u32 s3, $0x1C;
	s16 =	smul.u32 $0x1400, s15  }
0xc: {  	s0 =	ssub.s32 s7, s21;
	s15 =	smul.u32 $0x14, s15;
	s9 =	sadd.s32 $0x1400, s14  }
0xd: {  	s22 =	sadd.s32 s6, s8;
	s7 =	sadd.s32 s1, s12;
	s24 =	sadd.s32 $0x280, s12  }
0xe: {  	s14 =	sshrl.u32 s14, $0x3;
	s18 =	smax.u32 s0, $0x1;
	s0 =	simm.s32 $0x5  }
0xf: {  	[dreg:$0x3] =	wrdreg s22;
	s23 =	sshll.u32 s9, $0x5;
	s9 =	sshrl.u32 s9, $0x3  }
0x10: {  	s10 =	sadd.s32 s6, s11;
	s11 =	sadd.s32 s1, s13;
	s12 =	sadd.s32 s4, s24  }
0x11: {  	s13 =	sadd.s32 s5, s24;
	s15 =	sadd.s32 s1, s15;
	s25 =	sadd.s32 $0x780, s14  }
.Ltmp0:
0x12: {  	v1 =	vlaneseq.u32;
	s22 =	simm.s32 $0x1;
	s24 =	simm.s32 $0x14200;
	(pc) =	sbr.rel .LBB2_1-.Ltmp0, $4  }
0x13: {  	v0 =	vand.u32 $0x7, v1;
	s8 =	sadd.s32 s6, s23;
	s9 =	sadd.s32 s1, s9;
	s6 =	sadd.s32 s6, s16  }
0x14: {  	v0 =	vmul.u32 $0x80, v0;
	s26 =	sadd.s32 s4, s25;
	s1 =	sadd.s32 s5, s25;
	[dreg:$0x4] =	wrdreg s6  }
0x15: {  	v1 =	vmul.u32 $0x100, v1;
	s23 =	simm.s32 $0x3;
	s25 =	simm.s32 $0x14400;
	[dreg:$0x5] =	wrdreg s26  }
0x16: {  	v2 =	vor.u32 $0x1, v0;
	v3 =	vor.u32 $0x2, v0;
	v4 =	vor.u32 $0x3, v0;
	[dreg:$0x6] =	wrdreg s1;
	s26 =	simm.s32 $0x2;
	s1 =	simm.s32 $0x0  }
.LBB2_20:
0x17: {  	_ =	swait.ge [sflag:s0], $0xA0  }
0x18: {  	[sflag:s0] =	ssyncset.done $0x0  }
0x19: {  	[sflag:s0] =	ssyncadd.s32 $0xFFFFFF60  }
0x1a: {  	_ =	swait.ge [sflag:s0], $0xA0  }
0x1b: {  	[sflag:s0] =	ssyncset.done $0x0  }
0x1c: {  	s1 =	sadd.s32 $0x1, s1;
	[sflag:s0] =	ssyncadd.s32 $0xFFFFFF60  }
0x1d: {  	p1 =	sne.s32 s1, s18;
	_ =	swait.ge [sflag:s31], $0xA0  }
.Ltmp1:
0x1e: {  	[sflag:s31] =	ssyncset.done $0x0;
	(pc) =	sbr.rel @!p1 .LBB2_21-.Ltmp1, $4  }
0x1f: {  	[sflag:s31] =	ssyncadd.s32 $0xFFFFFF60  }
0x20: {  	_ =	swait.ge [sflag:s31], $0xA0  }
0x21: {  	[sflag:s31] =	ssyncset.done $0x0  }
0x22: {  	[sflag:s31] =	ssyncadd.s32 $0xFFFFFF60  }
.LBB2_1:
0x23: {  	s6 =	rddreg [dreg:$0x3]  }
0x24: {  	[tilespmem:s2], [sflag:$0x1] =	stream.linear.gather [hbm4b:s6+s2], $0xA000, $0x38;
	[tilespmem:$0x14600] =	vst v63  }
0x25: {  	p1 =	por $0x1, $0x1  }
0x26: {  	[tilespmem:s19], [sflag:$0x3] =	stream.linear.gather [hbm4b:s7+s2], $0xA0, $0x38;
	[tilespmem:$0x14600] =	vst v63  }
0x27: {  	p2 =	por $0x0, $0x0;
	s16 =	simm.s32 $0x0;
	s6 =	smov.u32 s9  }
0x28: {  	[tilespmem:s20], [sflag:$0x2] =	stream.linear.gather [hbm4b:s8+s2], $0xA000, $0x38;
	[tilespmem:$0x14600] =	vst v63  }
.LBB2_2:
0x29: {  	s14 =	simm.s32 $0x14100  }
0x2a: {  	[tilespmem:s14], [sflag:$0x4] =	stream.linear.gather [hbm4b:s6+s2], $0xA0, $0x38;
	[tilespmem:$0x14600] =	vst v63  }
.LBB2_3:
0x2b: {  	_ =	swait.ge [sflag:s22], $0xA000  }
0x2c: {  	[sflag:s22] =	ssyncset.done $0x0  }
0x2d: {  	[sflag:s22] =	ssyncadd.s32 $0xFFFF6000  }
0x2e: {  	_ =	swait.ge [sflag:s23], $0xA0  }
0x2f: {  	[sflag:s23] =	ssyncset.done $0x0  }
0x30: {  	s6 =	simm.s32 @p2 $0x5;
	[sflag:s23] =	ssyncadd.s32 $0xFFFFFF60  }
0x31: {  	_ =	swait.ge @p2 [sflag:s6], $0xA0  }
0x32: {  	[sflag:s6] =	ssyncset.done @p2 $0x0  }
0x33: {  	[sflag:s6] =	ssyncadd.s32 @p2 $0xFFFFFF60  }
0x34: {  	_ =	swait.ge @p2 [sflag:s6], $0xA0  }
0x35: {  	[sflag:s6] =	ssyncset.done @p2 $0x0  }
0x36: {  	s17 =	simm.s32 $0x0;
	s14 =	simm.s32 $0x0;
	[sflag:s6] =	ssyncadd.s32 @p2 $0xFFFFFF60  }
.LBB2_4:
0x37: {  	s21 =	sshll.u32 s14, $0x4  }
0x38: {  	v5 =	vmov s21  }
0x39: {  	v5 =	vshll.u32 v5, $0x8  }
0x3a: {  	v5 =	vor.u32 v1, v5  }
0x3b: {  	v7 =	vmov s17;
	v5 =	vand.u32 $0xF800, v5  }
0x3c: {  	v8 =	vand.u32 $0x7C, v7;
	v7 =	vshll.u32 v7, $0x3;
	v6 =	vor.u32 v0, v5  }
0x3d: {  	v7 =	vand.u32 $0x400, v7;
	v9 =	vor.u32 v6, v8;
	v8 =	vor.u32 v5, v8  }
0x3e: {  	v9 =	vor.u32 v7, v9;
	v7 =	vor.u32 v7, v8  }
0x3f: {  	v8 =	vor.u32 v4, v7  }
0x40: {  	s6 =	simm.s32 $0x4  }
0x41: {  	v11 =	vmov s6  }
0x42: {  	v12 =	vand.u32 $0x7C, v11;
	v11 =	vshll.u32 v11, $0x3  }
0x43: {  	v11 =	vand.u32 $0x400, v11;
	v10 =	vor.u32 v2, v7;
	v9 =	vld.idx.msk [tilespmem:v9+s2+$0x0], $0xffff  }
0x44: {  	v13 =	vor.u32 v6, v12;
	v12 =	vor.u32 v5, v12;
	v7 =	vor.u32 v3, v7;
	v8 =	vld.idx.msk [tilespmem:v8+s2+$0x0], $0xffff  }
0x45: {  	v13 =	vor.u32 v11, v13;
	v11 =	vor.u32 v11, v12  }
0x46: {  	v12 =	vor.u32 v4, v11  }
0x47: {  	s6 =	simm.s32 $0x8  }
0x48: {  	v15 =	vmov s6;
	v10 =	vld.idx.msk [tilespmem:v10+s2+$0x0], $0xffff;
	v9 =	vmul.f32 $1.442695020e+00, v9  }
0x49: {  	v14 =	vor.u32 v2, v11;
	v11 =	vor.u32 v3, v11;
	v7 =	vld.idx.msk [tilespmem:v7+s2+$0x0], $0xffff;
	v8 =	vmul.f32 $1.442695020e+00, v8  }
0x4a: {  	(erf) = vpow2.f32 v9;
	v9 =	vld.idx.msk [tilespmem:v13+s2+$0x0], $0xffff;
	v13 =	vand.u32 $0x7C, v15;
	v15 =	vshll.u32 v15, $0x3  }
0x4b: {  	(erf) = vpow2.f32 v8;
	v8 =	vld.idx.msk [tilespmem:v12+s2+$0x0], $0xffff;
	v12 =	vand.u32 $0x400, v15;
	v15 =	vor.u32 v6, v13  }
0x4c: {  	v13 =	vor.u32 v5, v13;
	v15 =	vor.u32 v12, v15  }
0x4d: {  	v10 =	vmul.f32 $1.442695020e+00, v10;
	v12 =	vor.u32 v12, v13  }
0x4e: {  	v13 =	vor.u32 v4, v12  }
0x4f: {  	s6 =	simm.s32 $0xC;
	v14 =	vld.idx.msk [tilespmem:v14+s2+$0x0], $0xffff;
	v16 =	vmul.f32 $1.442695020e+00, v7;
	(erf) = vpow2.f32 v10;
	v10 =	vor.u32 v2, v12  }
0x50: {  	v11 =	vld.idx.msk [tilespmem:v11+s2+$0x0], $0xffff;
	v17 =	vor.u32 v3, v12;
	v12 =	vmov s6;
	v9 =	vmul.f32 $1.442695020e+00, v9  }
0x51: {  	(erf) = vpow2.f32 v16;
	v16 =	vand.u32 $0x7C, v12;
	v12 =	vshll.u32 v12, $0x3;
	v15 =	vld.idx.msk [tilespmem:v15+s2+$0x0], $0xffff  }
0x52: {  	v12 =	vand.u32 $0x400, v12;
	v8 =	vmul.f32 $1.442695020e+00, v8  }
0x53: {  	v18 =	vld.idx.msk [tilespmem:v13+s2+$0x0], $0xffff;
	v13 =	vor.u32 v6, v16;
	v16 =	vor.u32 v5, v16;
	v19 =	vpop (erf);
	(erf) = vpow2.f32 v9  }
0x54: {  	v14 =	vmul.f32 $1.442695020e+00, v14;
	v20 =	vld.idx.msk [tilespmem:v10+s2+$0x0], $0xffff;
	v10 =	vor.u32 v12, v16;
	v9 =	vpop (erf);
	(erf) = vpow2.f32 v8  }
0x55: {  	v21 =	vor.u32 v12, v13;
	v13 =	vor.u32 v2, v10;
	v12 =	vor.u32 v3, v10  }
0x56: {  	v16 =	vor.u32 v4, v10;
	v10 =	vmul.f32 $1.442695020e+00, v11;
	v11 =	vmul.f32 $1.442695020e+00, v15  }
0x57: {  	v7 =	vimm.f32 $0.0e+00;
	(erf) = vpow2.f32 v14;
	v14 =	vld.idx.msk [tilespmem:v17+s2+$0x0], $0xffff  }
0x58: {  	s6 =	simm.s32 $0x10;
	v8 =	vadd.f32 v9, v7;
	v9 =	vadd.f32 v19, v7  }
0x59: {  	v19 =	vmov s6;
	v15 =	vpop (erf);
	(erf) = vpow2.f32 v10;
	v18 =	vmul.f32 $1.442695020e+00, v18  }
0x5a: {  	s6 =	simm.s32 $0x14;
	v10 =	vadd.f32 v15, v7;
	v17 =	vmul.f32 $1.442695020e+00, v20;
	v15 =	vld.idx.msk [tilespmem:v21+s2+$0x0], $0xffff;
	(erf) = vpow2.f32 v11;
	v11 =	vpop (erf)  }
.LBB2_5:
0x5b: {  	v20 =	vand.u32 $0x7C, v19  }
0x5c: {  	p2 =	sne.s32 s6, $0xC4;
	v19 =	vshll.u32 v19, $0x3;
	v21 =	vld.idx.msk [tilespmem:v16+s2+$0x0], $0xffff;
	(erf) = vpow2.f32 v18;
	v18 =	vpop (erf);
	v22 =	vmov v14  }
0x5d: {  	v14 =	vand.u32 $0x400, v19;
	v16 =	vor.u32 v6, v20;
	v19 =	vor.u32 v5, v20;
	v20 =	vld.idx.msk [tilespmem:v13+s2+$0x0], $0xffff;
	v13 =	vpop (erf)  }
0x5e: {  	v23 =	vor.u32 v14, v16;
	v16 =	vor.u32 v14, v19;
	v14 =	vld.idx.msk [tilespmem:v12+s2+$0x0], $0xffff;
	v8 =	vadd.f32 v13, v8  }
.Ltmp2:
0x5f: {  	v13 =	vor.u32 v2, v16;
	v12 =	vor.u32 v3, v16;
	v16 =	vor.u32 v4, v16;
	(pc) =	sbr.rel @p2 .LBB2_5-.Ltmp2, $4  }
0x60: {  	v7 =	vadd.f32 v11, v7;
	v19 =	vmul.f32 $1.442695020e+00, v22;
	(erf) = vpow2.f32 v17  }
0x61: {  	v9 =	vadd.f32 v18, v9;
	v22 =	vmul.f32 $1.442695020e+00, v15;
	v15 =	vpop (erf)  }
0x62: {  	v18 =	vmul.f32 $1.442695020e+00, v21;
	(erf) = vpow2.f32 v19;
	v10 =	vadd.f32 v15, v10  }
0x63: {  	v19 =	vmov s6;
	s6 =	sadd.s32 $0x4, s6;
	v17 =	vmul.f32 $1.442695020e+00, v20;
	v15 =	vld.idx.msk [tilespmem:v23+s2+$0x0], $0xffff;
	(erf) = vpow2.f32 v22;
	v11 =	vpop (erf)  }
0x64: {  	v20 =	vand.u32 $0x7C, v19;
	v42 =	vshll.u32 v19, $0x3  }
0x65: {  	v19 =	vand.u32 $0x400, v42;
	v6 =	vor.u32 v6, v20  }
0x66: {  	v20 =	vor.u32 v5, v20;
	v6 =	vor.u32 v19, v6  }
0x67: {  	v19 =	vor.u32 v19, v20  }
0x68: {  	v16 =	vld.idx.msk [tilespmem:v16+s2+$0x0], $0xffff;
	v20 =	vor.u32 v4, v19  }
0x69: {  	v13 =	vld.idx.msk [tilespmem:v13+s2+$0x0], $0xffff;
	v21 =	vor.u32 v2, v19  }
0x6a: {  	v12 =	vld.idx.msk [tilespmem:v12+s2+$0x0], $0xffff;
	v19 =	vor.u32 v3, v19  }
0x6b: {  	(erf) = vpow2.f32 v18;
	v14 =	vmul.f32 $1.442695020e+00, v14;
	v6 =	vld.idx.msk [tilespmem:v6+s2+$0x0], $0xffff  }
0x6c: {  	(erf) = vpow2.f32 v17  }
0x6d: {  	(erf) = vpow2.f32 v14;
	v15 =	vmul.f32 $1.442695020e+00, v15;
	v43 =	vld.idx.msk [tilespmem:v20+s2+$0x0], $0xffff  }
0x6e: {  	v16 =	vmul.f32 $1.442695020e+00, v16;
	v13 =	vmul.f32 $1.442695020e+00, v13;
	v44 =	vld.idx.msk [tilespmem:v21+s2+$0x0], $0xffff  }
0x6f: {  	v12 =	vmul.f32 $1.442695020e+00, v12;
	(erf) = vpow2.f32 v15;
	v45 =	vld.idx.msk [tilespmem:v19+s2+$0x0], $0xffff  }
0x70: {  	v46 =	vpop (erf);
	(erf) = vpow2.f32 v16;
	v6 =	vmul.f32 $1.442695020e+00, v6  }
0x71: {  	v47 =	vpop (erf);
	(erf) = vpow2.f32 v13  }
0x72: {  	v50 =	vld [tilespmem:s21+$0x14000];
	v48 =	vpop (erf);
	(erf) = vpow2.f32 v12;
	v17 =	vmul.f32 $1.442695020e+00, v43  }
0x73: {  	v49 =	vpop (erf);
	v14 =	vmul.f32 $1.442695020e+00, v44;
	(erf) = vpow2.f32 v6  }
0x74: {  	v15 =	vmul.f32 $1.442695020e+00, v45;
	v6 =	vpop (erf);
	(erf) = vpow2.f32 v17  }
0x75: {  	v51 =	vpop (erf);
	(erf) = vpow2.f32 v14  }
0x76: {  	v52 =	vpop (erf);
	(erf) = vpow2.f32 v15  }
0x77: {  	v56 =	vshll.u32 v50, $0x3;
	v53 =	vpop (erf)  }
0x78: {  	v7 =	vadd.f32 v11, v7;
	v9 =	vadd.f32 v46, v9;
	v13 =	vand.u32 $0xFFFFFC00, v56;
	v54 =	vpop (erf)  }
0x79: {  	v8 =	vadd.f32 v47, v8;
	v59 =	vand.u32 $0x7F, v50;
	v5 =	vadd.s32 v5, v13;
	v55 =	vpop (erf)  }
0x7a: {  	v10 =	vadd.f32 v48, v10;
	v7 =	vadd.f32 v49, v7;
	v5 =	vor.u32 v59, v5;
	v57 =	vpop (erf)  }
0x7b: {  	v5 =	vor.u32 v0, v5;
	v6 =	vadd.f32 v6, v9;
	v8 =	vadd.f32 v51, v8;
	v58 =	vpop (erf)  }
0x7c: {  	v10 =	vadd.f32 v52, v10;
	v7 =	vadd.f32 v53, v7;
	v60 =	vpop (erf)  }
0x7d: {  	v6 =	vadd.f32 v54, v6;
	v8 =	vadd.f32 v55, v8;
	v61 =	vpop (erf)  }
0x7e: {  	v10 =	vadd.f32 v57, v10;
	v7 =	vadd.f32 v58, v7;
	v62 =	vpop (erf)  }
0x7f: {  	v6 =	vadd.f32 v60, v6;
	v8 =	vadd.f32 v61, v8;
	v63 =	vpop (erf)  }
0x80: {  	s14 =	sadd.s32 $0x1, s14;
	v5 =	vld.idx.msk [tilespmem:v5+s2+$0x0], $0xffff;
	v9 =	vadd.f32 v62, v10;
	v7 =	vadd.f32 v63, v7  }
0x81: {  	p2 =	sne.s32 s14, $0xA  }
.Ltmp3:
0x82: {  	v6 =	vadd.f32 v9, v6;
	v7 =	vadd.f32 v8, v7;
	(pc) =	sbr.rel @p2 .LBB2_4-.Ltmp3, $4  }
0x83: {  	_ = 	snop  }
0x84: {  	v6 =	vadd.f32 v7, v6  }
0x85: {  	[tilespmem:s21+$0x14400] =	vst v5  }
0x86: {  	[tilespmem:s21+$0x14200] =	vst v6  }
0x87: {  	s6 =	sor.u32 s3, s16  }
0x88: {  	s6 =	smul.u32 $0x14, s6  }
.Ltmp4:
0x89: {  	_ = 	snop;
	(pc) =	sbr.rel @!p1 .LBB2_14-.Ltmp4, $4  }
0x8a: {  	s14 =	sadd.s32 s4, s6  }
0x8b: {  	[hbm4b:s14+s2] =	stream.linear.scatter [tilespmem:s24], [sflag:$0x5], $0xA0, $0x38;
	[tilespmem:$0x14600] =	vst v63  }
0x8c: {  	s6 =	sadd.s32 s5, s6  }
0x8d: {  	[hbm4b:s6+s2] =	stream.linear.scatter [tilespmem:s25], [sflag:$0x5], $0xA0, $0x38;
	[tilespmem:$0x14600] =	vst v63  }
0x8e: {  	s16 =	simm.s32 $0x0  }
0x8f: {  	[tilespmem:s16], [sflag:$0x1] =	stream.linear.gather [hbm4b:s10+s16], $0xA000, $0x38;
	[tilespmem:$0x14600] =	vst v63  }
0x90: {  	_ = 	snop  }
0x91: {  	[tilespmem:s19], [sflag:$0x3] =	stream.linear.gather [hbm4b:s11+s16], $0xA0, $0x38;
	[tilespmem:$0x14600] =	vst v63  }
0x92: {  	_ =	swait.ge [sflag:s26], $0xA000  }
0x93: {  	[sflag:s26] =	ssyncset.done $0x0  }
0x94: {  	[sflag:s26] =	ssyncadd.s32 $0xFFFF6000  }
0x95: {  	_ =	swait.ge [sflag:s28], $0xA0  }
0x96: {  	[sflag:s28] =	ssyncset.done $0x0  }
0x97: {  	s14 =	simm.s32 $0x0;
	[sflag:s28] =	ssyncadd.s32 $0xFFFFFF60  }
.LBB2_9:
0x98: {  	s17 =	sshll.u32 s14, $0x4  }
0x99: {  	v5 =	vmov s17  }
0x9a: {  	v5 =	vshll.u32 v5, $0x8  }
0x9b: {  	v5 =	vor.u32 v1, v5  }
0x9c: {  	v7 =	vmov s16;
	v5 =	vand.u32 $0xF800, v5  }
0x9d: {  	v8 =	vand.u32 $0x7C, v7;
	v7 =	vshll.u32 v7, $0x3;
	v6 =	vor.u32 v0, v5  }
0x9e: {  	v7 =	vand.u32 $0x400, v7;
	v9 =	vor.u32 v6, v8;
	v8 =	vor.u32 v5, v8  }
0x9f: {  	v9 =	vor.u32 v7, v9;
	v7 =	vor.u32 v7, v8  }
0xa0: {  	v8 =	vor.u32 v4, v7  }
0xa1: {  	s6 =	simm.s32 $0x4  }
0xa2: {  	v11 =	vmov s6  }
0xa3: {  	v12 =	vand.u32 $0x7C, v11;
	v11 =	vshll.u32 v11, $0x3  }
0xa4: {  	v11 =	vand.u32 $0x400, v11;
	v10 =	vor.u32 v2, v7;
	v9 =	vld.idx.msk [tilespmem:v9+s20+$0x0], $0xffff  }
0xa5: {  	v13 =	vor.u32 v6, v12;
	v12 =	vor.u32 v5, v12;
	v7 =	vor.u32 v3, v7;
	v8 =	vld.idx.msk [tilespmem:v8+s20+$0x0], $0xffff  }
0xa6: {  	v13 =	vor.u32 v11, v13;
	v11 =	vor.u32 v11, v12  }
0xa7: {  	v12 =	vor.u32 v4, v11  }
0xa8: {  	s21 =	simm.s32 $0x8  }
0xa9: {  	v15 =	vmov s21;
	v10 =	vld.idx.msk [tilespmem:v10+s20+$0x0], $0xffff;
	v9 =	vmul.f32 $1.442695020e+00, v9  }
0xaa: {  	v14 =	vor.u32 v2, v11;
	v11 =	vor.u32 v3, v11;
	v7 =	vld.idx.msk [tilespmem:v7+s20+$0x0], $0xffff;
	v8 =	vmul.f32 $1.442695020e+00, v8  }
0xab: {  	(erf) = vpow2.f32 v9;
	v9 =	vld.idx.msk [tilespmem:v13+s20+$0x0], $0xffff;
	v13 =	vand.u32 $0x7C, v15;
	v15 =	vshll.u32 v15, $0x3  }
0xac: {  	(erf) = vpow2.f32 v8;
	v8 =	vld.idx.msk [tilespmem:v12+s20+$0x0], $0xffff;
	v12 =	vand.u32 $0x400, v15;
	v15 =	vor.u32 v6, v13  }
0xad: {  	v13 =	vor.u32 v5, v13;
	v15 =	vor.u32 v12, v15  }
0xae: {  	v10 =	vmul.f32 $1.442695020e+00, v10;
	v12 =	vor.u32 v12, v13  }
0xaf: {  	v13 =	vor.u32 v4, v12  }
0xb0: {  	s21 =	simm.s32 $0xC;
	v14 =	vld.idx.msk [tilespmem:v14+s20+$0x0], $0xffff;
	v16 =	vmul.f32 $1.442695020e+00, v7;
	(erf) = vpow2.f32 v10;
	v10 =	vor.u32 v2, v12  }
0xb1: {  	v11 =	vld.idx.msk [tilespmem:v11+s20+$0x0], $0xffff;
	v17 =	vor.u32 v3, v12;
	v12 =	vmov s21;
	v9 =	vmul.f32 $1.442695020e+00, v9  }
0xb2: {  	(erf) = vpow2.f32 v16;
	v16 =	vand.u32 $0x7C, v12;
	v12 =	vshll.u32 v12, $0x3;
	v15 =	vld.idx.msk [tilespmem:v15+s20+$0x0], $0xffff  }
0xb3: {  	v12 =	vand.u32 $0x400, v12;
	v8 =	vmul.f32 $1.442695020e+00, v8  }
0xb4: {  	v18 =	vld.idx.msk [tilespmem:v13+s20+$0x0], $0xffff;
	v13 =	vor.u32 v6, v16;
	v16 =	vor.u32 v5, v16;
	v19 =	vpop (erf);
	(erf) = vpow2.f32 v9  }
0xb5: {  	v14 =	vmul.f32 $1.442695020e+00, v14;
	v20 =	vld.idx.msk [tilespmem:v10+s20+$0x0], $0xffff;
	v10 =	vor.u32 v12, v16;
	v9 =	vpop (erf);
	(erf) = vpow2.f32 v8  }
0xb6: {  	v21 =	vor.u32 v12, v13;
	v13 =	vor.u32 v2, v10;
	v12 =	vor.u32 v3, v10  }
0xb7: {  	v16 =	vor.u32 v4, v10;
	v10 =	vmul.f32 $1.442695020e+00, v11;
	v11 =	vmul.f32 $1.442695020e+00, v15  }
0xb8: {  	v7 =	vimm.f32 $0.0e+00;
	(erf) = vpow2.f32 v14;
	v14 =	vld.idx.msk [tilespmem:v17+s20+$0x0], $0xffff  }
0xb9: {  	s21 =	simm.s32 $0x10;
	v8 =	vadd.f32 v9, v7;
	v9 =	vadd.f32 v19, v7  }
0xba: {  	v19 =	vmov s21;
	v15 =	vpop (erf);
	(erf) = vpow2.f32 v10;
	v18 =	vmul.f32 $1.442695020e+00, v18  }
0xbb: {  	s6 =	simm.s32 $0x14;
	v10 =	vadd.f32 v15, v7;
	v17 =	vmul.f32 $1.442695020e+00, v20;
	v15 =	vld.idx.msk [tilespmem:v21+s20+$0x0], $0xffff;
	(erf) = vpow2.f32 v11;
	v11 =	vpop (erf)  }
.LBB2_10:
0xbc: {  	v20 =	vand.u32 $0x7C, v19  }
0xbd: {  	p1 =	sne.s32 s6, $0xC4;
	v19 =	vshll.u32 v19, $0x3;
	v21 =	vld.idx.msk [tilespmem:v16+s20+$0x0], $0xffff;
	(erf) = vpow2.f32 v18;
	v18 =	vpop (erf);
	v22 =	vmov v14  }
0xbe: {  	v14 =	vand.u32 $0x400, v19;
	v16 =	vor.u32 v6, v20;
	v19 =	vor.u32 v5, v20;
	v20 =	vld.idx.msk [tilespmem:v13+s20+$0x0], $0xffff;
	v13 =	vpop (erf)  }
0xbf: {  	v23 =	vor.u32 v14, v16;
	v16 =	vor.u32 v14, v19;
	v14 =	vld.idx.msk [tilespmem:v12+s20+$0x0], $0xffff;
	v8 =	vadd.f32 v13, v8  }
.Ltmp5:
0xc0: {  	v13 =	vor.u32 v2, v16;
	v12 =	vor.u32 v3, v16;
	v16 =	vor.u32 v4, v16;
	(pc) =	sbr.rel @p1 .LBB2_10-.Ltmp5, $4  }
0xc1: {  	v7 =	vadd.f32 v11, v7;
	v19 =	vmul.f32 $1.442695020e+00, v22;
	(erf) = vpow2.f32 v17  }
0xc2: {  	v9 =	vadd.f32 v18, v9;
	v22 =	vmul.f32 $1.442695020e+00, v15;
	v15 =	vpop (erf)  }
0xc3: {  	v18 =	vmul.f32 $1.442695020e+00, v21;
	(erf) = vpow2.f32 v19;
	v10 =	vadd.f32 v15, v10  }
0xc4: {  	v19 =	vmov s6;
	s6 =	sadd.s32 $0x4, s6;
	v17 =	vmul.f32 $1.442695020e+00, v20;
	v15 =	vld.idx.msk [tilespmem:v23+s20+$0x0], $0xffff;
	(erf) = vpow2.f32 v22;
	v11 =	vpop (erf)  }
0xc5: {  	v20 =	vand.u32 $0x7C, v19;
	v42 =	vshll.u32 v19, $0x3  }
0xc6: {  	v19 =	vand.u32 $0x400, v42;
	v6 =	vor.u32 v6, v20  }
0xc7: {  	v20 =	vor.u32 v5, v20;
	v6 =	vor.u32 v19, v6  }
0xc8: {  	v19 =	vor.u32 v19, v20  }
0xc9: {  	v16 =	vld.idx.msk [tilespmem:v16+s20+$0x0], $0xffff;
	v20 =	vor.u32 v4, v19  }
0xca: {  	v13 =	vld.idx.msk [tilespmem:v13+s20+$0x0], $0xffff;
	v21 =	vor.u32 v2, v19  }
0xcb: {  	v12 =	vld.idx.msk [tilespmem:v12+s20+$0x0], $0xffff;
	v19 =	vor.u32 v3, v19  }
0xcc: {  	(erf) = vpow2.f32 v18;
	v14 =	vmul.f32 $1.442695020e+00, v14;
	v6 =	vld.idx.msk [tilespmem:v6+s20+$0x0], $0xffff  }
0xcd: {  	(erf) = vpow2.f32 v17  }
0xce: {  	(erf) = vpow2.f32 v14;
	v15 =	vmul.f32 $1.442695020e+00, v15;
	v43 =	vld.idx.msk [tilespmem:v20+s20+$0x0], $0xffff  }
0xcf: {  	v16 =	vmul.f32 $1.442695020e+00, v16;
	v13 =	vmul.f32 $1.442695020e+00, v13;
	v44 =	vld.idx.msk [tilespmem:v21+s20+$0x0], $0xffff  }
0xd0: {  	v12 =	vmul.f32 $1.442695020e+00, v12;
	(erf) = vpow2.f32 v15;
	v45 =	vld.idx.msk [tilespmem:v19+s20+$0x0], $0xffff  }
0xd1: {  	v46 =	vpop (erf);
	(erf) = vpow2.f32 v16;
	v6 =	vmul.f32 $1.442695020e+00, v6  }
0xd2: {  	v47 =	vpop (erf);
	(erf) = vpow2.f32 v13  }
0xd3: {  	v50 =	vld [tilespmem:s17+$0x14100];
	v48 =	vpop (erf);
	(erf) = vpow2.f32 v12;
	v17 =	vmul.f32 $1.442695020e+00, v43  }
0xd4: {  	v49 =	vpop (erf);
	v14 =	vmul.f32 $1.442695020e+00, v44;
	(erf) = vpow2.f32 v6  }
0xd5: {  	v15 =	vmul.f32 $1.442695020e+00, v45;
	v6 =	vpop (erf);
	(erf) = vpow2.f32 v17  }
0xd6: {  	v51 =	vpop (erf);
	(erf) = vpow2.f32 v14  }
0xd7: {  	v52 =	vpop (erf);
	(erf) = vpow2.f32 v15  }
0xd8: {  	v56 =	vshll.u32 v50, $0x3;
	v53 =	vpop (erf)  }
0xd9: {  	v7 =	vadd.f32 v11, v7;
	v9 =	vadd.f32 v46, v9;
	v13 =	vand.u32 $0xFFFFFC00, v56;
	v54 =	vpop (erf)  }
0xda: {  	v8 =	vadd.f32 v47, v8;
	v59 =	vand.u32 $0x7F, v50;
	v5 =	vadd.s32 v5, v13;
	v55 =	vpop (erf)  }
0xdb: {  	v10 =	vadd.f32 v48, v10;
	v7 =	vadd.f32 v49, v7;
	v5 =	vor.u32 v59, v5;
	v57 =	vpop (erf)  }
0xdc: {  	v5 =	vor.u32 v0, v5;
	v6 =	vadd.f32 v6, v9;
	v8 =	vadd.f32 v51, v8;
	v58 =	vpop (erf)  }
0xdd: {  	v10 =	vadd.f32 v52, v10;
	v7 =	vadd.f32 v53, v7;
	v60 =	vpop (erf)  }
0xde: {  	v6 =	vadd.f32 v54, v6;
	v8 =	vadd.f32 v55, v8;
	v61 =	vpop (erf)  }
0xdf: {  	v10 =	vadd.f32 v57, v10;
	v7 =	vadd.f32 v58, v7;
	v62 =	vpop (erf)  }
0xe0: {  	v6 =	vadd.f32 v60, v6;
	v8 =	vadd.f32 v61, v8;
	v63 =	vpop (erf)  }
0xe1: {  	s14 =	sadd.s32 $0x1, s14;
	v5 =	vld.idx.msk [tilespmem:v5+s20+$0x0], $0xffff;
	v9 =	vadd.f32 v62, v10;
	v7 =	vadd.f32 v63, v7  }
0xe2: {  	p1 =	sne.s32 s14, $0xA  }
.Ltmp6:
0xe3: {  	v6 =	vadd.f32 v9, v6;
	v7 =	vadd.f32 v8, v7;
	(pc) =	sbr.rel @p1 .LBB2_9-.Ltmp6, $4  }
0xe4: {  	_ = 	snop  }
0xe5: {  	v6 =	vadd.f32 v7, v6  }
0xe6: {  	[tilespmem:s17+$0x14500] =	vst v5  }
0xe7: {  	[tilespmem:s17+$0x14300] =	vst v6  }
.Ltmp7:
0xe8: {  	(pc) =	sbr.rel @p0 .LBB2_3-.Ltmp7, $4  }
0xe9: {  	_ = 	snop  }
0xea: {  	[hbm4b:s12+s2] =	stream.linear.scatter [tilespmem:s29], [sflag:$0x6], $0xA0, $0x38;
	[tilespmem:$0x14600] =	vst v63  }
0xeb: {  	s16 =	simm.s32 $0x40;
	p1 =	por $0x0, $0x0;
	p2 =	por $0x1, $0x1  }
0xec: {  	[hbm4b:s13+s2] =	stream.linear.scatter [tilespmem:s30], [sflag:$0x6], $0xA0, $0x38;
	[tilespmem:$0x14600] =	vst v63  }
.Ltmp8:
0xed: {  	(pc) =	sbr.rel .LBB2_2-.Ltmp8, $4  }
0xee: {  	_ = 	snop  }
0xef: {  	s6 =	rddreg [dreg:$0x4];
	s16 =	simm.s32 $0x40  }
0xf0: {  	[tilespmem:s20], [sflag:$0x2] =	stream.linear.gather [hbm4b:s6+s2], $0xA000, $0x38;
	[tilespmem:$0x14600] =	vst v63  }
0xf1: {  	p1 =	por $0x0, $0x0;
	p2 =	por $0x1, $0x1;
	s6 =	smov.u32 s15  }
.LBB2_14:
.Ltmp9:
0xf2: {  	(pc) =	sbr.rel @p0 .LBB2_20-.Ltmp9, $1  }
0xf3: {  	_ =	sdelay $0x3  }
0xf4: {  	_ =	swait.ge [sflag:s26], $0xA000  }
0xf5: {  	[sflag:s26] =	ssyncset.done $0x0  }
0xf6: {  	[sflag:s26] =	ssyncadd.s32 $0xFFFF6000  }
0xf7: {  	_ =	swait.ge [sflag:s28], $0xA0  }
0xf8: {  	[sflag:s28] =	ssyncset.done $0x0  }
0xf9: {  	[sflag:s28] =	ssyncadd.s32 $0xFFFFFF60  }
0xfa: {  	_ =	swait.ge [sflag:s31], $0xA0  }
0xfb: {  	[sflag:s31] =	ssyncset.done $0x0  }
0xfc: {  	[sflag:s31] =	ssyncadd.s32 $0xFFFFFF60  }
0xfd: {  	_ =	swait.ge [sflag:s31], $0xA0  }
0xfe: {  	[sflag:s31] =	ssyncset.done $0x0  }
0xff: {  	s16 =	simm.s32 $0x0;
	s14 =	simm.s32 $0x0;
	[sflag:s31] =	ssyncadd.s32 $0xFFFFFF60  }
.LBB2_16:
0x100: {  	s17 =	sshll.u32 s14, $0x4  }
0x101: {  	v5 =	vmov s17  }
0x102: {  	v5 =	vshll.u32 v5, $0x8  }
0x103: {  	v5 =	vor.u32 v1, v5  }
0x104: {  	v7 =	vmov s16;
	v5 =	vand.u32 $0xF800, v5  }
0x105: {  	v8 =	vand.u32 $0x7C, v7;
	v7 =	vshll.u32 v7, $0x3;
	v6 =	vor.u32 v0, v5  }
0x106: {  	v7 =	vand.u32 $0x400, v7;
	v9 =	vor.u32 v6, v8;
	v8 =	vor.u32 v5, v8  }
0x107: {  	v9 =	vor.u32 v7, v9;
	v7 =	vor.u32 v7, v8  }
0x108: {  	v8 =	vor.u32 v4, v7  }
0x109: {  	s6 =	simm.s32 $0x4  }
0x10a: {  	v11 =	vmov s6  }
0x10b: {  	v12 =	vand.u32 $0x7C, v11;
	v11 =	vshll.u32 v11, $0x3  }
0x10c: {  	v11 =	vand.u32 $0x400, v11;
	v10 =	vor.u32 v2, v7;
	v9 =	vld.idx.msk [tilespmem:v9+s20+$0x0], $0xffff  }
0x10d: {  	v13 =	vor.u32 v6, v12;
	v12 =	vor.u32 v5, v12;
	v7 =	vor.u32 v3, v7;
	v8 =	vld.idx.msk [tilespmem:v8+s20+$0x0], $0xffff  }
0x10e: {  	v13 =	vor.u32 v11, v13;
	v11 =	vor.u32 v11, v12  }
0x10f: {  	v12 =	vor.u32 v4, v11  }
0x110: {  	s21 =	simm.s32 $0x8  }
0x111: {  	v15 =	vmov s21;
	v10 =	vld.idx.msk [tilespmem:v10+s20+$0x0], $0xffff;
	v9 =	vmul.f32 $1.442695020e+00, v9  }
0x112: {  	v14 =	vor.u32 v2, v11;
	v11 =	vor.u32 v3, v11;
	v7 =	vld.idx.msk [tilespmem:v7+s20+$0x0], $0xffff;
	v8 =	vmul.f32 $1.442695020e+00, v8  }
0x113: {  	(erf) = vpow2.f32 v9;
	v9 =	vld.idx.msk [tilespmem:v13+s20+$0x0], $0xffff;
	v13 =	vand.u32 $0x7C, v15;
	v15 =	vshll.u32 v15, $0x3  }
0x114: {  	(erf) = vpow2.f32 v8;
	v8 =	vld.idx.msk [tilespmem:v12+s20+$0x0], $0xffff;
	v12 =	vand.u32 $0x400, v15;
	v15 =	vor.u32 v6, v13  }
0x115: {  	v13 =	vor.u32 v5, v13;
	v15 =	vor.u32 v12, v15  }
0x116: {  	v10 =	vmul.f32 $1.442695020e+00, v10;
	v12 =	vor.u32 v12, v13  }
0x117: {  	v13 =	vor.u32 v4, v12  }
0x118: {  	s21 =	simm.s32 $0xC;
	v14 =	vld.idx.msk [tilespmem:v14+s20+$0x0], $0xffff;
	v16 =	vmul.f32 $1.442695020e+00, v7;
	(erf) = vpow2.f32 v10;
	v10 =	vor.u32 v2, v12  }
0x119: {  	v11 =	vld.idx.msk [tilespmem:v11+s20+$0x0], $0xffff;
	v17 =	vor.u32 v3, v12;
	v12 =	vmov s21;
	v9 =	vmul.f32 $1.442695020e+00, v9  }
0x11a: {  	(erf) = vpow2.f32 v16;
	v16 =	vand.u32 $0x7C, v12;
	v12 =	vshll.u32 v12, $0x3;
	v15 =	vld.idx.msk [tilespmem:v15+s20+$0x0], $0xffff  }
0x11b: {  	v12 =	vand.u32 $0x400, v12;
	v8 =	vmul.f32 $1.442695020e+00, v8  }
0x11c: {  	v18 =	vld.idx.msk [tilespmem:v13+s20+$0x0], $0xffff;
	v13 =	vor.u32 v6, v16;
	v16 =	vor.u32 v5, v16;
	v19 =	vpop (erf);
	(erf) = vpow2.f32 v9  }
0x11d: {  	v14 =	vmul.f32 $1.442695020e+00, v14;
	v20 =	vld.idx.msk [tilespmem:v10+s20+$0x0], $0xffff;
	v10 =	vor.u32 v12, v16;
	v9 =	vpop (erf);
	(erf) = vpow2.f32 v8  }
0x11e: {  	v21 =	vor.u32 v12, v13;
	v13 =	vor.u32 v2, v10;
	v12 =	vor.u32 v3, v10  }
0x11f: {  	v16 =	vor.u32 v4, v10;
	v10 =	vmul.f32 $1.442695020e+00, v11;
	v11 =	vmul.f32 $1.442695020e+00, v15  }
0x120: {  	v7 =	vimm.f32 $0.0e+00;
	(erf) = vpow2.f32 v14;
	v14 =	vld.idx.msk [tilespmem:v17+s20+$0x0], $0xffff  }
0x121: {  	s21 =	simm.s32 $0x10;
	v8 =	vadd.f32 v9, v7;
	v9 =	vadd.f32 v19, v7  }
0x122: {  	v19 =	vmov s21;
	v15 =	vpop (erf);
	(erf) = vpow2.f32 v10;
	v18 =	vmul.f32 $1.442695020e+00, v18  }
0x123: {  	s6 =	simm.s32 $0x14;
	v10 =	vadd.f32 v15, v7;
	v17 =	vmul.f32 $1.442695020e+00, v20;
	v15 =	vld.idx.msk [tilespmem:v21+s20+$0x0], $0xffff;
	(erf) = vpow2.f32 v11;
	v11 =	vpop (erf)  }
.LBB2_17:
0x124: {  	v20 =	vand.u32 $0x7C, v19  }
0x125: {  	p1 =	sne.s32 s6, $0xC4;
	v19 =	vshll.u32 v19, $0x3;
	v21 =	vld.idx.msk [tilespmem:v16+s20+$0x0], $0xffff;
	(erf) = vpow2.f32 v18;
	v18 =	vpop (erf);
	v22 =	vmov v14  }
0x126: {  	v14 =	vand.u32 $0x400, v19;
	v16 =	vor.u32 v6, v20;
	v19 =	vor.u32 v5, v20;
	v20 =	vld.idx.msk [tilespmem:v13+s20+$0x0], $0xffff;
	v13 =	vpop (erf)  }
0x127: {  	v23 =	vor.u32 v14, v16;
	v16 =	vor.u32 v14, v19;
	v14 =	vld.idx.msk [tilespmem:v12+s20+$0x0], $0xffff;
	v8 =	vadd.f32 v13, v8  }
.Ltmp10:
0x128: {  	v13 =	vor.u32 v2, v16;
	v12 =	vor.u32 v3, v16;
	v16 =	vor.u32 v4, v16;
	(pc) =	sbr.rel @p1 .LBB2_17-.Ltmp10, $4  }
0x129: {  	v7 =	vadd.f32 v11, v7;
	v19 =	vmul.f32 $1.442695020e+00, v22;
	(erf) = vpow2.f32 v17  }
0x12a: {  	v9 =	vadd.f32 v18, v9;
	v22 =	vmul.f32 $1.442695020e+00, v15;
	v15 =	vpop (erf)  }
0x12b: {  	v18 =	vmul.f32 $1.442695020e+00, v21;
	(erf) = vpow2.f32 v19;
	v10 =	vadd.f32 v15, v10  }
0x12c: {  	v19 =	vmov s6;
	s6 =	sadd.s32 $0x4, s6;
	v17 =	vmul.f32 $1.442695020e+00, v20;
	v15 =	vld.idx.msk [tilespmem:v23+s20+$0x0], $0xffff;
	(erf) = vpow2.f32 v22;
	v11 =	vpop (erf)  }
0x12d: {  	v20 =	vand.u32 $0x7C, v19;
	v42 =	vshll.u32 v19, $0x3  }
0x12e: {  	v19 =	vand.u32 $0x400, v42;
	v6 =	vor.u32 v6, v20  }
0x12f: {  	v20 =	vor.u32 v5, v20;
	v6 =	vor.u32 v19, v6  }
0x130: {  	v19 =	vor.u32 v19, v20  }
0x131: {  	v16 =	vld.idx.msk [tilespmem:v16+s20+$0x0], $0xffff;
	v20 =	vor.u32 v4, v19  }
0x132: {  	v13 =	vld.idx.msk [tilespmem:v13+s20+$0x0], $0xffff;
	v21 =	vor.u32 v2, v19  }
0x133: {  	v12 =	vld.idx.msk [tilespmem:v12+s20+$0x0], $0xffff;
	v19 =	vor.u32 v3, v19  }
0x134: {  	(erf) = vpow2.f32 v18;
	v14 =	vmul.f32 $1.442695020e+00, v14;
	v6 =	vld.idx.msk [tilespmem:v6+s20+$0x0], $0xffff  }
0x135: {  	(erf) = vpow2.f32 v17  }
0x136: {  	(erf) = vpow2.f32 v14;
	v15 =	vmul.f32 $1.442695020e+00, v15;
	v43 =	vld.idx.msk [tilespmem:v20+s20+$0x0], $0xffff  }
0x137: {  	v16 =	vmul.f32 $1.442695020e+00, v16;
	v13 =	vmul.f32 $1.442695020e+00, v13;
	v44 =	vld.idx.msk [tilespmem:v21+s20+$0x0], $0xffff  }
0x138: {  	v12 =	vmul.f32 $1.442695020e+00, v12;
	(erf) = vpow2.f32 v15;
	v45 =	vld.idx.msk [tilespmem:v19+s20+$0x0], $0xffff  }
0x139: {  	v46 =	vpop (erf);
	(erf) = vpow2.f32 v16;
	v6 =	vmul.f32 $1.442695020e+00, v6  }
0x13a: {  	v47 =	vpop (erf);
	(erf) = vpow2.f32 v13  }
0x13b: {  	v50 =	vld [tilespmem:s17+$0x14100];
	v48 =	vpop (erf);
	(erf) = vpow2.f32 v12;
	v17 =	vmul.f32 $1.442695020e+00, v43  }
0x13c: {  	v49 =	vpop (erf);
	v14 =	vmul.f32 $1.442695020e+00, v44;
	(erf) = vpow2.f32 v6  }
0x13d: {  	v15 =	vmul.f32 $1.442695020e+00, v45;
	v6 =	vpop (erf);
	(erf) = vpow2.f32 v17  }
0x13e: {  	v51 =	vpop (erf);
	(erf) = vpow2.f32 v14  }
0x13f: {  	v52 =	vpop (erf);
	(erf) = vpow2.f32 v15  }
0x140: {  	v56 =	vshll.u32 v50, $0x3;
	v53 =	vpop (erf)  }
0x141: {  	v7 =	vadd.f32 v11, v7;
	v9 =	vadd.f32 v46, v9;
	v13 =	vand.u32 $0xFFFFFC00, v56;
	v54 =	vpop (erf)  }
0x142: {  	v8 =	vadd.f32 v47, v8;
	v59 =	vand.u32 $0x7F, v50;
	v5 =	vadd.s32 v5, v13;
	v55 =	vpop (erf)  }
0x143: {  	v10 =	vadd.f32 v48, v10;
	v7 =	vadd.f32 v49, v7;
	v5 =	vor.u32 v59, v5;
	v57 =	vpop (erf)  }
0x144: {  	v5 =	vor.u32 v0, v5;
	v6 =	vadd.f32 v6, v9;
	v8 =	vadd.f32 v51, v8;
	v58 =	vpop (erf)  }
0x145: {  	v10 =	vadd.f32 v52, v10;
	v7 =	vadd.f32 v53, v7;
	v60 =	vpop (erf)  }
0x146: {  	v6 =	vadd.f32 v54, v6;
	v8 =	vadd.f32 v55, v8;
	v61 =	vpop (erf)  }
0x147: {  	v10 =	vadd.f32 v57, v10;
	v7 =	vadd.f32 v58, v7;
	v62 =	vpop (erf)  }
0x148: {  	v6 =	vadd.f32 v60, v6;
	v8 =	vadd.f32 v61, v8;
	v63 =	vpop (erf)  }
0x149: {  	s14 =	sadd.s32 $0x1, s14;
	v5 =	vld.idx.msk [tilespmem:v5+s20+$0x0], $0xffff;
	v9 =	vadd.f32 v62, v10;
	v7 =	vadd.f32 v63, v7  }
0x14a: {  	p1 =	sne.s32 s14, $0xA  }
.Ltmp11:
0x14b: {  	v6 =	vadd.f32 v9, v6;
	v7 =	vadd.f32 v8, v7;
	(pc) =	sbr.rel @p1 .LBB2_16-.Ltmp11, $4  }
0x14c: {  	_ = 	snop  }
0x14d: {  	v6 =	vadd.f32 v7, v6  }
0x14e: {  	[tilespmem:s17+$0x14500] =	vst v5  }
0x14f: {  	[tilespmem:s17+$0x14300] =	vst v6  }
.Ltmp12:
0x150: {  	(pc) =	sbr.rel .LBB2_20-.Ltmp12, $4  }
0x151: {  	s6 =	rddreg [dreg:$0x5]  }
0x152: {  	[hbm4b:s6+s2] =	stream.linear.scatter [tilespmem:s29], [sflag:$0x6], $0xA0, $0x38;
	[tilespmem:$0x14600] =	vst v63  }
0x153: {  	s21 =	rddreg [dreg:$0x6]  }
0x154: {  	[hbm4b:s21+s2] =	stream.linear.scatter [tilespmem:s30], [sflag:$0x6], $0xA0, $0x38;
	[tilespmem:$0x14600] =	vst v63  }
.LBB2_21:
0x155: {  	_ =	sfence.sel $0x180000  }
0x156: {  	[bflag:$0x0] =	sbarrier.arrive $0xFFFF  }
0x157: {  	_ =	strace $0x90000047  }
0x158: {  	s0 =	stileid.u32;
	[bflag:$0x2] =	sbarrier.arrive $0xFFFF  }
0x159: {  	p0 =	sne.s32 s0, $0x0;
	s0 =	rddreg [dreg:$0x2]  }
0x15a: {  	s0 =	sadd.s32 @!p0 $0x100000, s0  }
0x15b: {  	[sflag:s0] =	ssyncadd.tile.s32 @!p0 $0x1;
	_ =	shalt  }
.Lfunc_end2:
_tile_overlayer_lowered:
.L_overlay_start_2:
0x15c: {  	(tag) =	ssettag $0x2  }
0x15d: {  	s0 =	rddreg [dreg:$0x0];
	s2 =	stileid.u32  }
0x15e: {  	s1 =	rddreg [dreg:$0x1];
	p0 =	sne.s32 s2, $0x0  }
0x15f: {  	s3 =	rddreg [dreg:$0x2];
	[bflag:$0x3] =	sbarrier.arrive $0xFFFF;
	s2 =	simm.s32 @!p0 $0x1C07  }
0x160: {  	[timem:s3], [sflag:s2] =	dma.local @!p0 [hbm:s0], s1  }
0x161: {  	s0 =	simm.s32 @!p0 $0x7  }
0x162: {  	_ =	swait.ge @!p0 [sflag:s0], s1  }
0x163: {  	s1 =	ssub.s32 @!p0 $0x0, s1;
	[sflag:s0] =	ssyncset.done @!p0 $0x0  }
0x164: {  	[sflag:s0] =	ssyncadd.s32 @!p0 s1  }
0x165: {  	[bflag:$0x3] =	sbarrier.arrive $0xFFFF  }
0x166: {  	_ =	shalt  }

</sc_bundles>
